<compile_context>
chip_gen: v7x
topology: tpu7x:2x2x1
jax: 0.10.2.dev20260603
libtpu: 0.0.44.dev20260713+nightly
codegen_flags: <defaults>
</compile_context>

<pallas_src>
import functools

import jax
import jax.numpy as jnp
from jax.experimental import pallas as pl
from jax.experimental.pallas import tpu as pltpu

_HIGH = jax.lax.Precision.HIGHEST
_PAR = pltpu.CompilerParams(dimension_semantics=("parallel",))

_NPOINTS = [1024, 512, 256, 128]
_RADII = [0.05, 0.1, 0.2, 0.3]
_NSAMPLE = 32


def _iota(shape, dim):
    return jax.lax.broadcasted_iota(jnp.int32, shape, dim)



def _fps_level(X, Y, Z, npoint):
    b, n = X.shape
    lane_n = _iota((b, n), 1)
    lane_p = _iota((b, npoint), 1)

    def body(i, st):
        dists, far, nx, ny, nz = st
        sel = lane_n == far
        cx = jnp.sum(jnp.where(sel, X, 0.0), axis=1, keepdims=True)
        cy = jnp.sum(jnp.where(sel, Y, 0.0), axis=1, keepdims=True)
        cz = jnp.sum(jnp.where(sel, Z, 0.0), axis=1, keepdims=True)
        m = lane_p == i
        nx = jnp.where(m, cx, nx)
        ny = jnp.where(m, cy, ny)
        nz = jnp.where(m, cz, nz)
        dx = X - cx
        dy = Y - cy
        dz = Z - cz
        d = (dx * dx + dz * dz) + dy * dy
        dists = jnp.minimum(dists, d)
        mx = jnp.max(dists, axis=1, keepdims=True)
        far = jnp.min(jnp.where(dists == mx, lane_n, n), axis=1, keepdims=True)
        return (dists, far, nx, ny, nz)

    init = (
        jnp.full((b, n), 1e10, jnp.float32),
        jnp.zeros((b, 1), jnp.int32),
        jnp.zeros((b, npoint), jnp.float32),
        jnp.zeros((b, npoint), jnp.float32),
        jnp.zeros((b, npoint), jnp.float32),
    )
    _, _, nx, ny, nz = jax.lax.fori_loop(0, npoint, body, init)
    return nx, ny, nz


def _fps_body(x_ref, y_ref, z_ref, *out_refs):
    X, Y, Z = x_ref[...], y_ref[...], z_ref[...]
    for lvl, npoint in enumerate(_NPOINTS):
        X, Y, Z = _fps_level(X, Y, Z, npoint)
        out_refs[3 * lvl][...] = X
        out_refs[3 * lvl + 1][...] = Y
        out_refs[3 * lvl + 2][...] = Z


def _run_fps(x0, y0, z0):
    b = x0.shape[0]
    outs = []
    for npoint in _NPOINTS:
        outs += [jax.ShapeDtypeStruct((b, npoint), jnp.float32)] * 3
    return pl.pallas_call(_fps_body, out_shape=outs)(x0, y0, z0)



def _prefix_sum_lanes(x):
    s, n = x.shape
    sh = 1
    while sh < n:
        pad = jnp.zeros((s, sh), x.dtype)
        x = x + jnp.concatenate([pad, x[:, : n - sh]], axis=1)
        sh *= 2
    return x


def _sa_body(src_ref, xt_ref, cen_ref, w1_ref, b1_ref, w2_ref, b2_ref,
             w3_ref, b3_ref, out_ref, *, r2, nsample):
    src = src_ref[0]
    xt = xt_ref[0]
    cen = cen_ref[0]
    n = src.shape[0]
    s = cen.shape[0]
    C = src.shape[1]

    xr, yr, zr = xt[0:1], xt[1:2], xt[2:3]
    sum_b = (xr * xr + yr * yr) + zr * zr
    ca, cb, cc = cen[:, 0:1], cen[:, 1:2], cen[:, 2:3]
    sum_a = (ca * ca + cb * cb) + cc * cc
    cross = jnp.dot(cen, xt)
    sqd = (sum_a + sum_b) - 2.0 * cross

    valid = sqd <= r2
    rank = _prefix_sum_lanes(valid.astype(jnp.int32))
    count = rank[:, n - 1:n]
    rankv = jnp.where(valid, rank, 0)
    padcen = jnp.concatenate(
        [cen, jnp.zeros((s, C - 3), jnp.float32)], axis=1)

    w1, b1 = w1_ref[...], b1_ref[...]
    w2, b2 = w2_ref[...], b2_ref[...]
    w3, b3 = w3_ref[...], b3_ref[...]

    def mlp(x):
        h = jnp.maximum(jnp.dot(x, w1) + b1, 0.0)
        h = jnp.maximum(jnp.dot(h, w2) + b2, 0.0)
        return jnp.maximum(jnp.dot(h, w3) + b3, 0.0)

    src_hi = src.astype(jnp.bfloat16)
    src_lo = (src - src_hi.astype(jnp.float32)).astype(jnp.bfloat16)

    def gather(sel_bool):
        sel = sel_bool.astype(jnp.bfloat16)
        return (jax.lax.dot(sel, src_hi, preferred_element_type=jnp.float32)
                + jax.lax.dot(sel, src_lo, preferred_element_type=jnp.float32))

    g0 = gather(rankv == 1)
    fb = jnp.where(count > 0, g0, src[0:1])
    acc0 = mlp(fb - padcen)

    def slot(k, carry):
        acc, fb = carry
        gk = gather(rankv == k + 1)
        geff = jnp.where(count > k, gk, fb)
        h = mlp(geff - padcen)
        return (jnp.maximum(acc, h), fb)

    acc, _ = jax.lax.fori_loop(1, nsample, slot, (acc0, fb))
    out_ref[0] = acc


def _run_sa(src, xt, cen, layers, r2):
    b, n, C = src.shape
    s = cen.shape[1]
    h3 = layers[2][0].shape[1]
    wb = []
    specs = [
        pl.BlockSpec((1, n, C), lambda i: (i, 0, 0)),
        pl.BlockSpec((1, 3, n), lambda i: (i, 0, 0)),
        pl.BlockSpec((1, s, 3), lambda i: (i, 0, 0)),
    ]
    for (W, bb) in layers:
        wb += [W, bb.reshape(1, -1)]
        specs += [
            pl.BlockSpec(W.shape, lambda i: (0, 0)),
            pl.BlockSpec((1, bb.shape[0]), lambda i: (0, 0)),
        ]
    body = functools.partial(_sa_body, r2=r2, nsample=_NSAMPLE)
    return pl.pallas_call(
        body,
        grid=(b,),
        in_specs=specs,
        out_specs=pl.BlockSpec((1, s, h3), lambda i: (i, 0, 0)),
        out_shape=jax.ShapeDtypeStruct((b, s, h3), jnp.float32),
        compiler_params=_PAR,
    )(src, xt, cen, *wb)



def _saidx_body(cen_ref, xt_ref, out_ref, *, r2, nsample, n):
    b = pl.program_id(0)
    cen = cen_ref[0]
    xt = xt_ref[0]
    s = cen.shape[0]
    xr, yr, zr = xt[0:1], xt[1:2], xt[2:3]
    sum_b = (xr * xr + yr * yr) + zr * zr
    ca, cb, cc = cen[:, 0:1], cen[:, 1:2], cen[:, 2:3]
    sum_a = (ca * ca + cb * cb) + cc * cc
    cross = jnp.dot(cen, xt)
    sqd = (sum_a + sum_b) - 2.0 * cross
    valid = sqd <= r2
    rank = _prefix_sum_lanes(valid.astype(jnp.int32))
    count = rank[:, n - 1:n]
    rankv = jnp.where(valid, rank, 0)
    lane = _iota((s, n), 1)
    i0 = jnp.min(jnp.where(rankv == 1, lane, n), axis=1, keepdims=True)
    i0 = jnp.where(count > 0, i0, 0)
    base = b * n
    for k in range(nsample):
        ik = jnp.min(jnp.where(rankv == k + 1, lane, n), axis=1,
                     keepdims=True)
        ik = jnp.where(count > k, ik, i0)
        out_ref[0, :, k:k + 1] = ik + base


def _run_saidx(cen, xt, r2):
    b, s, _ = cen.shape
    n = xt.shape[2]
    body = functools.partial(_saidx_body, r2=r2, nsample=_NSAMPLE, n=n)
    return pl.pallas_call(
        body,
        grid=(b,),
        in_specs=[pl.BlockSpec((1, s, 3), lambda i: (i, 0, 0)),
                  pl.BlockSpec((1, 3, n), lambda i: (i, 0, 0))],
        out_specs=pl.BlockSpec((1, s, _NSAMPLE), lambda i: (i, 0, 0)),
        out_shape=jax.ShapeDtypeStruct((b, s, _NSAMPLE), jnp.int32),
    )(cen, xt)


def _sc_gather(table, idx):
    from jax.experimental.pallas import tpu_sc as plsc
    V, D = table.shape
    M = idx.shape[0]
    info = plsc.get_sparse_core_info()
    nw = info.num_cores * info.num_subcores
    b_per_w = M // nw
    chunk = b_per_w
    while chunk * D * 4 > 200_000:
        chunk //= 2
    n_chunks = b_per_w // chunk
    mesh = plsc.VectorSubcoreMesh(core_axis_name="c", subcore_axis_name="s")

    @functools.partial(
        pl.kernel, mesh=mesh,
        out_type=jax.ShapeDtypeStruct((M, D), jnp.float32),
        scratch_types=[
            pltpu.VMEM((chunk,), jnp.int32),
            pltpu.VMEM((chunk, D), jnp.float32),
            pltpu.SemaphoreType.DMA,
        ],
        compiler_params=pltpu.CompilerParams(use_tc_tiling_on_sc=False),
    )
    def k(table_hbm, idx_hbm, out_hbm, idx_v, rows_v, sem):
        wid = jax.lax.axis_index("s") * info.num_cores + jax.lax.axis_index("c")
        base = wid * b_per_w

        def body(ci, carry):
            off = base + ci * chunk
            pltpu.sync_copy(idx_hbm.at[pl.ds(off, chunk)], idx_v)
            pltpu.async_copy(table_hbm.at[idx_v], rows_v, sem).wait()
            pltpu.sync_copy(rows_v, out_hbm.at[pl.ds(off, chunk)])
            return carry

        jax.lax.fori_loop(0, n_chunks, body, 0)

    return k(table, idx)


def _samlp_body(g_ref, cen_ref, w1_ref, b1_ref, w2_ref, b2_ref,
                w3_ref, b3_ref, out_ref, *, nsample, cfeat):
    cen = cen_ref[0]
    s = cen.shape[0]
    padcen = jnp.concatenate(
        [cen, jnp.zeros((s, cfeat - 3), jnp.float32)], axis=1)
    w1, b1 = w1_ref[...], b1_ref[...]
    w2, b2 = w2_ref[...], b2_ref[...]
    w3, b3 = w3_ref[...], b3_ref[...]

    def mlp(x):
        h = jnp.maximum(jnp.dot(x, w1) + b1, 0.0)
        h = jnp.maximum(jnp.dot(h, w2) + b2, 0.0)
        return jnp.maximum(jnp.dot(h, w3) + b3, 0.0)

    def slot(k):
        blk = g_ref[0, pl.ds(k * s, s), :]
        return mlp(blk[:, :cfeat] - padcen)

    acc0 = slot(0)

    def body(k, acc):
        return jnp.maximum(acc, slot(k))

    out_ref[0] = jax.lax.fori_loop(1, nsample, body, acc0)


def _run_samlp(g3, cen, layers, cfeat):
    b, s, _ = cen.shape
    dpad = g3.shape[2]
    h3 = layers[2][0].shape[1]
    wb = []
    specs = [
        pl.BlockSpec((1, _NSAMPLE * s, dpad), lambda i: (i, 0, 0)),
        pl.BlockSpec((1, s, 3), lambda i: (i, 0, 0)),
    ]
    for (W, bb) in layers:
        wb += [W, bb.reshape(1, -1)]
        specs += [
            pl.BlockSpec(W.shape, lambda i: (0, 0)),
            pl.BlockSpec((1, bb.shape[0]), lambda i: (0, 0)),
        ]
    body = functools.partial(_samlp_body, nsample=_NSAMPLE, cfeat=cfeat)
    return pl.pallas_call(
        body,
        grid=(b,),
        in_specs=specs,
        out_specs=pl.BlockSpec((1, s, h3), lambda i: (i, 0, 0)),
        out_shape=jax.ShapeDtypeStruct((b, s, h3), jnp.float32),
    )(g3, cen, *wb)


def _run_sa_sc(src, xt, cen, layers, r2):
    b, n, C = src.shape
    cpad = (C + 15) // 16 * 16
    idx = _run_saidx(cen, xt, r2)
    idx_t = jnp.transpose(idx, (0, 2, 1)).reshape(-1)
    table = src.reshape(b * n, C)
    if cpad != C:
        table = jnp.pad(table, ((0, 0), (0, cpad - C)))
    gath = _sc_gather(table, idx_t)
    s = cen.shape[1]
    return _run_samlp(gath.reshape(b, _NSAMPLE * s, cpad), cen, layers, C)



def _three_nn_interp(qxyz, sum_a, xtk, fk):
    s = xtk.shape[1]
    q = qxyz.shape[0]
    lane_s = _iota((q, s), 1)
    xr, yr, zr = xtk[0:1], xtk[1:2], xtk[2:3]
    sum_b = (xr * xr + yr * yr) + zr * zr
    cross = jnp.dot(qxyz, xtk)
    d = (sum_a + sum_b) - 2.0 * cross

    fk_hi = fk.astype(jnp.bfloat16)
    fk_lo = (fk - fk_hi.astype(jnp.float32)).astype(jnp.bfloat16)
    rs, gs = [], []
    for _ in range(3):
        m = jnp.min(d, axis=1, keepdims=True)
        idx = jnp.min(jnp.where(d == m, lane_s, s), axis=1, keepdims=True)
        sel = (lane_s == idx).astype(jnp.bfloat16)
        gs.append(jax.lax.dot(sel, fk_hi, preferred_element_type=jnp.float32)
                  + jax.lax.dot(sel, fk_lo,
                                preferred_element_type=jnp.float32))
        dist = jnp.sqrt(jnp.maximum(m, 1e-12))
        rs.append(1.0 / (dist + 1e-8))
        d = jnp.where(lane_s == idx, 1e30, d)
    wsum = (rs[0] + rs[1]) + rs[2]
    w = [r / wsum for r in rs]
    return (gs[0] * w[0] + gs[1] * w[1]) + gs[2] * w[2]


def _head_body(xyz_ref, f1_ref,
               xt2_ref, f2_ref, wf0_ref, bf0_ref,
               xt3_ref, f3_ref, wf1_ref, bf1_ref,
               xt4_ref, f4_ref, wf2_ref, bf2_ref,
               wa1_ref, ba1_ref, wa2_ref, ba2_ref,
               wb1_ref, bb1_ref, wb2_ref, bb2_ref,
               wp1_ref, bp1_ref, wp2_ref, bp2_ref,
               out_ref, rf_ref):
    xyz = xyz_ref[0]
    f1 = f1_ref[0]
    q = xyz.shape[0]
    ax, ay, az = xyz[:, 0:1], xyz[:, 1:2], xyz[:, 2:3]
    sum_a = (ax * ax + ay * ay) + az * az

    ups = []
    for xtr, fr, wr, br in ((xt2_ref, f2_ref, wf0_ref, bf0_ref),
                            (xt3_ref, f3_ref, wf1_ref, bf1_ref),
                            (xt4_ref, f4_ref, wf2_ref, bf2_ref)):
        interp = _three_nn_interp(xyz, sum_a, xtr[0], fr[0])
        ups.append(jnp.maximum(jnp.dot(interp, wr[...]) + br[...], 0.0))

    fused = jnp.concatenate([xyz, f1] + ups, axis=1)

    fc_outs = []
    for w1r, b1r, w2r, b2r in ((wa1_ref, ba1_ref, wa2_ref, ba2_ref),
                               (wb1_ref, bb1_ref, wb2_ref, bb2_ref)):
        h = jnp.maximum(jnp.dot(fused, w1r[...]) + b1r[...], 0.0)
        fc_outs.append(jnp.maximum(jnp.dot(h, w2r[...]) + b2r[...], 0.0))
    rf = jnp.concatenate(fc_outs, axis=0)

    h = jnp.maximum(jnp.dot(rf, wp1_ref[...]) + bp1_ref[...], 0.0)
    out = jnp.dot(h, wp2_ref[...]) + bp2_ref[...]
    out_ref[0] = out
    rf_ref[0] = rf


def _run_head(xyz, f1, fp_ins, fc_layers, pcd_layers):
    b, q, _ = xyz.shape
    args = [xyz, f1]
    specs = [
        pl.BlockSpec((1, q, 3), lambda i: (i, 0, 0)),
        pl.BlockSpec((1, q, f1.shape[2]), lambda i: (i, 0, 0)),
    ]
    for xtk, fk, (W, bb) in fp_ins:
        s = xtk.shape[2]
        c = fk.shape[2]
        args += [xtk, fk, W, bb.reshape(1, -1)]
        specs += [
            pl.BlockSpec((1, 3, s), lambda i: (i, 0, 0)),
            pl.BlockSpec((1, s, c), lambda i: (i, 0, 0)),
            pl.BlockSpec(W.shape, lambda i: (0, 0)),
            pl.BlockSpec((1, bb.shape[0]), lambda i: (0, 0)),
        ]
    for layers in fc_layers + [pcd_layers]:
        for (W, bb) in layers:
            args += [W, bb.reshape(1, -1)]
            specs += [
                pl.BlockSpec(W.shape, lambda i: (0, 0)),
                pl.BlockSpec((1, bb.shape[0]), lambda i: (0, 0)),
            ]
    out_dim = pcd_layers[-1][0].shape[1]
    rf_dim = fc_layers[0][-1][0].shape[1]
    return pl.pallas_call(
        _head_body,
        grid=(b,),
        in_specs=specs,
        out_specs=[
            pl.BlockSpec((1, 2 * q, out_dim), lambda i: (i, 0, 0)),
            pl.BlockSpec((1, 2 * q, rf_dim), lambda i: (i, 0, 0)),
        ],
        out_shape=[
            jax.ShapeDtypeStruct((b, 2 * q, out_dim), jnp.float32),
            jax.ShapeDtypeStruct((b, 2 * q, rf_dim), jnp.float32),
        ],
        compiler_params=_PAR,
    )(*args)



def kernel(points, params):
    xyz = points[..., :3]
    feats0 = points[..., 3:]

    fps = _run_fps(xyz[..., 0], xyz[..., 1], xyz[..., 2])
    lvl_xyz = []
    lvl_xt = []
    for k in range(4):
        nx, ny, nz = fps[3 * k], fps[3 * k + 1], fps[3 * k + 2]
        lvl_xyz.append(jnp.stack([nx, ny, nz], axis=-1))
        lvl_xt.append(jnp.stack([nx, ny, nz], axis=1))

    src_xyz = xyz
    src_xt = jnp.transpose(xyz, (0, 2, 1))
    feats = feats0
    lvl_feats = []
    for k in range(4):
        src = jnp.concatenate([src_xyz, feats], axis=-1)
        r2 = float(_RADII[k]) * float(_RADII[k])
        run = _run_sa_sc if k == 1 else _run_sa
        feats = run(src, src_xt, lvl_xyz[k], params['sa'][k], r2)
        lvl_feats.append(feats)
        src_xyz = lvl_xyz[k]
        src_xt = lvl_xt[k]

    fp_ins = [
        (lvl_xt[1], lvl_feats[1], params['fp'][0][0]),
        (lvl_xt[2], lvl_feats[2], params['fp'][1][0]),
        (lvl_xt[3], lvl_feats[3], params['fp'][2][0]),
    ]
    out, rf = _run_head(xyz, lvl_feats[0], fp_ins,
                        params['fc'], params['pcd'])
    return out, rf

# --- scband reference (transcript-rebuilt; emitter-appended) ---
"""Pipeline reference for scband-punet-17222818857096 (READ-ONLY COPY).

The authoritative reference and input builder live on the scoring server;
editing this copy changes nothing except your own understanding.
"""

import jax, jax.numpy as jnp
import numpy as np

NPOINTS = [1024, 512, 256, 128]
RADII = [0.05, 0.1, 0.2, 0.3]
NSAMPLE = 32
SA_DIMS = [[7, 16, 16, 32], [35, 32, 32, 64], [67, 64, 64, 128], [131, 128, 128, 256]]
FP_DIMS = [[64, 32], [128, 32], [256, 32]]
FC_DIMS = [131, 32, 4]
PCD_DIMS = [4, 64, 7]
B, N = 16, 1024


def _make_mlp(key, dims):
    layers = []
    for i in range(len(dims) - 1):
        key, k1, k2 = jax.random.split(key, 3)
        W = jax.random.normal(k1, (dims[i], dims[i + 1]), dtype=jnp.float32) / np.sqrt(dims[i])
        bb = jax.random.normal(k2, (dims[i + 1],), dtype=jnp.float32) * 0.01
        layers.append((W, bb))
    return key, layers


def setup_inputs(seed: int = 0):
    key = jax.random.key(seed)
    key, kp = jax.random.split(key)
    points = jax.random.uniform(kp, (B, N, 7), dtype=jnp.float32)
    params = {'sa': [], 'fp': [], 'fc': [], 'pcd': None}
    for dims in SA_DIMS:
        key, layers = _make_mlp(key, dims)
        params['sa'].append(layers)
    for dims in FP_DIMS:
        key, layers = _make_mlp(key, dims)
        params['fp'].append(layers)
    for _ in range(2):
        key, layers = _make_mlp(key, FC_DIMS)
        params['fc'].append(layers)
    key, layers = _make_mlp(key, PCD_DIMS)
    params['pcd'] = layers
    return {'points': points, 'params': params}


def _sqdist(a, b):
    return jnp.sum(a * a, -1)[:, :, None] + jnp.sum(b * b, -1)[:, None, :] - 2.0 * jnp.einsum('bmd,bnd->bmn', a, b)


def _fps(xyz, npoint):
    # furthest point sampling; torch CUDA op returns indices (non-differentiable)
    xyz = jax.lax.stop_gradient(xyz)
    b, n, _ = xyz.shape

    def body(i, state):
        dists, far, idxs = state
        idxs = idxs.at[:, i].set(far)
        centroid = jnp.take_along_axis(xyz, far[:, None, None], axis=1)
        d = jnp.sum((xyz - centroid) ** 2, -1)
        dists = jnp.minimum(dists, d)
        far = jnp.argmax(dists, -1).astype(jnp.int32)
        return (dists, far, idxs)

    state = (jnp.full((b, n), 1e10, dtype=jnp.float32), jnp.zeros((b,), dtype=jnp.int32), jnp.zeros((b, npoint), dtype=jnp.int32))
    _, _, idxs = jax.lax.fori_loop(0, npoint, body, state)
    return idxs


def _ball_query(radius, nsample, xyz, new_xyz):
    xyz = jax.lax.stop_gradient(xyz)
    new_xyz = jax.lax.stop_gradient(new_xyz)
    b, s, _ = new_xyz.shape
    n = xyz.shape[1]
    sqd = _sqdist(new_xyz, xyz)
    idx = jnp.broadcast_to(jnp.arange(n, dtype=jnp.int32), (b, s, n))
    idx = jnp.where(sqd > radius * radius, n, idx)
    idx = jnp.sort(idx, axis=-1)[:, :, :nsample]
    first = jnp.broadcast_to(idx[:, :, :1], idx.shape)
    idx = jnp.where(idx == n, first, idx)
    idx = jnp.where(idx == n, 0, idx)
    return idx


def _gather(feats, idx):
    b, s, ns = idx.shape
    c = feats.shape[-1]
    out = jnp.take_along_axis(feats, idx.reshape(b, s * ns, 1), axis=1)
    return out.reshape(b, s, ns, c)


def _mlp(x, layers, last_act=True):
    nl = len(layers)
    for i, (W, bb) in enumerate(layers):
        x = x @ W + bb
        if last_act or i < nl - 1:
            x = jax.nn.relu(x)
    return x


def _sa(xyz, feats, npoint, radius, layers):
    fidx = _fps(xyz, npoint)
    new_xyz = jnp.take_along_axis(xyz, fidx[:, :, None], axis=1)
    gidx = _ball_query(radius, NSAMPLE, xyz, new_xyz)
    grouped_xyz = _gather(xyz, gidx) - new_xyz[:, :, None, :]
    grouped = jnp.concatenate([grouped_xyz, _gather(feats, gidx)], axis=-1)
    out = _mlp(grouped, layers)
    return new_xyz, jnp.max(out, axis=2)


def _fp(unknown, known, known_feats, layers):
    # three_nn (non-differentiable dist) + three_interpolate + SharedMLP
    sqd = _sqdist(jax.lax.stop_gradient(unknown), jax.lax.stop_gradient(known))
    negd, idx = jax.lax.top_k(-sqd, 3)
    dist = jnp.sqrt(jnp.maximum(-negd, 1e-12))
    recip = 1.0 / (dist + 1e-8)
    w = recip / jnp.sum(recip, axis=-1, keepdims=True)
    b, n, _ = idx.shape
    c = known_feats.shape[-1]
    g = jnp.take_along_axis(known_feats, idx.reshape(b, n * 3, 1), axis=1).reshape(b, n, 3, c)
    interp = jnp.sum(g * w[..., None], axis=2)
    return _mlp(interp, layers)


def reference(points, params):
    xyz = points[..., :3]
    feats = points[..., 3:]
    l_xyz = [xyz]
    l_feats = [feats]
    for k in range(4):
        nx, nf = _sa(l_xyz[k], l_feats[k], NPOINTS[k], RADII[k], params['sa'][k])
        l_xyz.append(nx)
        l_feats.append(nf)
    up = [_fp(xyz, l_xyz[k + 2], l_feats[k + 2], params['fp'][k]) for k in range(3)]
    fused = jnp.concatenate([xyz, l_feats[1]] + up, axis=-1)
    r_feats = jnp.concatenate([_mlp(fused, params['fc'][k]) for k in range(2)], axis=1)
    out = _mlp(r_feats, params['pcd'], last_act=False)
    return out, r_feats

if __name__ == "__main__":
    import jax
    _d = setup_inputs()
    print(jax.jit(kernel)(*tuple(_d.values())))

</pallas_src>

<mosaic_0001>
#map = affine_map<(d0, d1) -> (0, 0)>
#map1 = affine_map<(d0, d1) -> (0)>
module attributes {stable_mosaic.version = 14 : i64} {
  func.func @k(%arg0: i32, %arg1: i32, %arg2: memref<16384x48xf32, #tpu.memory_space<hbm>>, %arg3: memref<262144xi32, #tpu.memory_space<hbm>>, %arg4: memref<262144x48xf32, #tpu.memory_space<hbm>>, %arg5: memref<1024xi32, #tpu.memory_space<vmem>>, %arg6: memref<1024x48xf32, #tpu.memory_space<vmem>>, %arg7: memref<!tpu.dma_semaphore, #tpu.memory_space<semaphore_mem>>) attributes {dimension_semantics = [#tpu.dimension_semantics<core_parallel>, #tpu.dimension_semantics<subcore_parallel>], iteration_bounds = array<i64: 2, 16>, scalar_prefetch = 0 : i64, scratch_operands = 3 : i64, tpu.core_type = #tpu.core_type<sc_vector_subcore>, window_params = [{transform_indices = #map}, {transform_indices = #map1}, {transform_indices = #map}]} {
    %mul3A = arith.constant 2 : i32
    %mul3A_0 = arith.muli %arg1, %mul3A : i32
    %add3A = arith.addi %mul3A_0, %arg0 : i32
    %mul3A_1 = arith.constant 8192 : i32
    %mul3A_2 = arith.muli %add3A, %mul3A_1 : i32
    %scan3A = arith.constant 0 : i32
    %scan3A_3 = arith.constant 0 : i32
    %scan3A_4 = arith.constant 8 : i32
    %scan3A_5 = arith.addi %scan3A_3, %scan3A_4 : i32
    %scan3A_6 = arith.constant 1 : i32
    scf.for %scan3A_8 = %scan3A_3 to %scan3A_5 step %scan3A_6  : i32 {
      %mul3A_9 = arith.constant 1024 : i32
      %mul3A_10 = arith.muli %scan3A_8, %mul3A_9 : i32
      %add3A_11 = arith.addi %mul3A_2, %mul3A_10 : i32
      "tpu.region"() ({
        %run_scoped3A = tpu.sem_alloc : memref<!tpu.dma_semaphore, #tpu.memory_space<semaphore_mem>>
        %dma_start3A_16 = tpu.memref_slice %arg3[%add3A_11] : memref<262144xi32, #tpu.memory_space<hbm>> -> memref<1024xi32, #tpu.memory_space<hbm>>
        %dma_start3A_17 = tpu.memref_slice %arg3[%add3A_11] : memref<262144xi32, #tpu.memory_space<hbm>> -> memref<1024xi32, #tpu.memory_space<hbm>>
        tpu.enqueue_dma source(%dma_start3A_17 : memref<1024xi32, #tpu.memory_space<hbm>>) target(%arg5 : memref<1024xi32, #tpu.memory_space<vmem>>) target_semaphore(%run_scoped3A : memref<!tpu.dma_semaphore, #tpu.memory_space<semaphore_mem>>)
        %dma_wait3A_18 = tpu.memref_slice %arg3[%add3A_11] : memref<262144xi32, #tpu.memory_space<hbm>> -> memref<1024xi32, #tpu.memory_space<hbm>>
        %dma_wait3A_19 = tpu.memref_slice %arg3[%add3A_11] : memref<262144xi32, #tpu.memory_space<hbm>> -> memref<1024xi32, #tpu.memory_space<hbm>>
        tpu.wait_dma2 semaphore(%run_scoped3A : memref<!tpu.dma_semaphore, #tpu.memory_space<semaphore_mem>>) src(%dma_wait3A_19 : memref<1024xi32, #tpu.memory_space<hbm>>) dst(%arg5 : memref<1024xi32, #tpu.memory_space<vmem>>)
        tpu.yield
      }) : () -> ()
      %dma_start3A = arith.constant 0 : i32
      %dma_start3A_12 = arith.constant 0 : i32
      %dma_start3A_13 = tpu.memref_slice %arg2[%dma_start3A, %dma_start3A_12] : memref<16384x48xf32, #tpu.memory_space<hbm>> -> memref<16384x48xf32, #tpu.memory_space<hbm>>
      tpu.enqueue_indirect_dma source(%dma_start3A_13 : memref<16384x48xf32, #tpu.memory_space<hbm>>) target(%arg6 : memref<1024x48xf32, #tpu.memory_space<vmem>>) offsets(%arg5 : memref<1024xi32, #tpu.memory_space<vmem>>) semaphore(%arg7 : memref<!tpu.dma_semaphore, #tpu.memory_space<semaphore_mem>>)
      %dma_wait3A = arith.constant 0 : i32
      %dma_wait3A_14 = arith.constant 0 : i32
      %dma_wait3A_15 = tpu.memref_slice %arg2[%dma_wait3A, %dma_wait3A_14] : memref<16384x48xf32, #tpu.memory_space<hbm>> -> memref<16384x48xf32, #tpu.memory_space<hbm>>
      tpu.wait_indirect_dma semaphore(%arg7 : memref<!tpu.dma_semaphore, #tpu.memory_space<semaphore_mem>>) src(%dma_wait3A_15 : memref<16384x48xf32, #tpu.memory_space<hbm>>) dst(%arg6 : memref<1024x48xf32, #tpu.memory_space<vmem>>)
      "tpu.region"() ({
        %run_scoped3A = tpu.sem_alloc : memref<!tpu.dma_semaphore, #tpu.memory_space<semaphore_mem>>
        %dma_start3A_16 = arith.constant 0 : i32
        %dma_start3A_17 = tpu.memref_slice %arg4[%add3A_11, %dma_start3A_16] : memref<262144x48xf32, #tpu.memory_space<hbm>> -> memref<1024x48xf32, #tpu.memory_space<hbm>>
        %dma_start3A_18 = arith.constant 0 : i32
        %dma_start3A_19 = tpu.memref_slice %arg4[%add3A_11, %dma_start3A_18] : memref<262144x48xf32, #tpu.memory_space<hbm>> -> memref<1024x48xf32, #tpu.memory_space<hbm>>
        tpu.enqueue_dma source(%arg6 : memref<1024x48xf32, #tpu.memory_space<vmem>>) target(%dma_start3A_19 : memref<1024x48xf32, #tpu.memory_space<hbm>>) target_semaphore(%run_scoped3A : memref<!tpu.dma_semaphore, #tpu.memory_space<semaphore_mem>>)
        %dma_wait3A_20 = arith.constant 0 : i32
        %dma_wait3A_21 = tpu.memref_slice %arg4[%add3A_11, %dma_wait3A_20] : memref<262144x48xf32, #tpu.memory_space<hbm>> -> memref<1024x48xf32, #tpu.memory_space<hbm>>
        %dma_wait3A_22 = arith.constant 0 : i32
        %dma_wait3A_23 = tpu.memref_slice %arg4[%add3A_11, %dma_wait3A_22] : memref<262144x48xf32, #tpu.memory_space<hbm>> -> memref<1024x48xf32, #tpu.memory_space<hbm>>
        tpu.wait_dma2 semaphore(%run_scoped3A : memref<!tpu.dma_semaphore, #tpu.memory_space<semaphore_mem>>) src(%arg6 : memref<1024x48xf32, #tpu.memory_space<vmem>>) dst(%dma_wait3A_23 : memref<1024x48xf32, #tpu.memory_space<hbm>>)
        tpu.yield
      }) : () -> ()
    }
    %scan3A_7 = arith.constant 8 : i32
    return
  }
}

module attributes {stable_mosaic.version = 14 : i64} {
  func.func @_fps_body(%arg0: memref<16x1024xf32, #tpu.memory_space<vmem>>, %arg1: memref<16x1024xf32, #tpu.memory_space<vmem>>, %arg2: memref<16x1024xf32, #tpu.memory_space<vmem>>, %arg3: memref<16x1024xf32, #tpu.memory_space<vmem>>, %arg4: memref<16x1024xf32, #tpu.memory_space<vmem>>, %arg5: memref<16x1024xf32, #tpu.memory_space<vmem>>, %arg6: memref<16x512xf32, #tpu.memory_space<vmem>>, %arg7: memref<16x512xf32, #tpu.memory_space<vmem>>, %arg8: memref<16x512xf32, #tpu.memory_space<vmem>>, %arg9: memref<16x256xf32, #tpu.memory_space<vmem>>, %arg10: memref<16x256xf32, #tpu.memory_space<vmem>>, %arg11: memref<16x256xf32, #tpu.memory_space<vmem>>, %arg12: memref<16x128xf32, #tpu.memory_space<vmem>>, %arg13: memref<16x128xf32, #tpu.memory_space<vmem>>, %arg14: memref<16x128xf32, #tpu.memory_space<vmem>>) attributes {dimension_semantics = [], scalar_prefetch = 0 : i64, scratch_operands = 0 : i64, tpu.core_type = #tpu.core_type<tc>} {
    %get3A = arith.constant 0 : index
    %get3A_0 = arith.constant 0 : index
    %get3A_1 = vector.load %arg0[%get3A, %get3A_0] : memref<16x1024xf32, #tpu.memory_space<vmem>>, vector<16x1024xf32>
    %get3A_2 = arith.constant 0 : index
    %get3A_3 = arith.constant 0 : index
    %get3A_4 = vector.load %arg1[%get3A_2, %get3A_3] : memref<16x1024xf32, #tpu.memory_space<vmem>>, vector<16x1024xf32>
    %get3A_5 = arith.constant 0 : index
    %get3A_6 = arith.constant 0 : index
    %get3A_7 = vector.load %arg2[%get3A_5, %get3A_6] : memref<16x1024xf32, #tpu.memory_space<vmem>>, vector<16x1024xf32>
    %iota3A = tpu.iota {dimensions = array<i32: 1>} : vector<16x1024xi32>
    %iota3A_8 = tpu.iota {dimensions = array<i32: 1>} : vector<16x1024xi32>
    %broadcast_in_dim3A = arith.constant 1.000000e+10 : f32
    %broadcast_in_dim3A_9 = vector.broadcast %broadcast_in_dim3A : f32 to vector<16x1024xf32>
    %broadcast_in_dim3A_10 = arith.constant 0 : i32
    %broadcast_in_dim3A_11 = vector.broadcast %broadcast_in_dim3A_10 : i32 to vector<16x1xi32>
    %broadcast_in_dim3A_12 = arith.constant 0.000000e+00 : f32
    %broadcast_in_dim3A_13 = vector.broadcast %broadcast_in_dim3A_12 : f32 to vector<16x1024xf32>
    %broadcast_in_dim3A_14 = arith.constant 0.000000e+00 : f32
    %broadcast_in_dim3A_15 = vector.broadcast %broadcast_in_dim3A_14 : f32 to vector<16x1024xf32>
    %broadcast_in_dim3A_16 = arith.constant 0.000000e+00 : f32
    %broadcast_in_dim3A_17 = vector.broadcast %broadcast_in_dim3A_16 : f32 to vector<16x1024xf32>
    %scan3A = arith.constant 0 : i32
    %scan3A_18 = arith.constant 1024 : i32
    %scan3A_19 = arith.addi %scan3A, %scan3A_18 : i32
    %scan3A_20 = arith.constant 1 : i32
    %scan3A_21:5 = scf.for %scan3A_112 = %scan3A to %scan3A_19 step %scan3A_20 iter_args(%scan3A_113 = %broadcast_in_dim3A_9, %scan3A_114 = %broadcast_in_dim3A_11, %scan3A_115 = %broadcast_in_dim3A_13, %scan3A_116 = %broadcast_in_dim3A_15, %scan3A_117 = %broadcast_in_dim3A_17) -> (vector<16x1024xf32>, vector<16x1xi32>, vector<16x1024xf32>, vector<16x1024xf32>, vector<16x1024xf32>)  : i32 {
      %eq3A = vector.broadcast %scan3A_114 : vector<16x1xi32> to vector<16x1024xi32>
      %eq3A_118 = arith.cmpi eq, %iota3A, %eq3A : vector<16x1024xi32>
      %jit3A = arith.constant 0.000000e+00 : f32
      %broadcast_in_dim3A_119 = vector.broadcast %jit3A : f32 to vector<16x1024xf32>
      %select_n3A = arith.select %eq3A_118, %get3A_1, %broadcast_in_dim3A_119 : vector<16x1024xi1>, vector<16x1024xf32>
      %reduce_sum3A = arith.constant dense<0.000000e+00> : vector<16xf32>
      %reduce_sum3A_120 = vector.multi_reduction <add>, %select_n3A, %reduce_sum3A [1] : vector<16x1024xf32> to vector<16xf32>
      %broadcast_in_dim3A_121 = vector.shape_cast %reduce_sum3A_120 : vector<16xf32> to vector<16x1xf32>
      %jit3A_122 = arith.constant 0.000000e+00 : f32
      %broadcast_in_dim3A_123 = vector.broadcast %jit3A_122 : f32 to vector<16x1024xf32>
      %select_n3A_124 = arith.select %eq3A_118, %get3A_4, %broadcast_in_dim3A_123 : vector<16x1024xi1>, vector<16x1024xf32>
      %reduce_sum3A_125 = arith.constant dense<0.000000e+00> : vector<16xf32>
      %reduce_sum3A_126 = vector.multi_reduction <add>, %select_n3A_124, %reduce_sum3A_125 [1] : vector<16x1024xf32> to vector<16xf32>
      %broadcast_in_dim3A_127 = vector.shape_cast %reduce_sum3A_126 : vector<16xf32> to vector<16x1xf32>
      %jit3A_128 = arith.constant 0.000000e+00 : f32
      %broadcast_in_dim3A_129 = vector.broadcast %jit3A_128 : f32 to vector<16x1024xf32>
      %select_n3A_130 = arith.select %eq3A_118, %get3A_7, %broadcast_in_dim3A_129 : vector<16x1024xi1>, vector<16x1024xf32>
      %reduce_sum3A_131 = arith.constant dense<0.000000e+00> : vector<16xf32>
      %reduce_sum3A_132 = vector.multi_reduction <add>, %select_n3A_130, %reduce_sum3A_131 [1] : vector<16x1024xf32> to vector<16xf32>
      %broadcast_in_dim3A_133 = vector.shape_cast %reduce_sum3A_132 : vector<16xf32> to vector<16x1xf32>
      %eq3A_134 = vector.broadcast %scan3A_112 : i32 to vector<16x1024xi32>
      %eq3A_135 = arith.cmpi eq, %iota3A_8, %eq3A_134 : vector<16x1024xi32>
      %broadcast_in_dim3A_136 = vector.shape_cast %broadcast_in_dim3A_121 : vector<16x1xf32> to vector<16x1xf32>
      %broadcast_in_dim3A_137 = vector.broadcast %broadcast_in_dim3A_136 : vector<16x1xf32> to vector<16x1024xf32>
      %select_n3A_138 = arith.select %eq3A_135, %broadcast_in_dim3A_137, %scan3A_115 : vector<16x1024xi1>, vector<16x1024xf32>
      %broadcast_in_dim3A_139 = vector.shape_cast %broadcast_in_dim3A_127 : vector<16x1xf32> to vector<16x1xf32>
      %broadcast_in_dim3A_140 = vector.broadcast %broadcast_in_dim3A_139 : vector<16x1xf32> to vector<16x1024xf32>
      %select_n3A_141 = arith.select %eq3A_135, %broadcast_in_dim3A_140, %scan3A_116 : vector<16x1024xi1>, vector<16x1024xf32>
      %broadcast_in_dim3A_142 = vector.shape_cast %broadcast_in_dim3A_133 : vector<16x1xf32> to vector<16x1xf32>
      %broadcast_in_dim3A_143 = vector.broadcast %broadcast_in_dim3A_142 : vector<16x1xf32> to vector<16x1024xf32>
      %select_n3A_144 = arith.select %eq3A_135, %broadcast_in_dim3A_143, %scan3A_117 : vector<16x1024xi1>, vector<16x1024xf32>
      %sub3A = vector.broadcast %broadcast_in_dim3A_121 : vector<16x1xf32> to vector<16x1024xf32>
      %sub3A_145 = arith.subf %get3A_1, %sub3A : vector<16x1024xf32>
      %sub3A_146 = vector.broadcast %broadcast_in_dim3A_127 : vector<16x1xf32> to vector<16x1024xf32>
      %sub3A_147 = arith.subf %get3A_4, %sub3A_146 : vector<16x1024xf32>
      %sub3A_148 = vector.broadcast %broadcast_in_dim3A_133 : vector<16x1xf32> to vector<16x1024xf32>
      %sub3A_149 = arith.subf %get3A_7, %sub3A_148 : vector<16x1024xf32>
      %mul3A = arith.mulf %sub3A_145, %sub3A_145 : vector<16x1024xf32>
      %mul3A_150 = arith.mulf %sub3A_149, %sub3A_149 : vector<16x1024xf32>
      %add3A = arith.addf %mul3A, %mul3A_150 : vector<16x1024xf32>
      %mul3A_151 = arith.mulf %sub3A_147, %sub3A_147 : vector<16x1024xf32>
      %add3A_152 = arith.addf %add3A, %mul3A_151 : vector<16x1024xf32>
      %min3A = arith.minimumf %scan3A_113, %add3A_152 : vector<16x1024xf32>
      %reduce_max3A = arith.constant dense<0xFF800000> : vector<16xf32>
      %reduce_max3A_153 = vector.multi_reduction <maximumf>, %min3A, %reduce_max3A [1] : vector<16x1024xf32> to vector<16xf32>
      %broadcast_in_dim3A_154 = vector.shape_cast %reduce_max3A_153 : vector<16xf32> to vector<16x1xf32>
      %eq3A_155 = vector.broadcast %broadcast_in_dim3A_154 : vector<16x1xf32> to vector<16x1024xf32>
      %eq3A_156 = arith.cmpf oeq, %min3A, %eq3A_155 : vector<16x1024xf32>
      %jit3A_157 = arith.constant 1024 : i32
      %broadcast_in_dim3A_158 = vector.broadcast %jit3A_157 : i32 to vector<16x1024xi32>
      %select_n3A_159 = arith.select %eq3A_156, %iota3A, %broadcast_in_dim3A_158 : vector<16x1024xi1>, vector<16x1024xi32>
      %reduce_min3A = arith.constant dense<2147483647> : vector<16xi32>
      %reduce_min3A_160 = vector.multi_reduction <minsi>, %select_n3A_159, %reduce_min3A [1] : vector<16x1024xi32> to vector<16xi32>
      %broadcast_in_dim3A_161 = vector.shape_cast %reduce_min3A_160 : vector<16xi32> to vector<16x1xi32>
      scf.yield %min3A, %broadcast_in_dim3A_161, %select_n3A_138, %select_n3A_141, %select_n3A_144 : vector<16x1024xf32>, vector<16x1xi32>, vector<16x1024xf32>, vector<16x1024xf32>, vector<16x1024xf32>
    }
    %scan3A_22 = arith.constant 1024 : i32
    %swap3A = arith.constant 0 : index
    %swap3A_23 = arith.constant 0 : index
    %swap3A_24 = vector.load %arg3[%swap3A, %swap3A_23] : memref<16x1024xf32, #tpu.memory_space<vmem>>, vector<16x1024xf32>
    tpu.vector_store %arg3[%swap3A, %swap3A_23], %scan3A_21#2 {strides = array<i32>} : memref<16x1024xf32, #tpu.memory_space<vmem>>, vector<16x1024xf32>,
    %swap3A_25 = arith.constant 0 : index
    %swap3A_26 = arith.constant 0 : index
    %swap3A_27 = vector.load %arg4[%swap3A_25, %swap3A_26] : memref<16x1024xf32, #tpu.memory_space<vmem>>, vector<16x1024xf32>
    tpu.vector_store %arg4[%swap3A_25, %swap3A_26], %scan3A_21#3 {strides = array<i32>} : memref<16x1024xf32, #tpu.memory_space<vmem>>, vector<16x1024xf32>,
    %swap3A_28 = arith.constant 0 : index
    %swap3A_29 = arith.constant 0 : index
    %swap3A_30 = vector.load %arg5[%swap3A_28, %swap3A_29] : memref<16x1024xf32, #tpu.memory_space<vmem>>, vector<16x1024xf32>
    tpu.vector_store %arg5[%swap3A_28, %swap3A_29], %scan3A_21#4 {strides = array<i32>} : memref<16x1024xf32, #tpu.memory_space<vmem>>, vector<16x1024xf32>,
    %iota3A_31 = tpu.iota {dimensions = array<i32: 1>} : vector<16x1024xi32>
    %iota3A_32 = tpu.iota {dimensions = array<i32: 1>} : vector<16x512xi32>
    %broadcast_in_dim3A_33 = arith.constant 1.000000e+10 : f32
    %broadcast_in_dim3A_34 = vector.broadcast %broadcast_in_dim3A_33 : f32 to vector<16x1024xf32>
    %broadcast_in_dim3A_35 = arith.constant 0 : i32
    %broadcast_in_dim3A_36 = vector.broadcast %broadcast_in_dim3A_35 : i32 to vector<16x1xi32>
    %broadcast_in_dim3A_37 = arith.constant 0.000000e+00 : f32
    %broadcast_in_dim3A_38 = vector.broadcast %broadcast_in_dim3A_37 : f32 to vector<16x512xf32>
    %broadcast_in_dim3A_39 = arith.constant 0.000000e+00 : f32
    %broadcast_in_dim3A_40 = vector.broadcast %broadcast_in_dim3A_39 : f32 to vector<16x512xf32>
    %broadcast_in_dim3A_41 = arith.constant 0.000000e+00 : f32
    %broadcast_in_dim3A_42 = vector.broadcast %broadcast_in_dim3A_41 : f32 to vector<16x512xf32>
    %scan3A_43 = arith.constant 0 : i32
    %scan3A_44 = arith.constant 512 : i32
    %scan3A_45 = arith.addi %scan3A_43, %scan3A_44 : i32
    %scan3A_46 = arith.constant 1 : i32
    %scan3A_47:5 = scf.for %scan3A_112 = %scan3A_43 to %scan3A_45 step %scan3A_46 iter_args(%scan3A_113 = %broadcast_in_dim3A_34, %scan3A_114 = %broadcast_in_dim3A_36, %scan3A_115 = %broadcast_in_dim3A_38, %scan3A_116 = %broadcast_in_dim3A_40, %scan3A_117 = %broadcast_in_dim3A_42) -> (vector<16x1024xf32>, vector<16x1xi32>, vector<16x512xf32>, vector<16x512xf32>, vector<16x512xf32>)  : i32 {
      %eq3A = vector.broadcast %scan3A_114 : vector<16x1xi32> to vector<16x1024xi32>
      %eq3A_118 = arith.cmpi eq, %iota3A_31, %eq3A : vector<16x1024xi32>
      %jit3A = arith.constant 0.000000e+00 : f32
      %broadcast_in_dim3A_119 = vector.broadcast %jit3A : f32 to vector<16x1024xf32>
      %select_n3A = arith.select %eq3A_118, %scan3A_21#2, %broadcast_in_dim3A_119 : vector<16x1024xi1>, vector<16x1024xf32>
      %reduce_sum3A = arith.constant dense<0.000000e+00> : vector<16xf32>
      %reduce_sum3A_120 = vector.multi_reduction <add>, %select_n3A, %reduce_sum3A [1] : vector<16x1024xf32> to vector<16xf32>
      %broadcast_in_dim3A_121 = vector.shape_cast %reduce_sum3A_120 : vector<16xf32> to vector<16x1xf32>
      %jit3A_122 = arith.constant 0.000000e+00 : f32
      %broadcast_in_dim3A_123 = vector.broadcast %jit3A_122 : f32 to vector<16x1024xf32>
      %select_n3A_124 = arith.select %eq3A_118, %scan3A_21#3, %broadcast_in_dim3A_123 : vector<16x1024xi1>, vector<16x1024xf32>
      %reduce_sum3A_125 = arith.constant dense<0.000000e+00> : vector<16xf32>
      %reduce_sum3A_126 = vector.multi_reduction <add>, %select_n3A_124, %reduce_sum3A_125 [1] : vector<16x1024xf32> to vector<16xf32>
      %broadcast_in_dim3A_127 = vector.shape_cast %reduce_sum3A_126 : vector<16xf32> to vector<16x1xf32>
      %jit3A_128 = arith.constant 0.000000e+00 : f32
      %broadcast_in_dim3A_129 = vector.broadcast %jit3A_128 : f32 to vector<16x1024xf32>
      %select_n3A_130 = arith.select %eq3A_118, %scan3A_21#4, %broadcast_in_dim3A_129 : vector<16x1024xi1>, vector<16x1024xf32>
      %reduce_sum3A_131 = arith.constant dense<0.000000e+00> : vector<16xf32>
      %reduce_sum3A_132 = vector.multi_reduction <add>, %select_n3A_130, %reduce_sum3A_131 [1] : vector<16x1024xf32> to vector<16xf32>
      %broadcast_in_dim3A_133 = vector.shape_cast %reduce_sum3A_132 : vector<16xf32> to vector<16x1xf32>
      %eq3A_134 = vector.broadcast %scan3A_112 : i32 to vector<16x512xi32>
      %eq3A_135 = arith.cmpi eq, %iota3A_32, %eq3A_134 : vector<16x512xi32>
      %broadcast_in_dim3A_136 = vector.shape_cast %broadcast_in_dim3A_121 : vector<16x1xf32> to vector<16x1xf32>
      %broadcast_in_dim3A_137 = vector.broadcast %broadcast_in_dim3A_136 : vector<16x1xf32> to vector<16x512xf32>
      %select_n3A_138 = arith.select %eq3A_135, %broadcast_in_dim3A_137, %scan3A_115 : vector<16x512xi1>, vector<16x512xf32>
      %broadcast_in_dim3A_139 = vector.shape_cast %broadcast_in_dim3A_127 : vector<16x1xf32> to vector<16x1xf32>
      %broadcast_in_dim3A_140 = vector.broadcast %broadcast_in_dim3A_139 : vector<16x1xf32> to vector<16x512xf32>
      %select_n3A_141 = arith.select %eq3A_135, %broadcast_in_dim3A_140, %scan3A_116 : vector<16x512xi1>, vector<16x512xf32>
      %broadcast_in_dim3A_142 = vector.shape_cast %broadcast_in_dim3A_133 : vector<16x1xf32> to vector<16x1xf32>
      %broadcast_in_dim3A_143 = vector.broadcast %broadcast_in_dim3A_142 : vector<16x1xf32> to vector<16x512xf32>
      %select_n3A_144 = arith.select %eq3A_135, %broadcast_in_dim3A_143, %scan3A_117 : vector<16x512xi1>, vector<16x512xf32>
      %sub3A = vector.broadcast %broadcast_in_dim3A_121 : vector<16x1xf32> to vector<16x1024xf32>
      %sub3A_145 = arith.subf %scan3A_21#2, %sub3A : vector<16x1024xf32>
      %sub3A_146 = vector.broadcast %broadcast_in_dim3A_127 : vector<16x1xf32> to vector<16x1024xf32>
      %sub3A_147 = arith.subf %scan3A_21#3, %sub3A_146 : vector<16x1024xf32>
      %sub3A_148 = vector.broadcast %broadcast_in_dim3A_133 : vector<16x1xf32> to vector<16x1024xf32>
      %sub3A_149 = arith.subf %scan3A_21#4, %sub3A_148 : vector<16x1024xf32>
      %mul3A = arith.mulf %sub3A_145, %sub3A_145 : vector<16x1024xf32>
      %mul3A_150 = arith.mulf %sub3A_149, %sub3A_149 : vector<16x1024xf32>
      %add3A = arith.addf %mul3A, %mul3A_150 : vector<16x1024xf32>
      %mul3A_151 = arith.mulf %sub3A_147, %sub3A_147 : vector<16x1024xf32>
      %add3A_152 = arith.addf %add3A, %mul3A_151 : vector<16x1024xf32>
      %min3A = arith.minimumf %scan3A_113, %add3A_152 : vector<16x1024xf32>
      %reduce_max3A = arith.constant dense<0xFF800000> : vector<16xf32>
      %reduce_max3A_153 = vector.multi_reduction <maximumf>, %min3A, %reduce_max3A [1] : vector<16x1024xf32> to vector<16xf32>
      %broadcast_in_dim3A_154 = vector.shape_cast %reduce_max3A_153 : vector<16xf32> to vector<16x1xf32>
      %eq3A_155 = vector.broadcast %broadcast_in_dim3A_154 : vector<16x1xf32> to vector<16x1024xf32>
      %eq3A_156 = arith.cmpf oeq, %min3A, %eq3A_155 : vector<16x1024xf32>
      %jit3A_157 = arith.constant 1024 : i32
      %broadcast_in_dim3A_158 = vector.broadcast %jit3A_157 : i32 to vector<16x1024xi32>
      %select_n3A_159 = arith.select %eq3A_156, %iota3A_31, %broadcast_in_dim3A_158 : vector<16x1024xi1>, vector<16x1024xi32>
      %reduce_min3A = arith.constant dense<2147483647> : vector<16xi32>
      %reduce_min3A_160 = vector.multi_reduction <minsi>, %select_n3A_159, %reduce_min3A [1] : vector<16x1024xi32> to vector<16xi32>
      %broadcast_in_dim3A_161 = vector.shape_cast %reduce_min3A_160 : vector<16xi32> to vector<16x1xi32>
      scf.yield %min3A, %broadcast_in_dim3A_161, %select_n3A_138, %select_n3A_141, %select_n3A_144 : vector<16x1024xf32>, vector<16x1xi32>, vector<16x512xf32>, vector<16x512xf32>, vector<16x512xf32>
    }
    %scan3A_48 = arith.constant 512 : i32
    %swap3A_49 = arith.constant 0 : index
    %swap3A_50 = arith.constant 0 : index
    %swap3A_51 = vector.load %arg6[%swap3A_49, %swap3A_50] : memref<16x512xf32, #tpu.memory_space<vmem>>, vector<16x512xf32>
    tpu.vector_store %arg6[%swap3A_49, %swap3A_50], %scan3A_47#2 {strides = array<i32>} : memref<16x512xf32, #tpu.memory_space<vmem>>, vector<16x512xf32>,
    %swap3A_52 = arith.constant 0 : index
    %swap3A_53 = arith.constant 0 : index
    %swap3A_54 = vector.load %arg7[%swap3A_52, %swap3A_53] : memref<16x512xf32, #tpu.memory_space<vmem>>, vector<16x512xf32>
    tpu.vector_store %arg7[%swap3A_52, %swap3A_53], %scan3A_47#3 {strides = array<i32>} : memref<16x512xf32, #tpu.memory_space<vmem>>, vector<16x512xf32>,
    %swap3A_55 = arith.constant 0 : index
    %swap3A_56 = arith.constant 0 : index
    %swap3A_57 = vector.load %arg8[%swap3A_55, %swap3A_56] : memref<16x512xf32, #tpu.memory_space<vmem>>, vector<16x512xf32>
    tpu.vector_store %arg8[%swap3A_55, %swap3A_56], %scan3A_47#4 {strides = array<i32>} : memref<16x512xf32, #tpu.memory_space<vmem>>, vector<16x512xf32>,
    %iota3A_58 = tpu.iota {dimensions = array<i32: 1>} : vector<16x512xi32>
    %iota3A_59 = tpu.iota {dimensions = array<i32: 1>} : vector<16x256xi32>
    %broadcast_in_dim3A_60 = arith.constant 1.000000e+10 : f32
    %broadcast_in_dim3A_61 = vector.broadcast %broadcast_in_dim3A_60 : f32 to vector<16x512xf32>
    %broadcast_in_dim3A_62 = arith.constant 0 : i32
    %broadcast_in_dim3A_63 = vector.broadcast %broadcast_in_dim3A_62 : i32 to vector<16x1xi32>
    %broadcast_in_dim3A_64 = arith.constant 0.000000e+00 : f32
    %broadcast_in_dim3A_65 = vector.broadcast %broadcast_in_dim3A_64 : f32 to vector<16x256xf32>
    %broadcast_in_dim3A_66 = arith.constant 0.000000e+00 : f32
    %broadcast_in_dim3A_67 = vector.broadcast %broadcast_in_dim3A_66 : f32 to vector<16x256xf32>
    %broadcast_in_dim3A_68 = arith.constant 0.000000e+00 : f32
    %broadcast_in_dim3A_69 = vector.broadcast %broadcast_in_dim3A_68 : f32 to vector<16x256xf32>
    %scan3A_70 = arith.constant 0 : i32
    %scan3A_71 = arith.constant 256 : i32
    %scan3A_72 = arith.addi %scan3A_70, %scan3A_71 : i32
    %scan3A_73 = arith.constant 1 : i32
    %scan3A_74:5 = scf.for %scan3A_112 = %scan3A_70 to %scan3A_72 step %scan3A_73 iter_args(%scan3A_113 = %broadcast_in_dim3A_61, %scan3A_114 = %broadcast_in_dim3A_63, %scan3A_115 = %broadcast_in_dim3A_65, %scan3A_116 = %broadcast_in_dim3A_67, %scan3A_117 = %broadcast_in_dim3A_69) -> (vector<16x512xf32>, vector<16x1xi32>, vector<16x256xf32>, vector<16x256xf32>, vector<16x256xf32>)  : i32 {
      %eq3A = vector.broadcast %scan3A_114 : vector<16x1xi32> to vector<16x512xi32>
      %eq3A_118 = arith.cmpi eq, %iota3A_58, %eq3A : vector<16x512xi32>
      %jit3A = arith.constant 0.000000e+00 : f32
      %broadcast_in_dim3A_119 = vector.broadcast %jit3A : f32 to vector<16x512xf32>
      %select_n3A = arith.select %eq3A_118, %scan3A_47#2, %broadcast_in_dim3A_119 : vector<16x512xi1>, vector<16x512xf32>
      %reduce_sum3A = arith.constant dense<0.000000e+00> : vector<16xf32>
      %reduce_sum3A_120 = vector.multi_reduction <add>, %select_n3A, %reduce_sum3A [1] : vector<16x512xf32> to vector<16xf32>
      %broadcast_in_dim3A_121 = vector.shape_cast %reduce_sum3A_120 : vector<16xf32> to vector<16x1xf32>
      %jit3A_122 = arith.constant 0.000000e+00 : f32
      %broadcast_in_dim3A_123 = vector.broadcast %jit3A_122 : f32 to vector<16x512xf32>
      %select_n3A_124 = arith.select %eq3A_118, %scan3A_47#3, %broadcast_in_dim3A_123 : vector<16x512xi1>, vector<16x512xf32>
      %reduce_sum3A_125 = arith.constant dense<0.000000e+00> : vector<16xf32>
      %reduce_sum3A_126 = vector.multi_reduction <add>, %select_n3A_124, %reduce_sum3A_125 [1] : vector<16x512xf32> to vector<16xf32>
      %broadcast_in_dim3A_127 = vector.shape_cast %reduce_sum3A_126 : vector<16xf32> to vector<16x1xf32>
      %jit3A_128 = arith.constant 0.000000e+00 : f32
      %broadcast_in_dim3A_129 = vector.broadcast %jit3A_128 : f32 to vector<16x512xf32>
      %select_n3A_130 = arith.select %eq3A_118, %scan3A_47#4, %broadcast_in_dim3A_129 : vector<16x512xi1>, vector<16x512xf32>
      %reduce_sum3A_131 = arith.constant dense<0.000000e+00> : vector<16xf32>
      %reduce_sum3A_132 = vector.multi_reduction <add>, %select_n3A_130, %reduce_sum3A_131 [1] : vector<16x512xf32> to vector<16xf32>
      %broadcast_in_dim3A_133 = vector.shape_cast %reduce_sum3A_132 : vector<16xf32> to vector<16x1xf32>
      %eq3A_134 = vector.broadcast %scan3A_112 : i32 to vector<16x256xi32>
      %eq3A_135 = arith.cmpi eq, %iota3A_59, %eq3A_134 : vector<16x256xi32>
      %broadcast_in_dim3A_136 = vector.shape_cast %broadcast_in_dim3A_121 : vector<16x1xf32> to vector<16x1xf32>
      %broadcast_in_dim3A_137 = vector.broadcast %broadcast_in_dim3A_136 : vector<16x1xf32> to vector<16x256xf32>
      %select_n3A_138 = arith.select %eq3A_135, %broadcast_in_dim3A_137, %scan3A_115 : vector<16x256xi1>, vector<16x256xf32>
      %broadcast_in_dim3A_139 = vector.shape_cast %broadcast_in_dim3A_127 : vector<16x1xf32> to vector<16x1xf32>
      %broadcast_in_dim3A_140 = vector.broadcast %broadcast_in_dim3A_139 : vector<16x1xf32> to vector<16x256xf32>
      %select_n3A_141 = arith.select %eq3A_135, %broadcast_in_dim3A_140, %scan3A_116 : vector<16x256xi1>, vector<16x256xf32>
      %broadcast_in_dim3A_142 = vector.shape_cast %broadcast_in_dim3A_133 : vector<16x1xf32> to vector<16x1xf32>
      %broadcast_in_dim3A_143 = vector.broadcast %broadcast_in_dim3A_142 : vector<16x1xf32> to vector<16x256xf32>
      %select_n3A_144 = arith.select %eq3A_135, %broadcast_in_dim3A_143, %scan3A_117 : vector<16x256xi1>, vector<16x256xf32>
      %sub3A = vector.broadcast %broadcast_in_dim3A_121 : vector<16x1xf32> to vector<16x512xf32>
      %sub3A_145 = arith.subf %scan3A_47#2, %sub3A : vector<16x512xf32>
      %sub3A_146 = vector.broadcast %broadcast_in_dim3A_127 : vector<16x1xf32> to vector<16x512xf32>
      %sub3A_147 = arith.subf %scan3A_47#3, %sub3A_146 : vector<16x512xf32>
      %sub3A_148 = vector.broadcast %broadcast_in_dim3A_133 : vector<16x1xf32> to vector<16x512xf32>
      %sub3A_149 = arith.subf %scan3A_47#4, %sub3A_148 : vector<16x512xf32>
      %mul3A = arith.mulf %sub3A_145, %sub3A_145 : vector<16x512xf32>
      %mul3A_150 = arith.mulf %sub3A_149, %sub3A_149 : vector<16x512xf32>
      %add3A = arith.addf %mul3A, %mul3A_150 : vector<16x512xf32>
      %mul3A_151 = arith.mulf %sub3A_147, %sub3A_147 : vector<16x512xf32>
      %add3A_152 = arith.addf %add3A, %mul3A_151 : vector<16x512xf32>
      %min3A = arith.minimumf %scan3A_113, %add3A_152 : vector<16x512xf32>
      %reduce_max3A = arith.constant dense<0xFF800000> : vector<16xf32>
      %reduce_max3A_153 = vector.multi_reduction <maximumf>, %min3A, %reduce_max3A [1] : vector<16x512xf32> to vector<16xf32>
      %broadcast_in_dim3A_154 = vector.shape_cast %reduce_max3A_153 : vector<16xf32> to vector<16x1xf32>
      %eq3A_155 = vector.broadcast %broadcast_in_dim3A_154 : vector<16x1xf32> to vector<16x512xf32>
      %eq3A_156 = arith.cmpf oeq, %min3A, %eq3A_155 : vector<16x512xf32>
      %jit3A_157 = arith.constant 512 : i32
      %broadcast_in_dim3A_158 = vector.broadcast %jit3A_157 : i32 to vector<16x512xi32>
      %select_n3A_159 = arith.select %eq3A_156, %iota3A_58, %broadcast_in_dim3A_158 : vector<16x512xi1>, vector<16x512xi32>
      %reduce_min3A = arith.constant dense<2147483647> : vector<16xi32>
      %reduce_min3A_160 = vector.multi_reduction <minsi>, %select_n3A_159, %reduce_min3A [1] : vector<16x512xi32> to vector<16xi32>
      %broadcast_in_dim3A_161 = vector.shape_cast %reduce_min3A_160 : vector<16xi32> to vector<16x1xi32>
      scf.yield %min3A, %broadcast_in_dim3A_161, %select_n3A_138, %select_n3A_141, %select_n3A_144 : vector<16x512xf32>, vector<16x1xi32>, vector<16x256xf32>, vector<16x256xf32>, vector<16x256xf32>
    }
    %scan3A_75 = arith.constant 256 : i32
    %swap3A_76 = arith.constant 0 : index
    %swap3A_77 = arith.constant 0 : index
    %swap3A_78 = vector.load %arg9[%swap3A_76, %swap3A_77] : memref<16x256xf32, #tpu.memory_space<vmem>>, vector<16x256xf32>
    tpu.vector_store %arg9[%swap3A_76, %swap3A_77], %scan3A_74#2 {strides = array<i32>} : memref<16x256xf32, #tpu.memory_space<vmem>>, vector<16x256xf32>,
    %swap3A_79 = arith.constant 0 : index
    %swap3A_80 = arith.constant 0 : index
    %swap3A_81 = vector.load %arg10[%swap3A_79, %swap3A_80] : memref<16x256xf32, #tpu.memory_space<vmem>>, vector<16x256xf32>
    tpu.vector_store %arg10[%swap3A_79, %swap3A_80], %scan3A_74#3 {strides = array<i32>} : memref<16x256xf32, #tpu.memory_space<vmem>>, vector<16x256xf32>,
    %swap3A_82 = arith.constant 0 : index
    %swap3A_83 = arith.constant 0 : index
    %swap3A_84 = vector.load %arg11[%swap3A_82, %swap3A_83] : memref<16x256xf32, #tpu.memory_space<vmem>>, vector<16x256xf32>
    tpu.vector_store %arg11[%swap3A_82, %swap3A_83], %scan3A_74#4 {strides = array<i32>} : memref<16x256xf32, #tpu.memory_space<vmem>>, vector<16x256xf32>,
    %iota3A_85 = tpu.iota {dimensions = array<i32: 1>} : vector<16x256xi32>
    %iota3A_86 = tpu.iota {dimensions = array<i32: 1>} : vector<16x128xi32>
    %broadcast_in_dim3A_87 = arith.constant 1.000000e+10 : f32
    %broadcast_in_dim3A_88 = vector.broadcast %broadcast_in_dim3A_87 : f32 to vector<16x256xf32>
    %broadcast_in_dim3A_89 = arith.constant 0 : i32
    %broadcast_in_dim3A_90 = vector.broadcast %broadcast_in_dim3A_89 : i32 to vector<16x1xi32>
    %broadcast_in_dim3A_91 = arith.constant 0.000000e+00 : f32
    %broadcast_in_dim3A_92 = vector.broadcast %broadcast_in_dim3A_91 : f32 to vector<16x128xf32>
    %broadcast_in_dim3A_93 = arith.constant 0.000000e+00 : f32
    %broadcast_in_dim3A_94 = vector.broadcast %broadcast_in_dim3A_93 : f32 to vector<16x128xf32>
    %broadcast_in_dim3A_95 = arith.constant 0.000000e+00 : f32
    %broadcast_in_dim3A_96 = vector.broadcast %broadcast_in_dim3A_95 : f32 to vector<16x128xf32>
    %scan3A_97 = arith.constant 0 : i32
    %scan3A_98 = arith.constant 128 : i32
    %scan3A_99 = arith.addi %scan3A_97, %scan3A_98 : i32
    %scan3A_100 = arith.constant 1 : i32
    %scan3A_101:5 = scf.for %scan3A_112 = %scan3A_97 to %scan3A_99 step %scan3A_100 iter_args(%scan3A_113 = %broadcast_in_dim3A_88, %scan3A_114 = %broadcast_in_dim3A_90, %scan3A_115 = %broadcast_in_dim3A_92, %scan3A_116 = %broadcast_in_dim3A_94, %scan3A_117 = %broadcast_in_dim3A_96) -> (vector<16x256xf32>, vector<16x1xi32>, vector<16x128xf32>, vector<16x128xf32>, vector<16x128xf32>)  : i32 {
      %eq3A = vector.broadcast %scan3A_114 : vector<16x1xi32> to vector<16x256xi32>
      %eq3A_118 = arith.cmpi eq, %iota3A_85, %eq3A : vector<16x256xi32>
      %jit3A = arith.constant 0.000000e+00 : f32
      %broadcast_in_dim3A_119 = vector.broadcast %jit3A : f32 to vector<16x256xf32>
      %select_n3A = arith.select %eq3A_118, %scan3A_74#2, %broadcast_in_dim3A_119 : vector<16x256xi1>, vector<16x256xf32>
      %reduce_sum3A = arith.constant dense<0.000000e+00> : vector<16xf32>
      %reduce_sum3A_120 = vector.multi_reduction <add>, %select_n3A, %reduce_sum3A [1] : vector<16x256xf32> to vector<16xf32>
      %broadcast_in_dim3A_121 = vector.shape_cast %reduce_sum3A_120 : vector<16xf32> to vector<16x1xf32>
      %jit3A_122 = arith.constant 0.000000e+00 : f32
      %broadcast_in_dim3A_123 = vector.broadcast %jit3A_122 : f32 to vector<16x256xf32>
      %select_n3A_124 = arith.select %eq3A_118, %scan3A_74#3, %broadcast_in_dim3A_123 : vector<16x256xi1>, vector<16x256xf32>
      %reduce_sum3A_125 = arith.constant dense<0.000000e+00> : vector<16xf32>
      %reduce_sum3A_126 = vector.multi_reduction <add>, %select_n3A_124, %reduce_sum3A_125 [1] : vector<16x256xf32> to vector<16xf32>
      %broadcast_in_dim3A_127 = vector.shape_cast %reduce_sum3A_126 : vector<16xf32> to vector<16x1xf32>
      %jit3A_128 = arith.constant 0.000000e+00 : f32
      %broadcast_in_dim3A_129 = vector.broadcast %jit3A_128 : f32 to vector<16x256xf32>
      %select_n3A_130 = arith.select %eq3A_118, %scan3A_74#4, %broadcast_in_dim3A_129 : vector<16x256xi1>, vector<16x256xf32>
      %reduce_sum3A_131 = arith.constant dense<0.000000e+00> : vector<16xf32>
      %reduce_sum3A_132 = vector.multi_reduction <add>, %select_n3A_130, %reduce_sum3A_131 [1] : vector<16x256xf32> to vector<16xf32>
      %broadcast_in_dim3A_133 = vector.shape_cast %reduce_sum3A_132 : vector<16xf32> to vector<16x1xf32>
      %eq3A_134 = vector.broadcast %scan3A_112 : i32 to vector<16x128xi32>
      %eq3A_135 = arith.cmpi eq, %iota3A_86, %eq3A_134 : vector<16x128xi32>
      %broadcast_in_dim3A_136 = vector.shape_cast %broadcast_in_dim3A_121 : vector<16x1xf32> to vector<16x1xf32>
      %broadcast_in_dim3A_137 = vector.broadcast %broadcast_in_dim3A_136 : vector<16x1xf32> to vector<16x128xf32>
      %select_n3A_138 = arith.select %eq3A_135, %broadcast_in_dim3A_137, %scan3A_115 : vector<16x128xi1>, vector<16x128xf32>
      %broadcast_in_dim3A_139 = vector.shape_cast %broadcast_in_dim3A_127 : vector<16x1xf32> to vector<16x1xf32>
      %broadcast_in_dim3A_140 = vector.broadcast %broadcast_in_dim3A_139 : vector<16x1xf32> to vector<16x128xf32>
      %select_n3A_141 = arith.select %eq3A_135, %broadcast_in_dim3A_140, %scan3A_116 : vector<16x128xi1>, vector<16x128xf32>
      %broadcast_in_dim3A_142 = vector.shape_cast %broadcast_in_dim3A_133 : vector<16x1xf32> to vector<16x1xf32>
      %broadcast_in_dim3A_143 = vector.broadcast %broadcast_in_dim3A_142 : vector<16x1xf32> to vector<16x128xf32>
      %select_n3A_144 = arith.select %eq3A_135, %broadcast_in_dim3A_143, %scan3A_117 : vector<16x128xi1>, vector<16x128xf32>
      %sub3A = vector.broadcast %broadcast_in_dim3A_121 : vector<16x1xf32> to vector<16x256xf32>
      %sub3A_145 = arith.subf %scan3A_74#2, %sub3A : vector<16x256xf32>
      %sub3A_146 = vector.broadcast %broadcast_in_dim3A_127 : vector<16x1xf32> to vector<16x256xf32>
      %sub3A_147 = arith.subf %scan3A_74#3, %sub3A_146 : vector<16x256xf32>
      %sub3A_148 = vector.broadcast %broadcast_in_dim3A_133 : vector<16x1xf32> to vector<16x256xf32>
      %sub3A_149 = arith.subf %scan3A_74#4, %sub3A_148 : vector<16x256xf32>
      %mul3A = arith.mulf %sub3A_145, %sub3A_145 : vector<16x256xf32>
      %mul3A_150 = arith.mulf %sub3A_149, %sub3A_149 : vector<16x256xf32>
      %add3A = arith.addf %mul3A, %mul3A_150 : vector<16x256xf32>
      %mul3A_151 = arith.mulf %sub3A_147, %sub3A_147 : vector<16x256xf32>
      %add3A_152 = arith.addf %add3A, %mul3A_151 : vector<16x256xf32>
      %min3A = arith.minimumf %scan3A_113, %add3A_152 : vector<16x256xf32>
      %reduce_max3A = arith.constant dense<0xFF800000> : vector<16xf32>
      %reduce_max3A_153 = vector.multi_reduction <maximumf>, %min3A, %reduce_max3A [1] : vector<16x256xf32> to vector<16xf32>
      %broadcast_in_dim3A_154 = vector.shape_cast %reduce_max3A_153 : vector<16xf32> to vector<16x1xf32>
      %eq3A_155 = vector.broadcast %broadcast_in_dim3A_154 : vector<16x1xf32> to vector<16x256xf32>
      %eq3A_156 = arith.cmpf oeq, %min3A, %eq3A_155 : vector<16x256xf32>
      %jit3A_157 = arith.constant 256 : i32
      %broadcast_in_dim3A_158 = vector.broadcast %jit3A_157 : i32 to vector<16x256xi32>
      %select_n3A_159 = arith.select %eq3A_156, %iota3A_85, %broadcast_in_dim3A_158 : vector<16x256xi1>, vector<16x256xi32>
      %reduce_min3A = arith.constant dense<2147483647> : vector<16xi32>
      %reduce_min3A_160 = vector.multi_reduction <minsi>, %select_n3A_159, %reduce_min3A [1] : vector<16x256xi32> to vector<16xi32>
      %broadcast_in_dim3A_161 = vector.shape_cast %reduce_min3A_160 : vector<16xi32> to vector<16x1xi32>
      scf.yield %min3A, %broadcast_in_dim3A_161, %select_n3A_138, %select_n3A_141, %select_n3A_144 : vector<16x256xf32>, vector<16x1xi32>, vector<16x128xf32>, vector<16x128xf32>, vector<16x128xf32>
    }
    %scan3A_102 = arith.constant 128 : i32
    %swap3A_103 = arith.constant 0 : index
    %swap3A_104 = arith.constant 0 : index
    %swap3A_105 = vector.load %arg12[%swap3A_103, %swap3A_104] : memref<16x128xf32, #tpu.memory_space<vmem>>, vector<16x128xf32>
    tpu.vector_store %arg12[%swap3A_103, %swap3A_104], %scan3A_101#2 {strides = array<i32>} : memref<16x128xf32, #tpu.memory_space<vmem>>, vector<16x128xf32>,
    %swap3A_106 = arith.constant 0 : index
    %swap3A_107 = arith.constant 0 : index
    %swap3A_108 = vector.load %arg13[%swap3A_106, %swap3A_107] : memref<16x128xf32, #tpu.memory_space<vmem>>, vector<16x128xf32>
    tpu.vector_store %arg13[%swap3A_106, %swap3A_107], %scan3A_101#3 {strides = array<i32>} : memref<16x128xf32, #tpu.memory_space<vmem>>, vector<16x128xf32>,
    %swap3A_109 = arith.constant 0 : index
    %swap3A_110 = arith.constant 0 : index
    %swap3A_111 = vector.load %arg14[%swap3A_109, %swap3A_110] : memref<16x128xf32, #tpu.memory_space<vmem>>, vector<16x128xf32>
    tpu.vector_store %arg14[%swap3A_109, %swap3A_110], %scan3A_101#4 {strides = array<i32>} : memref<16x128xf32, #tpu.memory_space<vmem>>, vector<16x128xf32>,
    return
  }
}

module attributes {stable_mosaic.version = 14 : i64} {
  func.func @_sa_body(%arg0: i32, %arg1: memref<1x1024x7xf32, #tpu.memory_space<vmem>>, %arg2: memref<1x3x1024xf32, #tpu.memory_space<vmem>>, %arg3: memref<1x1024x3xf32, #tpu.memory_space<vmem>>, %arg4: memref<7x16xf32, #tpu.memory_space<vmem>>, %arg5: memref<1x16xf32, #tpu.memory_space<vmem>>, %arg6: memref<16x16xf32, #tpu.memory_space<vmem>>, %arg7: memref<1x16xf32, #tpu.memory_space<vmem>>, %arg8: memref<16x32xf32, #tpu.memory_space<vmem>>, %arg9: memref<1x32xf32, #tpu.memory_space<vmem>>, %arg10: memref<1x1024x32xf32, #tpu.memory_space<vmem>>) attributes {dimension_semantics = [#tpu.dimension_semantics<parallel>], iteration_bounds = array<i64: 16>, scalar_prefetch = 0 : i64, scratch_operands = 0 : i64, tpu.core_type = #tpu.core_type<tc>, window_params = [{transform_indices = @transform_0, window_bounds = array<i64: 1, 1024, 7>}, {transform_indices = @transform_1, window_bounds = array<i64: 1, 3, 1024>}, {transform_indices = @transform_2, window_bounds = array<i64: 1, 1024, 3>}, {pipeline_mode = #tpu.pipeline_mode<synchronous>, transform_indices = @transform_3, window_bounds = array<i64: 7, 16>}, {pipeline_mode = #tpu.pipeline_mode<synchronous>, transform_indices = @transform_4, window_bounds = array<i64: 1, 16>}, {pipeline_mode = #tpu.pipeline_mode<synchronous>, transform_indices = @transform_5, window_bounds = array<i64: 16, 16>}, {pipeline_mode = #tpu.pipeline_mode<synchronous>, transform_indices = @transform_6, window_bounds = array<i64: 1, 16>}, {pipeline_mode = #tpu.pipeline_mode<synchronous>, transform_indices = @transform_7, window_bounds = array<i64: 16, 32>}, {pipeline_mode = #tpu.pipeline_mode<synchronous>, transform_indices = @transform_8, window_bounds = array<i64: 1, 32>}, {transform_indices = @transform_9, window_bounds = array<i64: 1, 1024, 32>}]} {
    %get3A = arith.constant 0 : index
    %get3A_0 = arith.constant 0 : index
    %get3A_1 = arith.constant 0 : index
    %get3A_2 = vector.load %arg1[%get3A, %get3A_0, %get3A_1] : memref<1x1024x7xf32, #tpu.memory_space<vmem>>, vector<1x1024x7xf32>
    %get3A_3 = vector.shape_cast %get3A_2 : vector<1x1024x7xf32> to vector<1024x7xf32>
    %get3A_4 = arith.constant 0 : index
    %get3A_5 = arith.constant 0 : index
    %get3A_6 = arith.constant 0 : index
    %get3A_7 = vector.load %arg2[%get3A_4, %get3A_5, %get3A_6] : memref<1x3x1024xf32, #tpu.memory_space<vmem>>, vector<1x3x1024xf32>
    %get3A_8 = vector.shape_cast %get3A_7 : vector<1x3x1024xf32> to vector<3x1024xf32>
    %get3A_9 = arith.constant 0 : index
    %get3A_10 = arith.constant 0 : index
    %get3A_11 = arith.constant 0 : index
    %get3A_12 = vector.load %arg3[%get3A_9, %get3A_10, %get3A_11] : memref<1x1024x3xf32, #tpu.memory_space<vmem>>, vector<1x1024x3xf32>
    %get3A_13 = vector.shape_cast %get3A_12 : vector<1x1024x3xf32> to vector<1024x3xf32>
    %slice3A = vector.extract_strided_slice %get3A_8 {offsets = [0, 0], sizes = [1, 1024], strides = [1, 1]} : vector<3x1024xf32> to vector<1x1024xf32>
    %slice3A_14 = vector.extract_strided_slice %get3A_8 {offsets = [1, 0], sizes = [1, 1024], strides = [1, 1]} : vector<3x1024xf32> to vector<1x1024xf32>
    %slice3A_15 = vector.extract_strided_slice %get3A_8 {offsets = [2, 0], sizes = [1, 1024], strides = [1, 1]} : vector<3x1024xf32> to vector<1x1024xf32>
    %mul3A = arith.mulf %slice3A, %slice3A : vector<1x1024xf32>
    %mul3A_16 = arith.mulf %slice3A_14, %slice3A_14 : vector<1x1024xf32>
    %add3A = arith.addf %mul3A, %mul3A_16 : vector<1x1024xf32>
    %mul3A_17 = arith.mulf %slice3A_15, %slice3A_15 : vector<1x1024xf32>
    %add3A_18 = arith.addf %add3A, %mul3A_17 : vector<1x1024xf32>
    %slice3A_19 = vector.extract_strided_slice %get3A_13 {offsets = [0, 0], sizes = [1024, 1], strides = [1, 1]} : vector<1024x3xf32> to vector<1024x1xf32>
    %slice3A_20 = vector.extract_strided_slice %get3A_13 {offsets = [0, 1], sizes = [1024, 1], strides = [1, 1]} : vector<1024x3xf32> to vector<1024x1xf32>
    %slice3A_21 = vector.extract_strided_slice %get3A_13 {offsets = [0, 2], sizes = [1024, 1], strides = [1, 1]} : vector<1024x3xf32> to vector<1024x1xf32>
    %mul3A_22 = arith.mulf %slice3A_19, %slice3A_19 : vector<1024x1xf32>
    %mul3A_23 = arith.mulf %slice3A_20, %slice3A_20 : vector<1024x1xf32>
    %add3A_24 = arith.addf %mul3A_22, %mul3A_23 : vector<1024x1xf32>
    %mul3A_25 = arith.mulf %slice3A_21, %slice3A_21 : vector<1024x1xf32>
    %add3A_26 = arith.addf %add3A_24, %mul3A_25 : vector<1024x1xf32>
    %dot_general3A = arith.constant dense<0.000000e+00> : vector<1024x1024xf32>
    %dot_general3A_27 = tpu.matmul %get3A_13, %get3A_8, %dot_general3A {dimension_numbers = #tpu.dot_dimension_numbers<[1], [0], [0], [1], [0, 0, 1, 1], [], []>, transpose_lhs_hint = false} : vector<1024x3xf32>, vector<3x1024xf32>, vector<1024x1024xf32> -> vector<1024x1024xf32>
    %add3A_28 = vector.broadcast %add3A_26 : vector<1024x1xf32> to vector<1024x1024xf32>
    %add3A_29 = vector.broadcast %add3A_18 : vector<1x1024xf32> to vector<1024x1024xf32>
    %add3A_30 = arith.addf %add3A_28, %add3A_29 : vector<1024x1024xf32>
    %mul3A_31 = arith.constant 2.000000e+00 : f32
    %mul3A_32 = vector.broadcast %mul3A_31 : f32 to vector<1024x1024xf32>
    %mul3A_33 = arith.mulf %mul3A_32, %dot_general3A_27 : vector<1024x1024xf32>
    %sub3A = arith.subf %add3A_30, %mul3A_33 : vector<1024x1024xf32>
    %le3A = arith.constant 2.500000e-03 : f32
    %le3A_34 = vector.broadcast %le3A : f32 to vector<1024x1024xf32>
    %le3A_35 = arith.cmpf ole, %sub3A, %le3A_34 : vector<1024x1024xf32>
    %convert_element_type3A = arith.extui %le3A_35 : vector<1024x1024xi1> to vector<1024x1024xi32>
    %broadcast_in_dim3A = arith.constant 0 : i32
    %broadcast_in_dim3A_36 = vector.broadcast %broadcast_in_dim3A : i32 to vector<1024x1xi32>
    %slice3A_37 = vector.extract_strided_slice %convert_element_type3A {offsets = [0, 0], sizes = [1024, 1023], strides = [1, 1]} : vector<1024x1024xi32> to vector<1024x1023xi32>
    %concatenate3A = tpu.concatenate %broadcast_in_dim3A_36, %slice3A_37 in 1 : vector<1024x1xi32>, vector<1024x1023xi32> -> vector<1024x1024xi32>
    %add3A_38 = arith.addi %convert_element_type3A, %concatenate3A : vector<1024x1024xi32>
    %broadcast_in_dim3A_39 = arith.constant 0 : i32
    %broadcast_in_dim3A_40 = vector.broadcast %broadcast_in_dim3A_39 : i32 to vector<1024x2xi32>
    %slice3A_41 = vector.extract_strided_slice %add3A_38 {offsets = [0, 0], sizes = [1024, 1022], strides = [1, 1]} : vector<1024x1024xi32> to vector<1024x1022xi32>
    %concatenate3A_42 = tpu.concatenate %broadcast_in_dim3A_40, %slice3A_41 in 1 : vector<1024x2xi32>, vector<1024x1022xi32> -> vector<1024x1024xi32>
    %add3A_43 = arith.addi %add3A_38, %concatenate3A_42 : vector<1024x1024xi32>
    %broadcast_in_dim3A_44 = arith.constant 0 : i32
    %broadcast_in_dim3A_45 = vector.broadcast %broadcast_in_dim3A_44 : i32 to vector<1024x4xi32>
    %slice3A_46 = vector.extract_strided_slice %add3A_43 {offsets = [0, 0], sizes = [1024, 1020], strides = [1, 1]} : vector<1024x1024xi32> to vector<1024x1020xi32>
    %concatenate3A_47 = tpu.concatenate %broadcast_in_dim3A_45, %slice3A_46 in 1 : vector<1024x4xi32>, vector<1024x1020xi32> -> vector<1024x1024xi32>
    %add3A_48 = arith.addi %add3A_43, %concatenate3A_47 : vector<1024x1024xi32>
    %broadcast_in_dim3A_49 = arith.constant 0 : i32
    %broadcast_in_dim3A_50 = vector.broadcast %broadcast_in_dim3A_49 : i32 to vector<1024x8xi32>
    %slice3A_51 = vector.extract_strided_slice %add3A_48 {offsets = [0, 0], sizes = [1024, 1016], strides = [1, 1]} : vector<1024x1024xi32> to vector<1024x1016xi32>
    %concatenate3A_52 = tpu.concatenate %broadcast_in_dim3A_50, %slice3A_51 in 1 : vector<1024x8xi32>, vector<1024x1016xi32> -> vector<1024x1024xi32>
    %add3A_53 = arith.addi %add3A_48, %concatenate3A_52 : vector<1024x1024xi32>
    %broadcast_in_dim3A_54 = arith.constant 0 : i32
    %broadcast_in_dim3A_55 = vector.broadcast %broadcast_in_dim3A_54 : i32 to vector<1024x16xi32>
    %slice3A_56 = vector.extract_strided_slice %add3A_53 {offsets = [0, 0], sizes = [1024, 1008], strides = [1, 1]} : vector<1024x1024xi32> to vector<1024x1008xi32>
    %concatenate3A_57 = tpu.concatenate %broadcast_in_dim3A_55, %slice3A_56 in 1 : vector<1024x16xi32>, vector<1024x1008xi32> -> vector<1024x1024xi32>
    %add3A_58 = arith.addi %add3A_53, %concatenate3A_57 : vector<1024x1024xi32>
    %broadcast_in_dim3A_59 = arith.constant 0 : i32
    %broadcast_in_dim3A_60 = vector.broadcast %broadcast_in_dim3A_59 : i32 to vector<1024x32xi32>
    %slice3A_61 = vector.extract_strided_slice %add3A_58 {offsets = [0, 0], sizes = [1024, 992], strides = [1, 1]} : vector<1024x1024xi32> to vector<1024x992xi32>
    %concatenate3A_62 = tpu.concatenate %broadcast_in_dim3A_60, %slice3A_61 in 1 : vector<1024x32xi32>, vector<1024x992xi32> -> vector<1024x1024xi32>
    %add3A_63 = arith.addi %add3A_58, %concatenate3A_62 : vector<1024x1024xi32>
    %broadcast_in_dim3A_64 = arith.constant 0 : i32
    %broadcast_in_dim3A_65 = vector.broadcast %broadcast_in_dim3A_64 : i32 to vector<1024x64xi32>
    %slice3A_66 = vector.extract_strided_slice %add3A_63 {offsets = [0, 0], sizes = [1024, 960], strides = [1, 1]} : vector<1024x1024xi32> to vector<1024x960xi32>
    %concatenate3A_67 = tpu.concatenate %broadcast_in_dim3A_65, %slice3A_66 in 1 : vector<1024x64xi32>, vector<1024x960xi32> -> vector<1024x1024xi32>
    %add3A_68 = arith.addi %add3A_63, %concatenate3A_67 : vector<1024x1024xi32>
    %broadcast_in_dim3A_69 = arith.constant 0 : i32
    %broadcast_in_dim3A_70 = vector.broadcast %broadcast_in_dim3A_69 : i32 to vector<1024x128xi32>
    %slice3A_71 = vector.extract_strided_slice %add3A_68 {offsets = [0, 0], sizes = [1024, 896], strides = [1, 1]} : vector<1024x1024xi32> to vector<1024x896xi32>
    %concatenate3A_72 = tpu.concatenate %broadcast_in_dim3A_70, %slice3A_71 in 1 : vector<1024x128xi32>, vector<1024x896xi32> -> vector<1024x1024xi32>
    %add3A_73 = arith.addi %add3A_68, %concatenate3A_72 : vector<1024x1024xi32>
    %broadcast_in_dim3A_74 = arith.constant 0 : i32
    %broadcast_in_dim3A_75 = vector.broadcast %broadcast_in_dim3A_74 : i32 to vector<1024x256xi32>
    %slice3A_76 = vector.extract_strided_slice %add3A_73 {offsets = [0, 0], sizes = [1024, 768], strides = [1, 1]} : vector<1024x1024xi32> to vector<1024x768xi32>
    %concatenate3A_77 = tpu.concatenate %broadcast_in_dim3A_75, %slice3A_76 in 1 : vector<1024x256xi32>, vector<1024x768xi32> -> vector<1024x1024xi32>
    %add3A_78 = arith.addi %add3A_73, %concatenate3A_77 : vector<1024x1024xi32>
    %broadcast_in_dim3A_79 = arith.constant 0 : i32
    %broadcast_in_dim3A_80 = vector.broadcast %broadcast_in_dim3A_79 : i32 to vector<1024x512xi32>
    %slice3A_81 = vector.extract_strided_slice %add3A_78 {offsets = [0, 0], sizes = [1024, 512], strides = [1, 1]} : vector<1024x1024xi32> to vector<1024x512xi32>
    %concatenate3A_82 = tpu.concatenate %broadcast_in_dim3A_80, %slice3A_81 in 1 : vector<1024x512xi32>, vector<1024x512xi32> -> vector<1024x1024xi32>
    %add3A_83 = arith.addi %add3A_78, %concatenate3A_82 : vector<1024x1024xi32>
    %slice3A_84 = vector.extract_strided_slice %add3A_83 {offsets = [0, 1023], sizes = [1024, 1], strides = [1, 1]} : vector<1024x1024xi32> to vector<1024x1xi32>
    %jit3A = arith.constant 0 : i32
    %broadcast_in_dim3A_85 = vector.broadcast %jit3A : i32 to vector<1024x1024xi32>
    %select_n3A = arith.select %le3A_35, %add3A_83, %broadcast_in_dim3A_85 : vector<1024x1024xi1>, vector<1024x1024xi32>
    %broadcast_in_dim3A_86 = arith.constant 0.000000e+00 : f32
    %broadcast_in_dim3A_87 = vector.broadcast %broadcast_in_dim3A_86 : f32 to vector<1024x4xf32>
    %concatenate3A_88 = tpu.concatenate %get3A_13, %broadcast_in_dim3A_87 in 1 : vector<1024x3xf32>, vector<1024x4xf32> -> vector<1024x7xf32>
    %get3A_89 = arith.constant 0 : index
    %get3A_90 = arith.constant 0 : index
    %get3A_91 = vector.load %arg4[%get3A_89, %get3A_90] : memref<7x16xf32, #tpu.memory_space<vmem>>, vector<7x16xf32>
    %get3A_92 = arith.constant 0 : index
    %get3A_93 = arith.constant 0 : index
    %get3A_94 = vector.load %arg5[%get3A_92, %get3A_93] : memref<1x16xf32, #tpu.memory_space<vmem>>, vector<1x16xf32>
    %get3A_95 = arith.constant 0 : index
    %get3A_96 = arith.constant 0 : index
    %get3A_97 = vector.load %arg6[%get3A_95, %get3A_96] : memref<16x16xf32, #tpu.memory_space<vmem>>, vector<16x16xf32>
    %get3A_98 = arith.constant 0 : index
    %get3A_99 = arith.constant 0 : index
    %get3A_100 = vector.load %arg7[%get3A_98, %get3A_99] : memref<1x16xf32, #tpu.memory_space<vmem>>, vector<1x16xf32>
    %get3A_101 = arith.constant 0 : index
    %get3A_102 = arith.constant 0 : index
    %get3A_103 = vector.load %arg8[%get3A_101, %get3A_102] : memref<16x32xf32, #tpu.memory_space<vmem>>, vector<16x32xf32>
    %get3A_104 = arith.constant 0 : index
    %get3A_105 = arith.constant 0 : index
    %get3A_106 = vector.load %arg9[%get3A_104, %get3A_105] : memref<1x32xf32, #tpu.memory_space<vmem>>, vector<1x32xf32>
    %convert_element_type3A_107 = arith.truncf %get3A_3 : vector<1024x7xf32> to vector<1024x7xbf16>
    %convert_element_type3A_108 = arith.extf %convert_element_type3A_107 : vector<1024x7xbf16> to vector<1024x7xf32>
    %sub3A_109 = arith.subf %get3A_3, %convert_element_type3A_108 : vector<1024x7xf32>
    %convert_element_type3A_110 = arith.truncf %sub3A_109 : vector<1024x7xf32> to vector<1024x7xbf16>
    %eq3A = arith.constant 1 : i32
    %eq3A_111 = vector.broadcast %eq3A : i32 to vector<1024x1024xi32>
    %eq3A_112 = arith.cmpi eq, %select_n3A, %eq3A_111 : vector<1024x1024xi32>
    %convert_element_type3A_113 = arith.extui %eq3A_112 : vector<1024x1024xi1> to vector<1024x1024xi32>
    %convert_element_type3A_114 = arith.sitofp %convert_element_type3A_113 : vector<1024x1024xi32> to vector<1024x1024xf32>
    %convert_element_type3A_115 = arith.truncf %convert_element_type3A_114 : vector<1024x1024xf32> to vector<1024x1024xbf16>
    %dot_general3A_116 = arith.constant dense<0.000000e+00> : vector<1024x7xf32>
    %dot_general3A_117 = tpu.matmul %convert_element_type3A_115, %convert_element_type3A_107, %dot_general3A_116 {dimension_numbers = #tpu.dot_dimension_numbers<[1], [0], [0], [1], [0, 0, 1, 1], [], []>, transpose_lhs_hint = false} : vector<1024x1024xbf16>, vector<1024x7xbf16>, vector<1024x7xf32> -> vector<1024x7xf32>
    %dot_general3A_118 = arith.constant dense<0.000000e+00> : vector<1024x7xf32>
    %dot_general3A_119 = tpu.matmul %convert_element_type3A_115, %convert_element_type3A_110, %dot_general3A_118 {dimension_numbers = #tpu.dot_dimension_numbers<[1], [0], [0], [1], [0, 0, 1, 1], [], []>, transpose_lhs_hint = false} : vector<1024x1024xbf16>, vector<1024x7xbf16>, vector<1024x7xf32> -> vector<1024x7xf32>
    %add3A_120 = arith.addf %dot_general3A_117, %dot_general3A_119 : vector<1024x7xf32>
    %gt3A = arith.constant 0 : i32
    %gt3A_121 = vector.broadcast %gt3A : i32 to vector<1024x1xi32>
    %gt3A_122 = arith.cmpi sgt, %slice3A_84, %gt3A_121 : vector<1024x1xi32>
    %slice3A_123 = vector.extract_strided_slice %get3A_3 {offsets = [0, 0], sizes = [1, 7], strides = [1, 1]} : vector<1024x7xf32> to vector<1x7xf32>
    %broadcast_in_dim3A_124 = vector.shape_cast %gt3A_122 : vector<1024x1xi1> to vector<1024x1xi1>
    %broadcast_in_dim3A_125 = vector.broadcast %broadcast_in_dim3A_124 : vector<1024x1xi1> to vector<1024x7xi1>
    %broadcast_in_dim3A_126 = vector.shape_cast %slice3A_123 : vector<1x7xf32> to vector<1x7xf32>
    %broadcast_in_dim3A_127 = vector.broadcast %broadcast_in_dim3A_126 : vector<1x7xf32> to vector<1024x7xf32>
    %select_n3A_128 = arith.select %broadcast_in_dim3A_125, %add3A_120, %broadcast_in_dim3A_127 : vector<1024x7xi1>, vector<1024x7xf32>
    %sub3A_129 = arith.subf %select_n3A_128, %concatenate3A_88 : vector<1024x7xf32>
    %dot_general3A_130 = arith.constant dense<0.000000e+00> : vector<1024x16xf32>
    %dot_general3A_131 = tpu.matmul %sub3A_129, %get3A_91, %dot_general3A_130 {dimension_numbers = #tpu.dot_dimension_numbers<[1], [0], [0], [1], [0, 0, 1, 1], [], []>, transpose_lhs_hint = false} : vector<1024x7xf32>, vector<7x16xf32>, vector<1024x16xf32> -> vector<1024x16xf32>
    %add3A_132 = vector.broadcast %get3A_94 : vector<1x16xf32> to vector<1024x16xf32>
    %add3A_133 = arith.addf %dot_general3A_131, %add3A_132 : vector<1024x16xf32>
    %max3A = arith.constant 0.000000e+00 : f32
    %max3A_134 = vector.broadcast %max3A : f32 to vector<1024x16xf32>
    %max3A_135 = arith.maximumf %add3A_133, %max3A_134 : vector<1024x16xf32>
    %dot_general3A_136 = arith.constant dense<0.000000e+00> : vector<1024x16xf32>
    %dot_general3A_137 = tpu.matmul %max3A_135, %get3A_97, %dot_general3A_136 {dimension_numbers = #tpu.dot_dimension_numbers<[1], [0], [0], [1], [0, 0, 1, 1], [], []>, transpose_lhs_hint = false} : vector<1024x16xf32>, vector<16x16xf32>, vector<1024x16xf32> -> vector<1024x16xf32>
    %add3A_138 = vector.broadcast %get3A_100 : vector<1x16xf32> to vector<1024x16xf32>
    %add3A_139 = arith.addf %dot_general3A_137, %add3A_138 : vector<1024x16xf32>
    %max3A_140 = arith.constant 0.000000e+00 : f32
    %max3A_141 = vector.broadcast %max3A_140 : f32 to vector<1024x16xf32>
    %max3A_142 = arith.maximumf %add3A_139, %max3A_141 : vector<1024x16xf32>
    %dot_general3A_143 = arith.constant dense<0.000000e+00> : vector<1024x32xf32>
    %dot_general3A_144 = tpu.matmul %max3A_142, %get3A_103, %dot_general3A_143 {dimension_numbers = #tpu.dot_dimension_numbers<[1], [0], [0], [1], [0, 0, 1, 1], [], []>, transpose_lhs_hint = false} : vector<1024x16xf32>, vector<16x32xf32>, vector<1024x32xf32> -> vector<1024x32xf32>
    %add3A_145 = vector.broadcast %get3A_106 : vector<1x32xf32> to vector<1024x32xf32>
    %add3A_146 = arith.addf %dot_general3A_144, %add3A_145 : vector<1024x32xf32>
    %max3A_147 = arith.constant 0.000000e+00 : f32
    %max3A_148 = vector.broadcast %max3A_147 : f32 to vector<1024x32xf32>
    %max3A_149 = arith.maximumf %add3A_146, %max3A_148 : vector<1024x32xf32>
    %scan3A = arith.constant 1 : i32
    %scan3A_150 = arith.constant 31 : i32
    %scan3A_151 = arith.addi %scan3A, %scan3A_150 : i32
    %scan3A_152 = arith.constant 1 : i32
    %scan3A_153 = scf.for %scan3A_160 = %scan3A to %scan3A_151 step %scan3A_152 iter_args(%scan3A_161 = %max3A_149) -> (vector<1024x32xf32>)  : i32 {
      %add3A_162 = arith.constant 1 : i32
      %add3A_163 = arith.addi %scan3A_160, %add3A_162 : i32
      %eq3A_164 = vector.broadcast %add3A_163 : i32 to vector<1024x1024xi32>
      %eq3A_165 = arith.cmpi eq, %select_n3A, %eq3A_164 : vector<1024x1024xi32>
      %convert_element_type3A_166 = arith.extui %eq3A_165 : vector<1024x1024xi1> to vector<1024x1024xi32>
      %convert_element_type3A_167 = arith.sitofp %convert_element_type3A_166 : vector<1024x1024xi32> to vector<1024x1024xf32>
      %convert_element_type3A_168 = arith.truncf %convert_element_type3A_167 : vector<1024x1024xf32> to vector<1024x1024xbf16>
      %dot_general3A_169 = arith.constant dense<0.000000e+00> : vector<1024x7xf32>
      %dot_general3A_170 = tpu.matmul %convert_element_type3A_168, %convert_element_type3A_107, %dot_general3A_169 {dimension_numbers = #tpu.dot_dimension_numbers<[1], [0], [0], [1], [0, 0, 1, 1], [], []>, transpose_lhs_hint = false} : vector<1024x1024xbf16>, vector<1024x7xbf16>, vector<1024x7xf32> -> vector<1024x7xf32>
      %dot_general3A_171 = arith.constant dense<0.000000e+00> : vector<1024x7xf32>
      %dot_general3A_172 = tpu.matmul %convert_element_type3A_168, %convert_element_type3A_110, %dot_general3A_171 {dimension_numbers = #tpu.dot_dimension_numbers<[1], [0], [0], [1], [0, 0, 1, 1], [], []>, transpose_lhs_hint = false} : vector<1024x1024xbf16>, vector<1024x7xbf16>, vector<1024x7xf32> -> vector<1024x7xf32>
      %add3A_173 = arith.addf %dot_general3A_170, %dot_general3A_172 : vector<1024x7xf32>
      %gt3A_174 = vector.broadcast %scan3A_160 : i32 to vector<1024x1xi32>
      %gt3A_175 = arith.cmpi sgt, %slice3A_84, %gt3A_174 : vector<1024x1xi32>
      %broadcast_in_dim3A_176 = vector.shape_cast %gt3A_175 : vector<1024x1xi1> to vector<1024x1xi1>
      %broadcast_in_dim3A_177 = vector.broadcast %broadcast_in_dim3A_176 : vector<1024x1xi1> to vector<1024x7xi1>
      %select_n3A_178 = arith.select %broadcast_in_dim3A_177, %add3A_173, %select_n3A_128 : vector<1024x7xi1>, vector<1024x7xf32>
      %sub3A_179 = arith.subf %select_n3A_178, %concatenate3A_88 : vector<1024x7xf32>
      %dot_general3A_180 = arith.constant dense<0.000000e+00> : vector<1024x16xf32>
      %dot_general3A_181 = tpu.matmul %sub3A_179, %get3A_91, %dot_general3A_180 {dimension_numbers = #tpu.dot_dimension_numbers<[1], [0], [0], [1], [0, 0, 1, 1], [], []>, transpose_lhs_hint = false} : vector<1024x7xf32>, vector<7x16xf32>, vector<1024x16xf32> -> vector<1024x16xf32>
      %add3A_182 = vector.broadcast %get3A_94 : vector<1x16xf32> to vector<1024x16xf32>
      %add3A_183 = arith.addf %dot_general3A_181, %add3A_182 : vector<1024x16xf32>
      %max3A_184 = arith.constant 0.000000e+00 : f32
      %max3A_185 = vector.broadcast %max3A_184 : f32 to vector<1024x16xf32>
      %max3A_186 = arith.maximumf %add3A_183, %max3A_185 : vector<1024x16xf32>
      %dot_general3A_187 = arith.constant dense<0.000000e+00> : vector<1024x16xf32>
      %dot_general3A_188 = tpu.matmul %max3A_186, %get3A_97, %dot_general3A_187 {dimension_numbers = #tpu.dot_dimension_numbers<[1], [0], [0], [1], [0, 0, 1, 1], [], []>, transpose_lhs_hint = false} : vector<1024x16xf32>, vector<16x16xf32>, vector<1024x16xf32> -> vector<1024x16xf32>
      %add3A_189 = vector.broadcast %get3A_100 : vector<1x16xf32> to vector<1024x16xf32>
      %add3A_190 = arith.addf %dot_general3A_188, %add3A_189 : vector<1024x16xf32>
      %max3A_191 = arith.constant 0.000000e+00 : f32
      %max3A_192 = vector.broadcast %max3A_191 : f32 to vector<1024x16xf32>
      %max3A_193 = arith.maximumf %add3A_190, %max3A_192 : vector<1024x16xf32>
      %dot_general3A_194 = arith.constant dense<0.000000e+00> : vector<1024x32xf32>
      %dot_general3A_195 = tpu.matmul %max3A_193, %get3A_103, %dot_general3A_194 {dimension_numbers = #tpu.dot_dimension_numbers<[1], [0], [0], [1], [0, 0, 1, 1], [], []>, transpose_lhs_hint = false} : vector<1024x16xf32>, vector<16x32xf32>, vector<1024x32xf32> -> vector<1024x32xf32>
      %add3A_196 = vector.broadcast %get3A_106 : vector<1x32xf32> to vector<1024x32xf32>
      %add3A_197 = arith.addf %dot_general3A_195, %add3A_196 : vector<1024x32xf32>
      %max3A_198 = arith.constant 0.000000e+00 : f32
      %max3A_199 = vector.broadcast %max3A_198 : f32 to vector<1024x32xf32>
      %max3A_200 = arith.maximumf %add3A_197, %max3A_199 : vector<1024x32xf32>
      %max3A_201 = arith.maximumf %scan3A_161, %max3A_200 : vector<1024x32xf32>
      scf.yield %max3A_201 : vector<1024x32xf32>
    }
    %scan3A_154 = arith.constant 31 : i32
    %swap3A = arith.constant 0 : index
    %swap3A_155 = arith.constant 0 : index
    %swap3A_156 = arith.constant 0 : index
    %swap3A_157 = vector.load %arg10[%swap3A, %swap3A_155, %swap3A_156] : memref<1x1024x32xf32, #tpu.memory_space<vmem>>, vector<1x1024x32xf32>
    %swap3A_158 = vector.shape_cast %swap3A_157 : vector<1x1024x32xf32> to vector<1024x32xf32>
    %swap3A_159 = vector.shape_cast %scan3A_153 : vector<1024x32xf32> to vector<1x1024x32xf32>
    tpu.vector_store %arg10[%swap3A, %swap3A_155, %swap3A_156], %swap3A_159 {strides = array<i32>} : memref<1x1024x32xf32, #tpu.memory_space<vmem>>, vector<1x1024x32xf32>,
    return
  }
  func.func @transform_0(%arg0: i32) -> (i32, i32, i32) {
    %c0_i32 = arith.constant 0 : i32
    %c0_i32_0 = arith.constant 0 : i32
    %c0_i32_1 = arith.constant 0 : i32
    return %arg0, %c0_i32, %c0_i32_0 : i32, i32, i32
  }
  func.func @transform_1(%arg0: i32) -> (i32, i32, i32) {
    %c0_i32 = arith.constant 0 : i32
    %c0_i32_0 = arith.constant 0 : i32
    %c0_i32_1 = arith.constant 0 : i32
    return %arg0, %c0_i32, %c0_i32_0 : i32, i32, i32
  }
  func.func @transform_2(%arg0: i32) -> (i32, i32, i32) {
    %c0_i32 = arith.constant 0 : i32
    %c0_i32_0 = arith.constant 0 : i32
    %c0_i32_1 = arith.constant 0 : i32
    return %arg0, %c0_i32, %c0_i32_0 : i32, i32, i32
  }
  func.func @transform_3(%arg0: i32) -> (i32, i32) {
    %c0_i32 = arith.constant 0 : i32
    %c0_i32_0 = arith.constant 0 : i32
    %c0_i32_1 = arith.constant 0 : i32
    return %c0_i32, %c0_i32_0 : i32, i32
  }
  func.func @transform_4(%arg0: i32) -> (i32, i32) {
    %c0_i32 = arith.constant 0 : i32
    %c0_i32_0 = arith.constant 0 : i32
    %c0_i32_1 = arith.constant 0 : i32
    return %c0_i32, %c0_i32_0 : i32, i32
  }
  func.func @transform_5(%arg0: i32) -> (i32, i32) {
    %c0_i32 = arith.constant 0 : i32
    %c0_i32_0 = arith.constant 0 : i32
    %c0_i32_1 = arith.constant 0 : i32
    return %c0_i32, %c0_i32_0 : i32, i32
  }
  func.func @transform_6(%arg0: i32) -> (i32, i32) {
    %c0_i32 = arith.constant 0 : i32
    %c0_i32_0 = arith.constant 0 : i32
    %c0_i32_1 = arith.constant 0 : i32
    return %c0_i32, %c0_i32_0 : i32, i32
  }
  func.func @transform_7(%arg0: i32) -> (i32, i32) {
    %c0_i32 = arith.constant 0 : i32
    %c0_i32_0 = arith.constant 0 : i32
    %c0_i32_1 = arith.constant 0 : i32
    return %c0_i32, %c0_i32_0 : i32, i32
  }
  func.func @transform_8(%arg0: i32) -> (i32, i32) {
    %c0_i32 = arith.constant 0 : i32
    %c0_i32_0 = arith.constant 0 : i32
    %c0_i32_1 = arith.constant 0 : i32
    return %c0_i32, %c0_i32_0 : i32, i32
  }
  func.func @transform_9(%arg0: i32) -> (i32, i32, i32) {
    %c0_i32 = arith.constant 0 : i32
    %c0_i32_0 = arith.constant 0 : i32
    %c0_i32_1 = arith.constant 0 : i32
    return %arg0, %c0_i32, %c0_i32_0 : i32, i32, i32
  }
}

module attributes {stable_mosaic.version = 14 : i64} {
  func.func @_saidx_body(%arg0: i32, %arg1: memref<1x512x3xf32, #tpu.memory_space<vmem>>, %arg2: memref<1x3x1024xf32, #tpu.memory_space<vmem>>, %arg3: memref<1x512x32xi32, #tpu.memory_space<vmem>>) attributes {dimension_semantics = [#tpu.dimension_semantics<arbitrary>], iteration_bounds = array<i64: 16>, scalar_prefetch = 0 : i64, scratch_operands = 0 : i64, tpu.core_type = #tpu.core_type<tc>, window_params = [{transform_indices = @transform_0, window_bounds = array<i64: 1, 512, 3>}, {transform_indices = @transform_1, window_bounds = array<i64: 1, 3, 1024>}, {transform_indices = @transform_2, window_bounds = array<i64: 1, 512, 32>}]} {
    %get3A = arith.constant 0 : index
    %get3A_0 = arith.constant 0 : index
    %get3A_1 = arith.constant 0 : index
    %get3A_2 = vector.load %arg1[%get3A, %get3A_0, %get3A_1] : memref<1x512x3xf32, #tpu.memory_space<vmem>>, vector<1x512x3xf32>
    %get3A_3 = vector.shape_cast %get3A_2 : vector<1x512x3xf32> to vector<512x3xf32>
    %get3A_4 = arith.constant 0 : index
    %get3A_5 = arith.constant 0 : index
    %get3A_6 = arith.constant 0 : index
    %get3A_7 = vector.load %arg2[%get3A_4, %get3A_5, %get3A_6] : memref<1x3x1024xf32, #tpu.memory_space<vmem>>, vector<1x3x1024xf32>
    %get3A_8 = vector.shape_cast %get3A_7 : vector<1x3x1024xf32> to vector<3x1024xf32>
    %slice3A = vector.extract_strided_slice %get3A_8 {offsets = [0, 0], sizes = [1, 1024], strides = [1, 1]} : vector<3x1024xf32> to vector<1x1024xf32>
    %slice3A_9 = vector.extract_strided_slice %get3A_8 {offsets = [1, 0], sizes = [1, 1024], strides = [1, 1]} : vector<3x1024xf32> to vector<1x1024xf32>
    %slice3A_10 = vector.extract_strided_slice %get3A_8 {offsets = [2, 0], sizes = [1, 1024], strides = [1, 1]} : vector<3x1024xf32> to vector<1x1024xf32>
    %mul3A = arith.mulf %slice3A, %slice3A : vector<1x1024xf32>
    %mul3A_11 = arith.mulf %slice3A_9, %slice3A_9 : vector<1x1024xf32>
    %add3A = arith.addf %mul3A, %mul3A_11 : vector<1x1024xf32>
    %mul3A_12 = arith.mulf %slice3A_10, %slice3A_10 : vector<1x1024xf32>
    %add3A_13 = arith.addf %add3A, %mul3A_12 : vector<1x1024xf32>
    %slice3A_14 = vector.extract_strided_slice %get3A_3 {offsets = [0, 0], sizes = [512, 1], strides = [1, 1]} : vector<512x3xf32> to vector<512x1xf32>
    %slice3A_15 = vector.extract_strided_slice %get3A_3 {offsets = [0, 1], sizes = [512, 1], strides = [1, 1]} : vector<512x3xf32> to vector<512x1xf32>
    %slice3A_16 = vector.extract_strided_slice %get3A_3 {offsets = [0, 2], sizes = [512, 1], strides = [1, 1]} : vector<512x3xf32> to vector<512x1xf32>
    %mul3A_17 = arith.mulf %slice3A_14, %slice3A_14 : vector<512x1xf32>
    %mul3A_18 = arith.mulf %slice3A_15, %slice3A_15 : vector<512x1xf32>
    %add3A_19 = arith.addf %mul3A_17, %mul3A_18 : vector<512x1xf32>
    %mul3A_20 = arith.mulf %slice3A_16, %slice3A_16 : vector<512x1xf32>
    %add3A_21 = arith.addf %add3A_19, %mul3A_20 : vector<512x1xf32>
    %dot_general3A = arith.constant dense<0.000000e+00> : vector<512x1024xf32>
    %dot_general3A_22 = tpu.matmul %get3A_3, %get3A_8, %dot_general3A {dimension_numbers = #tpu.dot_dimension_numbers<[1], [0], [0], [1], [0, 0, 1, 1], [], []>, transpose_lhs_hint = false} : vector<512x3xf32>, vector<3x1024xf32>, vector<512x1024xf32> -> vector<512x1024xf32>
    %add3A_23 = vector.broadcast %add3A_21 : vector<512x1xf32> to vector<512x1024xf32>
    %add3A_24 = vector.broadcast %add3A_13 : vector<1x1024xf32> to vector<512x1024xf32>
    %add3A_25 = arith.addf %add3A_23, %add3A_24 : vector<512x1024xf32>
    %mul3A_26 = arith.constant 2.000000e+00 : f32
    %mul3A_27 = vector.broadcast %mul3A_26 : f32 to vector<512x1024xf32>
    %mul3A_28 = arith.mulf %mul3A_27, %dot_general3A_22 : vector<512x1024xf32>
    %sub3A = arith.subf %add3A_25, %mul3A_28 : vector<512x1024xf32>
    %le3A = arith.constant 0.00999999977 : f32
    %le3A_29 = vector.broadcast %le3A : f32 to vector<512x1024xf32>
    %le3A_30 = arith.cmpf ole, %sub3A, %le3A_29 : vector<512x1024xf32>
    %convert_element_type3A = arith.extui %le3A_30 : vector<512x1024xi1> to vector<512x1024xi32>
    %broadcast_in_dim3A = arith.constant 0 : i32
    %broadcast_in_dim3A_31 = vector.broadcast %broadcast_in_dim3A : i32 to vector<512x1xi32>
    %slice3A_32 = vector.extract_strided_slice %convert_element_type3A {offsets = [0, 0], sizes = [512, 1023], strides = [1, 1]} : vector<512x1024xi32> to vector<512x1023xi32>
    %concatenate3A = tpu.concatenate %broadcast_in_dim3A_31, %slice3A_32 in 1 : vector<512x1xi32>, vector<512x1023xi32> -> vector<512x1024xi32>
    %add3A_33 = arith.addi %convert_element_type3A, %concatenate3A : vector<512x1024xi32>
    %broadcast_in_dim3A_34 = arith.constant 0 : i32
    %broadcast_in_dim3A_35 = vector.broadcast %broadcast_in_dim3A_34 : i32 to vector<512x2xi32>
    %slice3A_36 = vector.extract_strided_slice %add3A_33 {offsets = [0, 0], sizes = [512, 1022], strides = [1, 1]} : vector<512x1024xi32> to vector<512x1022xi32>
    %concatenate3A_37 = tpu.concatenate %broadcast_in_dim3A_35, %slice3A_36 in 1 : vector<512x2xi32>, vector<512x1022xi32> -> vector<512x1024xi32>
    %add3A_38 = arith.addi %add3A_33, %concatenate3A_37 : vector<512x1024xi32>
    %broadcast_in_dim3A_39 = arith.constant 0 : i32
    %broadcast_in_dim3A_40 = vector.broadcast %broadcast_in_dim3A_39 : i32 to vector<512x4xi32>
    %slice3A_41 = vector.extract_strided_slice %add3A_38 {offsets = [0, 0], sizes = [512, 1020], strides = [1, 1]} : vector<512x1024xi32> to vector<512x1020xi32>
    %concatenate3A_42 = tpu.concatenate %broadcast_in_dim3A_40, %slice3A_41 in 1 : vector<512x4xi32>, vector<512x1020xi32> -> vector<512x1024xi32>
    %add3A_43 = arith.addi %add3A_38, %concatenate3A_42 : vector<512x1024xi32>
    %broadcast_in_dim3A_44 = arith.constant 0 : i32
    %broadcast_in_dim3A_45 = vector.broadcast %broadcast_in_dim3A_44 : i32 to vector<512x8xi32>
    %slice3A_46 = vector.extract_strided_slice %add3A_43 {offsets = [0, 0], sizes = [512, 1016], strides = [1, 1]} : vector<512x1024xi32> to vector<512x1016xi32>
    %concatenate3A_47 = tpu.concatenate %broadcast_in_dim3A_45, %slice3A_46 in 1 : vector<512x8xi32>, vector<512x1016xi32> -> vector<512x1024xi32>
    %add3A_48 = arith.addi %add3A_43, %concatenate3A_47 : vector<512x1024xi32>
    %broadcast_in_dim3A_49 = arith.constant 0 : i32
    %broadcast_in_dim3A_50 = vector.broadcast %broadcast_in_dim3A_49 : i32 to vector<512x16xi32>
    %slice3A_51 = vector.extract_strided_slice %add3A_48 {offsets = [0, 0], sizes = [512, 1008], strides = [1, 1]} : vector<512x1024xi32> to vector<512x1008xi32>
    %concatenate3A_52 = tpu.concatenate %broadcast_in_dim3A_50, %slice3A_51 in 1 : vector<512x16xi32>, vector<512x1008xi32> -> vector<512x1024xi32>
    %add3A_53 = arith.addi %add3A_48, %concatenate3A_52 : vector<512x1024xi32>
    %broadcast_in_dim3A_54 = arith.constant 0 : i32
    %broadcast_in_dim3A_55 = vector.broadcast %broadcast_in_dim3A_54 : i32 to vector<512x32xi32>
    %slice3A_56 = vector.extract_strided_slice %add3A_53 {offsets = [0, 0], sizes = [512, 992], strides = [1, 1]} : vector<512x1024xi32> to vector<512x992xi32>
    %concatenate3A_57 = tpu.concatenate %broadcast_in_dim3A_55, %slice3A_56 in 1 : vector<512x32xi32>, vector<512x992xi32> -> vector<512x1024xi32>
    %add3A_58 = arith.addi %add3A_53, %concatenate3A_57 : vector<512x1024xi32>
    %broadcast_in_dim3A_59 = arith.constant 0 : i32
    %broadcast_in_dim3A_60 = vector.broadcast %broadcast_in_dim3A_59 : i32 to vector<512x64xi32>
    %slice3A_61 = vector.extract_strided_slice %add3A_58 {offsets = [0, 0], sizes = [512, 960], strides = [1, 1]} : vector<512x1024xi32> to vector<512x960xi32>
    %concatenate3A_62 = tpu.concatenate %broadcast_in_dim3A_60, %slice3A_61 in 1 : vector<512x64xi32>, vector<512x960xi32> -> vector<512x1024xi32>
    %add3A_63 = arith.addi %add3A_58, %concatenate3A_62 : vector<512x1024xi32>
    %broadcast_in_dim3A_64 = arith.constant 0 : i32
    %broadcast_in_dim3A_65 = vector.broadcast %broadcast_in_dim3A_64 : i32 to vector<512x128xi32>
    %slice3A_66 = vector.extract_strided_slice %add3A_63 {offsets = [0, 0], sizes = [512, 896], strides = [1, 1]} : vector<512x1024xi32> to vector<512x896xi32>
    %concatenate3A_67 = tpu.concatenate %broadcast_in_dim3A_65, %slice3A_66 in 1 : vector<512x128xi32>, vector<512x896xi32> -> vector<512x1024xi32>
    %add3A_68 = arith.addi %add3A_63, %concatenate3A_67 : vector<512x1024xi32>
    %broadcast_in_dim3A_69 = arith.constant 0 : i32
    %broadcast_in_dim3A_70 = vector.broadcast %broadcast_in_dim3A_69 : i32 to vector<512x256xi32>
    %slice3A_71 = vector.extract_strided_slice %add3A_68 {offsets = [0, 0], sizes = [512, 768], strides = [1, 1]} : vector<512x1024xi32> to vector<512x768xi32>
    %concatenate3A_72 = tpu.concatenate %broadcast_in_dim3A_70, %slice3A_71 in 1 : vector<512x256xi32>, vector<512x768xi32> -> vector<512x1024xi32>
    %add3A_73 = arith.addi %add3A_68, %concatenate3A_72 : vector<512x1024xi32>
    %broadcast_in_dim3A_74 = arith.constant 0 : i32
    %broadcast_in_dim3A_75 = vector.broadcast %broadcast_in_dim3A_74 : i32 to vector<512x512xi32>
    %slice3A_76 = vector.extract_strided_slice %add3A_73 {offsets = [0, 0], sizes = [512, 512], strides = [1, 1]} : vector<512x1024xi32> to vector<512x512xi32>
    %concatenate3A_77 = tpu.concatenate %broadcast_in_dim3A_75, %slice3A_76 in 1 : vector<512x512xi32>, vector<512x512xi32> -> vector<512x1024xi32>
    %add3A_78 = arith.addi %add3A_73, %concatenate3A_77 : vector<512x1024xi32>
    %slice3A_79 = vector.extract_strided_slice %add3A_78 {offsets = [0, 1023], sizes = [512, 1], strides = [1, 1]} : vector<512x1024xi32> to vector<512x1xi32>
    %jit3A = arith.constant 0 : i32
    %broadcast_in_dim3A_80 = vector.broadcast %jit3A : i32 to vector<512x1024xi32>
    %select_n3A = arith.select %le3A_30, %add3A_78, %broadcast_in_dim3A_80 : vector<512x1024xi1>, vector<512x1024xi32>
    %iota3A = tpu.iota {dimensions = array<i32: 1>} : vector<512x1024xi32>
    %eq3A = arith.constant 1 : i32
    %eq3A_81 = vector.broadcast %eq3A : i32 to vector<512x1024xi32>
    %eq3A_82 = arith.cmpi eq, %select_n3A, %eq3A_81 : vector<512x1024xi32>
    %jit3A_83 = arith.constant 1024 : i32
    %broadcast_in_dim3A_84 = vector.broadcast %jit3A_83 : i32 to vector<512x1024xi32>
    %select_n3A_85 = arith.select %eq3A_82, %iota3A, %broadcast_in_dim3A_84 : vector<512x1024xi1>, vector<512x1024xi32>
    %reduce_min3A = arith.constant dense<2147483647> : vector<512xi32>
    %reduce_min3A_86 = vector.multi_reduction <minsi>, %select_n3A_85, %reduce_min3A [1] : vector<512x1024xi32> to vector<512xi32>
    %broadcast_in_dim3A_87 = vector.shape_cast %reduce_min3A_86 : vector<512xi32> to vector<512x1xi32>
    %gt3A = arith.constant 0 : i32
    %gt3A_88 = vector.broadcast %gt3A : i32 to vector<512x1xi32>
    %gt3A_89 = arith.cmpi sgt, %slice3A_79, %gt3A_88 : vector<512x1xi32>
    %jit3A_90 = arith.constant 0 : i32
    %broadcast_in_dim3A_91 = vector.broadcast %jit3A_90 : i32 to vector<512x1xi32>
    %select_n3A_92 = arith.select %gt3A_89, %broadcast_in_dim3A_87, %broadcast_in_dim3A_91 : vector<512x1xi1>, vector<512x1xi32>
    %mul3A_93 = arith.constant 1024 : i32
    %mul3A_94 = arith.muli %arg0, %mul3A_93 : i32
    %eq3A_95 = arith.constant 1 : i32
    %eq3A_96 = vector.broadcast %eq3A_95 : i32 to vector<512x1024xi32>
    %eq3A_97 = arith.cmpi eq, %select_n3A, %eq3A_96 : vector<512x1024xi32>
    %jit3A_98 = arith.constant 1024 : i32
    %broadcast_in_dim3A_99 = vector.broadcast %jit3A_98 : i32 to vector<512x1024xi32>
    %select_n3A_100 = arith.select %eq3A_97, %iota3A, %broadcast_in_dim3A_99 : vector<512x1024xi1>, vector<512x1024xi32>
    %reduce_min3A_101 = arith.constant dense<2147483647> : vector<512xi32>
    %reduce_min3A_102 = vector.multi_reduction <minsi>, %select_n3A_100, %reduce_min3A_101 [1] : vector<512x1024xi32> to vector<512xi32>
    %broadcast_in_dim3A_103 = vector.shape_cast %reduce_min3A_102 : vector<512xi32> to vector<512x1xi32>
    %gt3A_104 = arith.constant 0 : i32
    %gt3A_105 = vector.broadcast %gt3A_104 : i32 to vector<512x1xi32>
    %gt3A_106 = arith.cmpi sgt, %slice3A_79, %gt3A_105 : vector<512x1xi32>
    %select_n3A_107 = arith.select %gt3A_106, %broadcast_in_dim3A_103, %select_n3A_92 : vector<512x1xi1>, vector<512x1xi32>
    %add3A_108 = vector.broadcast %mul3A_94 : i32 to vector<512x1xi32>
    %add3A_109 = arith.addi %select_n3A_107, %add3A_108 : vector<512x1xi32>
    %swap3A = arith.constant 0 : index
    %swap3A_110 = arith.constant 0 : index
    %swap3A_111 = arith.constant 0 : index
    %swap3A_112 = vector.load %arg3[%swap3A, %swap3A_110, %swap3A_111] : memref<1x512x32xi32, #tpu.memory_space<vmem>>, vector<1x512x1xi32>
    %swap3A_113 = vector.shape_cast %swap3A_112 : vector<1x512x1xi32> to vector<512x1xi32>
    %swap3A_114 = vector.shape_cast %add3A_109 : vector<512x1xi32> to vector<1x512x1xi32>
    tpu.vector_store %arg3[%swap3A, %swap3A_110, %swap3A_111], %swap3A_114 {strides = array<i32>} : memref<1x512x32xi32, #tpu.memory_space<vmem>>, vector<1x512x1xi32>,
    %eq3A_115 = arith.constant 2 : i32
    %eq3A_116 = vector.broadcast %eq3A_115 : i32 to vector<512x1024xi32>
    %eq3A_117 = arith.cmpi eq, %select_n3A, %eq3A_116 : vector<512x1024xi32>
    %jit3A_118 = arith.constant 1024 : i32
    %broadcast_in_dim3A_119 = vector.broadcast %jit3A_118 : i32 to vector<512x1024xi32>
    %select_n3A_120 = arith.select %eq3A_117, %iota3A, %broadcast_in_dim3A_119 : vector<512x1024xi1>, vector<512x1024xi32>
    %reduce_min3A_121 = arith.constant dense<2147483647> : vector<512xi32>
    %reduce_min3A_122 = vector.multi_reduction <minsi>, %select_n3A_120, %reduce_min3A_121 [1] : vector<512x1024xi32> to vector<512xi32>
    %broadcast_in_dim3A_123 = vector.shape_cast %reduce_min3A_122 : vector<512xi32> to vector<512x1xi32>
    %gt3A_124 = arith.constant 1 : i32
    %gt3A_125 = vector.broadcast %gt3A_124 : i32 to vector<512x1xi32>
    %gt3A_126 = arith.cmpi sgt, %slice3A_79, %gt3A_125 : vector<512x1xi32>
    %select_n3A_127 = arith.select %gt3A_126, %broadcast_in_dim3A_123, %select_n3A_92 : vector<512x1xi1>, vector<512x1xi32>
    %add3A_128 = vector.broadcast %mul3A_94 : i32 to vector<512x1xi32>
    %add3A_129 = arith.addi %select_n3A_127, %add3A_128 : vector<512x1xi32>
    %swap3A_130 = arith.constant 0 : index
    %swap3A_131 = arith.constant 0 : index
    %swap3A_132 = arith.constant 1 : index
    %swap3A_133 = vector.load %arg3[%swap3A_130, %swap3A_131, %swap3A_132] : memref<1x512x32xi32, #tpu.memory_space<vmem>>, vector<1x512x1xi32>
    %swap3A_134 = vector.shape_cast %swap3A_133 : vector<1x512x1xi32> to vector<512x1xi32>
    %swap3A_135 = vector.shape_cast %add3A_129 : vector<512x1xi32> to vector<1x512x1xi32>
    tpu.vector_store %arg3[%swap3A_130, %swap3A_131, %swap3A_132], %swap3A_135 {strides = array<i32>} : memref<1x512x32xi32, #tpu.memory_space<vmem>>, vector<1x512x1xi32>,
    %eq3A_136 = arith.constant 3 : i32
    %eq3A_137 = vector.broadcast %eq3A_136 : i32 to vector<512x1024xi32>
    %eq3A_138 = arith.cmpi eq, %select_n3A, %eq3A_137 : vector<512x1024xi32>
    %jit3A_139 = arith.constant 1024 : i32
    %broadcast_in_dim3A_140 = vector.broadcast %jit3A_139 : i32 to vector<512x1024xi32>
    %select_n3A_141 = arith.select %eq3A_138, %iota3A, %broadcast_in_dim3A_140 : vector<512x1024xi1>, vector<512x1024xi32>
    %reduce_min3A_142 = arith.constant dense<2147483647> : vector<512xi32>
    %reduce_min3A_143 = vector.multi_reduction <minsi>, %select_n3A_141, %reduce_min3A_142 [1] : vector<512x1024xi32> to vector<512xi32>
    %broadcast_in_dim3A_144 = vector.shape_cast %reduce_min3A_143 : vector<512xi32> to vector<512x1xi32>
    %gt3A_145 = arith.constant 2 : i32
    %gt3A_146 = vector.broadcast %gt3A_145 : i32 to vector<512x1xi32>
    %gt3A_147 = arith.cmpi sgt, %slice3A_79, %gt3A_146 : vector<512x1xi32>
    %select_n3A_148 = arith.select %gt3A_147, %broadcast_in_dim3A_144, %select_n3A_92 : vector<512x1xi1>, vector<512x1xi32>
    %add3A_149 = vector.broadcast %mul3A_94 : i32 to vector<512x1xi32>
    %add3A_150 = arith.addi %select_n3A_148, %add3A_149 : vector<512x1xi32>
    %swap3A_151 = arith.constant 0 : index
    %swap3A_152 = arith.constant 0 : index
    %swap3A_153 = arith.constant 2 : index
    %swap3A_154 = vector.load %arg3[%swap3A_151, %swap3A_152, %swap3A_153] : memref<1x512x32xi32, #tpu.memory_space<vmem>>, vector<1x512x1xi32>
    %swap3A_155 = vector.shape_cast %swap3A_154 : vector<1x512x1xi32> to vector<512x1xi32>
    %swap3A_156 = vector.shape_cast %add3A_150 : vector<512x1xi32> to vector<1x512x1xi32>
    tpu.vector_store %arg3[%swap3A_151, %swap3A_152, %swap3A_153], %swap3A_156 {strides = array<i32>} : memref<1x512x32xi32, #tpu.memory_space<vmem>>, vector<1x512x1xi32>,
    %eq3A_157 = arith.constant 4 : i32
    %eq3A_158 = vector.broadcast %eq3A_157 : i32 to vector<512x1024xi32>
    %eq3A_159 = arith.cmpi eq, %select_n3A, %eq3A_158 : vector<512x1024xi32>
    %jit3A_160 = arith.constant 1024 : i32
    %broadcast_in_dim3A_161 = vector.broadcast %jit3A_160 : i32 to vector<512x1024xi32>
    %select_n3A_162 = arith.select %eq3A_159, %iota3A, %broadcast_in_dim3A_161 : vector<512x1024xi1>, vector<512x1024xi32>
    %reduce_min3A_163 = arith.constant dense<2147483647> : vector<512xi32>
    %reduce_min3A_164 = vector.multi_reduction <minsi>, %select_n3A_162, %reduce_min3A_163 [1] : vector<512x1024xi32> to vector<512xi32>
    %broadcast_in_dim3A_165 = vector.shape_cast %reduce_min3A_164 : vector<512xi32> to vector<512x1xi32>
    %gt3A_166 = arith.constant 3 : i32
    %gt3A_167 = vector.broadcast %gt3A_166 : i32 to vector<512x1xi32>
    %gt3A_168 = arith.cmpi sgt, %slice3A_79, %gt3A_167 : vector<512x1xi32>
    %select_n3A_169 = arith.select %gt3A_168, %broadcast_in_dim3A_165, %select_n3A_92 : vector<512x1xi1>, vector<512x1xi32>
    %add3A_170 = vector.broadcast %mul3A_94 : i32 to vector<512x1xi32>
    %add3A_171 = arith.addi %select_n3A_169, %add3A_170 : vector<512x1xi32>
    %swap3A_172 = arith.constant 0 : index
    %swap3A_173 = arith.constant 0 : index
    %swap3A_174 = arith.constant 3 : index
    %swap3A_175 = vector.load %arg3[%swap3A_172, %swap3A_173, %swap3A_174] : memref<1x512x32xi32, #tpu.memory_space<vmem>>, vector<1x512x1xi32>
    %swap3A_176 = vector.shape_cast %swap3A_175 : vector<1x512x1xi32> to vector<512x1xi32>
    %swap3A_177 = vector.shape_cast %add3A_171 : vector<512x1xi32> to vector<1x512x1xi32>
    tpu.vector_store %arg3[%swap3A_172, %swap3A_173, %swap3A_174], %swap3A_177 {strides = array<i32>} : memref<1x512x32xi32, #tpu.memory_space<vmem>>, vector<1x512x1xi32>,
    %eq3A_178 = arith.constant 5 : i32
    %eq3A_179 = vector.broadcast %eq3A_178 : i32 to vector<512x1024xi32>
    %eq3A_180 = arith.cmpi eq, %select_n3A, %eq3A_179 : vector<512x1024xi32>
    %jit3A_181 = arith.constant 1024 : i32
    %broadcast_in_dim3A_182 = vector.broadcast %jit3A_181 : i32 to vector<512x1024xi32>
    %select_n3A_183 = arith.select %eq3A_180, %iota3A, %broadcast_in_dim3A_182 : vector<512x1024xi1>, vector<512x1024xi32>
    %reduce_min3A_184 = arith.constant dense<2147483647> : vector<512xi32>
    %reduce_min3A_185 = vector.multi_reduction <minsi>, %select_n3A_183, %reduce_min3A_184 [1] : vector<512x1024xi32> to vector<512xi32>
    %broadcast_in_dim3A_186 = vector.shape_cast %reduce_min3A_185 : vector<512xi32> to vector<512x1xi32>
    %gt3A_187 = arith.constant 4 : i32
    %gt3A_188 = vector.broadcast %gt3A_187 : i32 to vector<512x1xi32>
    %gt3A_189 = arith.cmpi sgt, %slice3A_79, %gt3A_188 : vector<512x1xi32>
    %select_n3A_190 = arith.select %gt3A_189, %broadcast_in_dim3A_186, %select_n3A_92 : vector<512x1xi1>, vector<512x1xi32>
    %add3A_191 = vector.broadcast %mul3A_94 : i32 to vector<512x1xi32>
    %add3A_192 = arith.addi %select_n3A_190, %add3A_191 : vector<512x1xi32>
    %swap3A_193 = arith.constant 0 : index
    %swap3A_194 = arith.constant 0 : index
    %swap3A_195 = arith.constant 4 : index
    %swap3A_196 = vector.load %arg3[%swap3A_193, %swap3A_194, %swap3A_195] : memref<1x512x32xi32, #tpu.memory_space<vmem>>, vector<1x512x1xi32>
    %swap3A_197 = vector.shape_cast %swap3A_196 : vector<1x512x1xi32> to vector<512x1xi32>
    %swap3A_198 = vector.shape_cast %add3A_192 : vector<512x1xi32> to vector<1x512x1xi32>
    tpu.vector_store %arg3[%swap3A_193, %swap3A_194, %swap3A_195], %swap3A_198 {strides = array<i32>} : memref<1x512x32xi32, #tpu.memory_space<vmem>>, vector<1x512x1xi32>,
    %eq3A_199 = arith.constant 6 : i32
    %eq3A_200 = vector.broadcast %eq3A_199 : i32 to vector<512x1024xi32>
    %eq3A_201 = arith.cmpi eq, %select_n3A, %eq3A_200 : vector<512x1024xi32>
    %jit3A_202 = arith.constant 1024 : i32
    %broadcast_in_dim3A_203 = vector.broadcast %jit3A_202 : i32 to vector<512x1024xi32>
    %select_n3A_204 = arith.select %eq3A_201, %iota3A, %broadcast_in_dim3A_203 : vector<512x1024xi1>, vector<512x1024xi32>
    %reduce_min3A_205 = arith.constant dense<2147483647> : vector<512xi32>
    %reduce_min3A_206 = vector.multi_reduction <minsi>, %select_n3A_204, %reduce_min3A_205 [1] : vector<512x1024xi32> to vector<512xi32>
    %broadcast_in_dim3A_207 = vector.shape_cast %reduce_min3A_206 : vector<512xi32> to vector<512x1xi32>
    %gt3A_208 = arith.constant 5 : i32
    %gt3A_209 = vector.broadcast %gt3A_208 : i32 to vector<512x1xi32>
    %gt3A_210 = arith.cmpi sgt, %slice3A_79, %gt3A_209 : vector<512x1xi32>
    %select_n3A_211 = arith.select %gt3A_210, %broadcast_in_dim3A_207, %select_n3A_92 : vector<512x1xi1>, vector<512x1xi32>
    %add3A_212 = vector.broadcast %mul3A_94 : i32 to vector<512x1xi32>
    %add3A_213 = arith.addi %select_n3A_211, %add3A_212 : vector<512x1xi32>
    %swap3A_214 = arith.constant 0 : index
    %swap3A_215 = arith.constant 0 : index
    %swap3A_216 = arith.constant 5 : index
    %swap3A_217 = vector.load %arg3[%swap3A_214, %swap3A_215, %swap3A_216] : memref<1x512x32xi32, #tpu.memory_space<vmem>>, vector<1x512x1xi32>
    %swap3A_218 = vector.shape_cast %swap3A_217 : vector<1x512x1xi32> to vector<512x1xi32>
    %swap3A_219 = vector.shape_cast %add3A_213 : vector<512x1xi32> to vector<1x512x1xi32>
    tpu.vector_store %arg3[%swap3A_214, %swap3A_215, %swap3A_216], %swap3A_219 {strides = array<i32>} : memref<1x512x32xi32, #tpu.memory_space<vmem>>, vector<1x512x1xi32>,
    %eq3A_220 = arith.constant 7 : i32
    %eq3A_221 = vector.broadcast %eq3A_220 : i32 to vector<512x1024xi32>
    %eq3A_222 = arith.cmpi eq, %select_n3A, %eq3A_221 : vector<512x1024xi32>
    %jit3A_223 = arith.constant 1024 : i32
    %broadcast_in_dim3A_224 = vector.broadcast %jit3A_223 : i32 to vector<512x1024xi32>
    %select_n3A_225 = arith.select %eq3A_222, %iota3A, %broadcast_in_dim3A_224 : vector<512x1024xi1>, vector<512x1024xi32>
    %reduce_min3A_226 = arith.constant dense<2147483647> : vector<512xi32>
    %reduce_min3A_227 = vector.multi_reduction <minsi>, %select_n3A_225, %reduce_min3A_226 [1] : vector<512x1024xi32> to vector<512xi32>
    %broadcast_in_dim3A_228 = vector.shape_cast %reduce_min3A_227 : vector<512xi32> to vector<512x1xi32>
    %gt3A_229 = arith.constant 6 : i32
    %gt3A_230 = vector.broadcast %gt3A_229 : i32 to vector<512x1xi32>
    %gt3A_231 = arith.cmpi sgt, %slice3A_79, %gt3A_230 : vector<512x1xi32>
    %select_n3A_232 = arith.select %gt3A_231, %broadcast_in_dim3A_228, %select_n3A_92 : vector<512x1xi1>, vector<512x1xi32>
    %add3A_233 = vector.broadcast %mul3A_94 : i32 to vector<512x1xi32>
    %add3A_234 = arith.addi %select_n3A_232, %add3A_233 : vector<512x1xi32>
    %swap3A_235 = arith.constant 0 : index
    %swap3A_236 = arith.constant 0 : index
    %swap3A_237 = arith.constant 6 : index
    %swap3A_238 = vector.load %arg3[%swap3A_235, %swap3A_236, %swap3A_237] : memref<1x512x32xi32, #tpu.memory_space<vmem>>, vector<1x512x1xi32>
    %swap3A_239 = vector.shape_cast %swap3A_238 : vector<1x512x1xi32> to vector<512x1xi32>
    %swap3A_240 = vector.shape_cast %add3A_234 : vector<512x1xi32> to vector<1x512x1xi32>
    tpu.vector_store %arg3[%swap3A_235, %swap3A_236, %swap3A_237], %swap3A_240 {strides = array<i32>} : memref<1x512x32xi32, #tpu.memory_space<vmem>>, vector<1x512x1xi32>,
    %eq3A_241 = arith.constant 8 : i32
    %eq3A_242 = vector.broadcast %eq3A_241 : i32 to vector<512x1024xi32>
    %eq3A_243 = arith.cmpi eq, %select_n3A, %eq3A_242 : vector<512x1024xi32>
    %jit3A_244 = arith.constant 1024 : i32
    %broadcast_in_dim3A_245 = vector.broadcast %jit3A_244 : i32 to vector<512x1024xi32>
    %select_n3A_246 = arith.select %eq3A_243, %iota3A, %broadcast_in_dim3A_245 : vector<512x1024xi1>, vector<512x1024xi32>
    %reduce_min3A_247 = arith.constant dense<2147483647> : vector<512xi32>
    %reduce_min3A_248 = vector.multi_reduction <minsi>, %select_n3A_246, %reduce_min3A_247 [1] : vector<512x1024xi32> to vector<512xi32>
    %broadcast_in_dim3A_249 = vector.shape_cast %reduce_min3A_248 : vector<512xi32> to vector<512x1xi32>
    %gt3A_250 = arith.constant 7 : i32
    %gt3A_251 = vector.broadcast %gt3A_250 : i32 to vector<512x1xi32>
    %gt3A_252 = arith.cmpi sgt, %slice3A_79, %gt3A_251 : vector<512x1xi32>
    %select_n3A_253 = arith.select %gt3A_252, %broadcast_in_dim3A_249, %select_n3A_92 : vector<512x1xi1>, vector<512x1xi32>
    %add3A_254 = vector.broadcast %mul3A_94 : i32 to vector<512x1xi32>
    %add3A_255 = arith.addi %select_n3A_253, %add3A_254 : vector<512x1xi32>
    %swap3A_256 = arith.constant 0 : index
    %swap3A_257 = arith.constant 0 : index
    %swap3A_258 = arith.constant 7 : index
    %swap3A_259 = vector.load %arg3[%swap3A_256, %swap3A_257, %swap3A_258] : memref<1x512x32xi32, #tpu.memory_space<vmem>>, vector<1x512x1xi32>
    %swap3A_260 = vector.shape_cast %swap3A_259 : vector<1x512x1xi32> to vector<512x1xi32>
    %swap3A_261 = vector.shape_cast %add3A_255 : vector<512x1xi32> to vector<1x512x1xi32>
    tpu.vector_store %arg3[%swap3A_256, %swap3A_257, %swap3A_258], %swap3A_261 {strides = array<i32>} : memref<1x512x32xi32, #tpu.memory_space<vmem>>, vector<1x512x1xi32>,
    %eq3A_262 = arith.constant 9 : i32
    %eq3A_263 = vector.broadcast %eq3A_262 : i32 to vector<512x1024xi32>
    %eq3A_264 = arith.cmpi eq, %select_n3A, %eq3A_263 : vector<512x1024xi32>
    %jit3A_265 = arith.constant 1024 : i32
    %broadcast_in_dim3A_266 = vector.broadcast %jit3A_265 : i32 to vector<512x1024xi32>
    %select_n3A_267 = arith.select %eq3A_264, %iota3A, %broadcast_in_dim3A_266 : vector<512x1024xi1>, vector<512x1024xi32>
    %reduce_min3A_268 = arith.constant dense<2147483647> : vector<512xi32>
    %reduce_min3A_269 = vector.multi_reduction <minsi>, %select_n3A_267, %reduce_min3A_268 [1] : vector<512x1024xi32> to vector<512xi32>
    %broadcast_in_dim3A_270 = vector.shape_cast %reduce_min3A_269 : vector<512xi32> to vector<512x1xi32>
    %gt3A_271 = arith.constant 8 : i32
    %gt3A_272 = vector.broadcast %gt3A_271 : i32 to vector<512x1xi32>
    %gt3A_273 = arith.cmpi sgt, %slice3A_79, %gt3A_272 : vector<512x1xi32>
    %select_n3A_274 = arith.select %gt3A_273, %broadcast_in_dim3A_270, %select_n3A_92 : vector<512x1xi1>, vector<512x1xi32>
    %add3A_275 = vector.broadcast %mul3A_94 : i32 to vector<512x1xi32>
    %add3A_276 = arith.addi %select_n3A_274, %add3A_275 : vector<512x1xi32>
    %swap3A_277 = arith.constant 0 : index
    %swap3A_278 = arith.constant 0 : index
    %swap3A_279 = arith.constant 8 : index
    %swap3A_280 = vector.load %arg3[%swap3A_277, %swap3A_278, %swap3A_279] : memref<1x512x32xi32, #tpu.memory_space<vmem>>, vector<1x512x1xi32>
    %swap3A_281 = vector.shape_cast %swap3A_280 : vector<1x512x1xi32> to vector<512x1xi32>
    %swap3A_282 = vector.shape_cast %add3A_276 : vector<512x1xi32> to vector<1x512x1xi32>
    tpu.vector_store %arg3[%swap3A_277, %swap3A_278, %swap3A_279], %swap3A_282 {strides = array<i32>} : memref<1x512x32xi32, #tpu.memory_space<vmem>>, vector<1x512x1xi32>,
    %eq3A_283 = arith.constant 10 : i32
    %eq3A_284 = vector.broadcast %eq3A_283 : i32 to vector<512x1024xi32>
    %eq3A_285 = arith.cmpi eq, %select_n3A, %eq3A_284 : vector<512x1024xi32>
    %jit3A_286 = arith.constant 1024 : i32
    %broadcast_in_dim3A_287 = vector.broadcast %jit3A_286 : i32 to vector<512x1024xi32>
    %select_n3A_288 = arith.select %eq3A_285, %iota3A, %broadcast_in_dim3A_287 : vector<512x1024xi1>, vector<512x1024xi32>
    %reduce_min3A_289 = arith.constant dense<2147483647> : vector<512xi32>
    %reduce_min3A_290 = vector.multi_reduction <minsi>, %select_n3A_288, %reduce_min3A_289 [1] : vector<512x1024xi32> to vector<512xi32>
    %broadcast_in_dim3A_291 = vector.shape_cast %reduce_min3A_290 : vector<512xi32> to vector<512x1xi32>
    %gt3A_292 = arith.constant 9 : i32
    %gt3A_293 = vector.broadcast %gt3A_292 : i32 to vector<512x1xi32>
    %gt3A_294 = arith.cmpi sgt, %slice3A_79, %gt3A_293 : vector<512x1xi32>
    %select_n3A_295 = arith.select %gt3A_294, %broadcast_in_dim3A_291, %select_n3A_92 : vector<512x1xi1>, vector<512x1xi32>
    %add3A_296 = vector.broadcast %mul3A_94 : i32 to vector<512x1xi32>
    %add3A_297 = arith.addi %select_n3A_295, %add3A_296 : vector<512x1xi32>
    %swap3A_298 = arith.constant 0 : index
    %swap3A_299 = arith.constant 0 : index
    %swap3A_300 = arith.constant 9 : index
    %swap3A_301 = vector.load %arg3[%swap3A_298, %swap3A_299, %swap3A_300] : memref<1x512x32xi32, #tpu.memory_space<vmem>>, vector<1x512x1xi32>
    %swap3A_302 = vector.shape_cast %swap3A_301 : vector<1x512x1xi32> to vector<512x1xi32>
    %swap3A_303 = vector.shape_cast %add3A_297 : vector<512x1xi32> to vector<1x512x1xi32>
    tpu.vector_store %arg3[%swap3A_298, %swap3A_299, %swap3A_300], %swap3A_303 {strides = array<i32>} : memref<1x512x32xi32, #tpu.memory_space<vmem>>, vector<1x512x1xi32>,
    %eq3A_304 = arith.constant 11 : i32
    %eq3A_305 = vector.broadcast %eq3A_304 : i32 to vector<512x1024xi32>
    %eq3A_306 = arith.cmpi eq, %select_n3A, %eq3A_305 : vector<512x1024xi32>
    %jit3A_307 = arith.constant 1024 : i32
    %broadcast_in_dim3A_308 = vector.broadcast %jit3A_307 : i32 to vector<512x1024xi32>
    %select_n3A_309 = arith.select %eq3A_306, %iota3A, %broadcast_in_dim3A_308 : vector<512x1024xi1>, vector<512x1024xi32>
    %reduce_min3A_310 = arith.constant dense<2147483647> : vector<512xi32>
    %reduce_min3A_311 = vector.multi_reduction <minsi>, %select_n3A_309, %reduce_min3A_310 [1] : vector<512x1024xi32> to vector<512xi32>
    %broadcast_in_dim3A_312 = vector.shape_cast %reduce_min3A_311 : vector<512xi32> to vector<512x1xi32>
    %gt3A_313 = arith.constant 10 : i32
    %gt3A_314 = vector.broadcast %gt3A_313 : i32 to vector<512x1xi32>
    %gt3A_315 = arith.cmpi sgt, %slice3A_79, %gt3A_314 : vector<512x1xi32>
    %select_n3A_316 = arith.select %gt3A_315, %broadcast_in_dim3A_312, %select_n3A_92 : vector<512x1xi1>, vector<512x1xi32>
    %add3A_317 = vector.broadcast %mul3A_94 : i32 to vector<512x1xi32>
    %add3A_318 = arith.addi %select_n3A_316, %add3A_317 : vector<512x1xi32>
    %swap3A_319 = arith.constant 0 : index
    %swap3A_320 = arith.constant 0 : index
    %swap3A_321 = arith.constant 10 : index
    %swap3A_322 = vector.load %arg3[%swap3A_319, %swap3A_320, %swap3A_321] : memref<1x512x32xi32, #tpu.memory_space<vmem>>, vector<1x512x1xi32>
    %swap3A_323 = vector.shape_cast %swap3A_322 : vector<1x512x1xi32> to vector<512x1xi32>
    %swap3A_324 = vector.shape_cast %add3A_318 : vector<512x1xi32> to vector<1x512x1xi32>
    tpu.vector_store %arg3[%swap3A_319, %swap3A_320, %swap3A_321], %swap3A_324 {strides = array<i32>} : memref<1x512x32xi32, #tpu.memory_space<vmem>>, vector<1x512x1xi32>,
    %eq3A_325 = arith.constant 12 : i32
    %eq3A_326 = vector.broadcast %eq3A_325 : i32 to vector<512x1024xi32>
    %eq3A_327 = arith.cmpi eq, %select_n3A, %eq3A_326 : vector<512x1024xi32>
    %jit3A_328 = arith.constant 1024 : i32
    %broadcast_in_dim3A_329 = vector.broadcast %jit3A_328 : i32 to vector<512x1024xi32>
    %select_n3A_330 = arith.select %eq3A_327, %iota3A, %broadcast_in_dim3A_329 : vector<512x1024xi1>, vector<512x1024xi32>
    %reduce_min3A_331 = arith.constant dense<2147483647> : vector<512xi32>
    %reduce_min3A_332 = vector.multi_reduction <minsi>, %select_n3A_330, %reduce_min3A_331 [1] : vector<512x1024xi32> to vector<512xi32>
    %broadcast_in_dim3A_333 = vector.shape_cast %reduce_min3A_332 : vector<512xi32> to vector<512x1xi32>
    %gt3A_334 = arith.constant 11 : i32
    %gt3A_335 = vector.broadcast %gt3A_334 : i32 to vector<512x1xi32>
    %gt3A_336 = arith.cmpi sgt, %slice3A_79, %gt3A_335 : vector<512x1xi32>
    %select_n3A_337 = arith.select %gt3A_336, %broadcast_in_dim3A_333, %select_n3A_92 : vector<512x1xi1>, vector<512x1xi32>
    %add3A_338 = vector.broadcast %mul3A_94 : i32 to vector<512x1xi32>
    %add3A_339 = arith.addi %select_n3A_337, %add3A_338 : vector<512x1xi32>
    %swap3A_340 = arith.constant 0 : index
    %swap3A_341 = arith.constant 0 : index
    %swap3A_342 = arith.constant 11 : index
    %swap3A_343 = vector.load %arg3[%swap3A_340, %swap3A_341, %swap3A_342] : memref<1x512x32xi32, #tpu.memory_space<vmem>>, vector<1x512x1xi32>
    %swap3A_344 = vector.shape_cast %swap3A_343 : vector<1x512x1xi32> to vector<512x1xi32>
    %swap3A_345 = vector.shape_cast %add3A_339 : vector<512x1xi32> to vector<1x512x1xi32>
    tpu.vector_store %arg3[%swap3A_340, %swap3A_341, %swap3A_342], %swap3A_345 {strides = array<i32>} : memref<1x512x32xi32, #tpu.memory_space<vmem>>, vector<1x512x1xi32>,
    %eq3A_346 = arith.constant 13 : i32
    %eq3A_347 = vector.broadcast %eq3A_346 : i32 to vector<512x1024xi32>
    %eq3A_348 = arith.cmpi eq, %select_n3A, %eq3A_347 : vector<512x1024xi32>
    %jit3A_349 = arith.constant 1024 : i32
    %broadcast_in_dim3A_350 = vector.broadcast %jit3A_349 : i32 to vector<512x1024xi32>
    %select_n3A_351 = arith.select %eq3A_348, %iota3A, %broadcast_in_dim3A_350 : vector<512x1024xi1>, vector<512x1024xi32>
    %reduce_min3A_352 = arith.constant dense<2147483647> : vector<512xi32>
    %reduce_min3A_353 = vector.multi_reduction <minsi>, %select_n3A_351, %reduce_min3A_352 [1] : vector<512x1024xi32> to vector<512xi32>
    %broadcast_in_dim3A_354 = vector.shape_cast %reduce_min3A_353 : vector<512xi32> to vector<512x1xi32>
    %gt3A_355 = arith.constant 12 : i32
    %gt3A_356 = vector.broadcast %gt3A_355 : i32 to vector<512x1xi32>
    %gt3A_357 = arith.cmpi sgt, %slice3A_79, %gt3A_356 : vector<512x1xi32>
    %select_n3A_358 = arith.select %gt3A_357, %broadcast_in_dim3A_354, %select_n3A_92 : vector<512x1xi1>, vector<512x1xi32>
    %add3A_359 = vector.broadcast %mul3A_94 : i32 to vector<512x1xi32>
    %add3A_360 = arith.addi %select_n3A_358, %add3A_359 : vector<512x1xi32>
    %swap3A_361 = arith.constant 0 : index
    %swap3A_362 = arith.constant 0 : index
    %swap3A_363 = arith.constant 12 : index
    %swap3A_364 = vector.load %arg3[%swap3A_361, %swap3A_362, %swap3A_363] : memref<1x512x32xi32, #tpu.memory_space<vmem>>, vector<1x512x1xi32>
    %swap3A_365 = vector.shape_cast %swap3A_364 : vector<1x512x1xi32> to vector<512x1xi32>
    %swap3A_366 = vector.shape_cast %add3A_360 : vector<512x1xi32> to vector<1x512x1xi32>
    tpu.vector_store %arg3[%swap3A_361, %swap3A_362, %swap3A_363], %swap3A_366 {strides = array<i32>} : memref<1x512x32xi32, #tpu.memory_space<vmem>>, vector<1x512x1xi32>,
    %eq3A_367 = arith.constant 14 : i32
    %eq3A_368 = vector.broadcast %eq3A_367 : i32 to vector<512x1024xi32>
    %eq3A_369 = arith.cmpi eq, %select_n3A, %eq3A_368 : vector<512x1024xi32>
    %jit3A_370 = arith.constant 1024 : i32
    %broadcast_in_dim3A_371 = vector.broadcast %jit3A_370 : i32 to vector<512x1024xi32>
    %select_n3A_372 = arith.select %eq3A_369, %iota3A, %broadcast_in_dim3A_371 : vector<512x1024xi1>, vector<512x1024xi32>
    %reduce_min3A_373 = arith.constant dense<2147483647> : vector<512xi32>
    %reduce_min3A_374 = vector.multi_reduction <minsi>, %select_n3A_372, %reduce_min3A_373 [1] : vector<512x1024xi32> to vector<512xi32>
    %broadcast_in_dim3A_375 = vector.shape_cast %reduce_min3A_374 : vector<512xi32> to vector<512x1xi32>
    %gt3A_376 = arith.constant 13 : i32
    %gt3A_377 = vector.broadcast %gt3A_376 : i32 to vector<512x1xi32>
    %gt3A_378 = arith.cmpi sgt, %slice3A_79, %gt3A_377 : vector<512x1xi32>
    %select_n3A_379 = arith.select %gt3A_378, %broadcast_in_dim3A_375, %select_n3A_92 : vector<512x1xi1>, vector<512x1xi32>
    %add3A_380 = vector.broadcast %mul3A_94 : i32 to vector<512x1xi32>
    %add3A_381 = arith.addi %select_n3A_379, %add3A_380 : vector<512x1xi32>
    %swap3A_382 = arith.constant 0 : index
    %swap3A_383 = arith.constant 0 : index
    %swap3A_384 = arith.constant 13 : index
    %swap3A_385 = vector.load %arg3[%swap3A_382, %swap3A_383, %swap3A_384] : memref<1x512x32xi32, #tpu.memory_space<vmem>>, vector<1x512x1xi32>
    %swap3A_386 = vector.shape_cast %swap3A_385 : vector<1x512x1xi32> to vector<512x1xi32>
    %swap3A_387 = vector.shape_cast %add3A_381 : vector<512x1xi32> to vector<1x512x1xi32>
    tpu.vector_store %arg3[%swap3A_382, %swap3A_383, %swap3A_384], %swap3A_387 {strides = array<i32>} : memref<1x512x32xi32, #tpu.memory_space<vmem>>, vector<1x512x1xi32>,
    %eq3A_388 = arith.constant 15 : i32
    %eq3A_389 = vector.broadcast %eq3A_388 : i32 to vector<512x1024xi32>
    %eq3A_390 = arith.cmpi eq, %select_n3A, %eq3A_389 : vector<512x1024xi32>
    %jit3A_391 = arith.constant 1024 : i32
    %broadcast_in_dim3A_392 = vector.broadcast %jit3A_391 : i32 to vector<512x1024xi32>
    %select_n3A_393 = arith.select %eq3A_390, %iota3A, %broadcast_in_dim3A_392 : vector<512x1024xi1>, vector<512x1024xi32>
    %reduce_min3A_394 = arith.constant dense<2147483647> : vector<512xi32>
    %reduce_min3A_395 = vector.multi_reduction <minsi>, %select_n3A_393, %reduce_min3A_394 [1] : vector<512x1024xi32> to vector<512xi32>
    %broadcast_in_dim3A_396 = vector.shape_cast %reduce_min3A_395 : vector<512xi32> to vector<512x1xi32>
    %gt3A_397 = arith.constant 14 : i32
    %gt3A_398 = vector.broadcast %gt3A_397 : i32 to vector<512x1xi32>
    %gt3A_399 = arith.cmpi sgt, %slice3A_79, %gt3A_398 : vector<512x1xi32>
    %select_n3A_400 = arith.select %gt3A_399, %broadcast_in_dim3A_396, %select_n3A_92 : vector<512x1xi1>, vector<512x1xi32>
    %add3A_401 = vector.broadcast %mul3A_94 : i32 to vector<512x1xi32>
    %add3A_402 = arith.addi %select_n3A_400, %add3A_401 : vector<512x1xi32>
    %swap3A_403 = arith.constant 0 : index
    %swap3A_404 = arith.constant 0 : index
    %swap3A_405 = arith.constant 14 : index
    %swap3A_406 = vector.load %arg3[%swap3A_403, %swap3A_404, %swap3A_405] : memref<1x512x32xi32, #tpu.memory_space<vmem>>, vector<1x512x1xi32>
    %swap3A_407 = vector.shape_cast %swap3A_406 : vector<1x512x1xi32> to vector<512x1xi32>
    %swap3A_408 = vector.shape_cast %add3A_402 : vector<512x1xi32> to vector<1x512x1xi32>
    tpu.vector_store %arg3[%swap3A_403, %swap3A_404, %swap3A_405], %swap3A_408 {strides = array<i32>} : memref<1x512x32xi32, #tpu.memory_space<vmem>>, vector<1x512x1xi32>,
    %eq3A_409 = arith.constant 16 : i32
    %eq3A_410 = vector.broadcast %eq3A_409 : i32 to vector<512x1024xi32>
    %eq3A_411 = arith.cmpi eq, %select_n3A, %eq3A_410 : vector<512x1024xi32>
    %jit3A_412 = arith.constant 1024 : i32
    %broadcast_in_dim3A_413 = vector.broadcast %jit3A_412 : i32 to vector<512x1024xi32>
    %select_n3A_414 = arith.select %eq3A_411, %iota3A, %broadcast_in_dim3A_413 : vector<512x1024xi1>, vector<512x1024xi32>
    %reduce_min3A_415 = arith.constant dense<2147483647> : vector<512xi32>
    %reduce_min3A_416 = vector.multi_reduction <minsi>, %select_n3A_414, %reduce_min3A_415 [1] : vector<512x1024xi32> to vector<512xi32>
    %broadcast_in_dim3A_417 = vector.shape_cast %reduce_min3A_416 : vector<512xi32> to vector<512x1xi32>
    %gt3A_418 = arith.constant 15 : i32
    %gt3A_419 = vector.broadcast %gt3A_418 : i32 to vector<512x1xi32>
    %gt3A_420 = arith.cmpi sgt, %slice3A_79, %gt3A_419 : vector<512x1xi32>
    %select_n3A_421 = arith.select %gt3A_420, %broadcast_in_dim3A_417, %select_n3A_92 : vector<512x1xi1>, vector<512x1xi32>
    %add3A_422 = vector.broadcast %mul3A_94 : i32 to vector<512x1xi32>
    %add3A_423 = arith.addi %select_n3A_421, %add3A_422 : vector<512x1xi32>
    %swap3A_424 = arith.constant 0 : index
    %swap3A_425 = arith.constant 0 : index
    %swap3A_426 = arith.constant 15 : index
    %swap3A_427 = vector.load %arg3[%swap3A_424, %swap3A_425, %swap3A_426] : memref<1x512x32xi32, #tpu.memory_space<vmem>>, vector<1x512x1xi32>
    %swap3A_428 = vector.shape_cast %swap3A_427 : vector<1x512x1xi32> to vector<512x1xi32>
    %swap3A_429 = vector.shape_cast %add3A_423 : vector<512x1xi32> to vector<1x512x1xi32>
    tpu.vector_store %arg3[%swap3A_424, %swap3A_425, %swap3A_426], %swap3A_429 {strides = array<i32>} : memref<1x512x32xi32, #tpu.memory_space<vmem>>, vector<1x512x1xi32>,
    %eq3A_430 = arith.constant 17 : i32
    %eq3A_431 = vector.broadcast %eq3A_430 : i32 to vector<512x1024xi32>
    %eq3A_432 = arith.cmpi eq, %select_n3A, %eq3A_431 : vector<512x1024xi32>
    %jit3A_433 = arith.constant 1024 : i32
    %broadcast_in_dim3A_434 = vector.broadcast %jit3A_433 : i32 to vector<512x1024xi32>
    %select_n3A_435 = arith.select %eq3A_432, %iota3A, %broadcast_in_dim3A_434 : vector<512x1024xi1>, vector<512x1024xi32>
    %reduce_min3A_436 = arith.constant dense<2147483647> : vector<512xi32>
    %reduce_min3A_437 = vector.multi_reduction <minsi>, %select_n3A_435, %reduce_min3A_436 [1] : vector<512x1024xi32> to vector<512xi32>
    %broadcast_in_dim3A_438 = vector.shape_cast %reduce_min3A_437 : vector<512xi32> to vector<512x1xi32>
    %gt3A_439 = arith.constant 16 : i32
    %gt3A_440 = vector.broadcast %gt3A_439 : i32 to vector<512x1xi32>
    %gt3A_441 = arith.cmpi sgt, %slice3A_79, %gt3A_440 : vector<512x1xi32>
    %select_n3A_442 = arith.select %gt3A_441, %broadcast_in_dim3A_438, %select_n3A_92 : vector<512x1xi1>, vector<512x1xi32>
    %add3A_443 = vector.broadcast %mul3A_94 : i32 to vector<512x1xi32>
    %add3A_444 = arith.addi %select_n3A_442, %add3A_443 : vector<512x1xi32>
    %swap3A_445 = arith.constant 0 : index
    %swap3A_446 = arith.constant 0 : index
    %swap3A_447 = arith.constant 16 : index
    %swap3A_448 = vector.load %arg3[%swap3A_445, %swap3A_446, %swap3A_447] : memref<1x512x32xi32, #tpu.memory_space<vmem>>, vector<1x512x1xi32>
    %swap3A_449 = vector.shape_cast %swap3A_448 : vector<1x512x1xi32> to vector<512x1xi32>
    %swap3A_450 = vector.shape_cast %add3A_444 : vector<512x1xi32> to vector<1x512x1xi32>
    tpu.vector_store %arg3[%swap3A_445, %swap3A_446, %swap3A_447], %swap3A_450 {strides = array<i32>} : memref<1x512x32xi32, #tpu.memory_space<vmem>>, vector<1x512x1xi32>,
    %eq3A_451 = arith.constant 18 : i32
    %eq3A_452 = vector.broadcast %eq3A_451 : i32 to vector<512x1024xi32>
    %eq3A_453 = arith.cmpi eq, %select_n3A, %eq3A_452 : vector<512x1024xi32>
    %jit3A_454 = arith.constant 1024 : i32
    %broadcast_in_dim3A_455 = vector.broadcast %jit3A_454 : i32 to vector<512x1024xi32>
    %select_n3A_456 = arith.select %eq3A_453, %iota3A, %broadcast_in_dim3A_455 : vector<512x1024xi1>, vector<512x1024xi32>
    %reduce_min3A_457 = arith.constant dense<2147483647> : vector<512xi32>
    %reduce_min3A_458 = vector.multi_reduction <minsi>, %select_n3A_456, %reduce_min3A_457 [1] : vector<512x1024xi32> to vector<512xi32>
    %broadcast_in_dim3A_459 = vector.shape_cast %reduce_min3A_458 : vector<512xi32> to vector<512x1xi32>
    %gt3A_460 = arith.constant 17 : i32
    %gt3A_461 = vector.broadcast %gt3A_460 : i32 to vector<512x1xi32>
    %gt3A_462 = arith.cmpi sgt, %slice3A_79, %gt3A_461 : vector<512x1xi32>
    %select_n3A_463 = arith.select %gt3A_462, %broadcast_in_dim3A_459, %select_n3A_92 : vector<512x1xi1>, vector<512x1xi32>
    %add3A_464 = vector.broadcast %mul3A_94 : i32 to vector<512x1xi32>
    %add3A_465 = arith.addi %select_n3A_463, %add3A_464 : vector<512x1xi32>
    %swap3A_466 = arith.constant 0 : index
    %swap3A_467 = arith.constant 0 : index
    %swap3A_468 = arith.constant 17 : index
    %swap3A_469 = vector.load %arg3[%swap3A_466, %swap3A_467, %swap3A_468] : memref<1x512x32xi32, #tpu.memory_space<vmem>>, vector<1x512x1xi32>
    %swap3A_470 = vector.shape_cast %swap3A_469 : vector<1x512x1xi32> to vector<512x1xi32>
    %swap3A_471 = vector.shape_cast %add3A_465 : vector<512x1xi32> to vector<1x512x1xi32>
    tpu.vector_store %arg3[%swap3A_466, %swap3A_467, %swap3A_468], %swap3A_471 {strides = array<i32>} : memref<1x512x32xi32, #tpu.memory_space<vmem>>, vector<1x512x1xi32>,
    %eq3A_472 = arith.constant 19 : i32
    %eq3A_473 = vector.broadcast %eq3A_472 : i32 to vector<512x1024xi32>
    %eq3A_474 = arith.cmpi eq, %select_n3A, %eq3A_473 : vector<512x1024xi32>
    %jit3A_475 = arith.constant 1024 : i32
    %broadcast_in_dim3A_476 = vector.broadcast %jit3A_475 : i32 to vector<512x1024xi32>
    %select_n3A_477 = arith.select %eq3A_474, %iota3A, %broadcast_in_dim3A_476 : vector<512x1024xi1>, vector<512x1024xi32>
    %reduce_min3A_478 = arith.constant dense<2147483647> : vector<512xi32>
    %reduce_min3A_479 = vector.multi_reduction <minsi>, %select_n3A_477, %reduce_min3A_478 [1] : vector<512x1024xi32> to vector<512xi32>
    %broadcast_in_dim3A_480 = vector.shape_cast %reduce_min3A_479 : vector<512xi32> to vector<512x1xi32>
    %gt3A_481 = arith.constant 18 : i32
    %gt3A_482 = vector.broadcast %gt3A_481 : i32 to vector<512x1xi32>
    %gt3A_483 = arith.cmpi sgt, %slice3A_79, %gt3A_482 : vector<512x1xi32>
    %select_n3A_484 = arith.select %gt3A_483, %broadcast_in_dim3A_480, %select_n3A_92 : vector<512x1xi1>, vector<512x1xi32>
    %add3A_485 = vector.broadcast %mul3A_94 : i32 to vector<512x1xi32>
    %add3A_486 = arith.addi %select_n3A_484, %add3A_485 : vector<512x1xi32>
    %swap3A_487 = arith.constant 0 : index
    %swap3A_488 = arith.constant 0 : index
    %swap3A_489 = arith.constant 18 : index
    %swap3A_490 = vector.load %arg3[%swap3A_487, %swap3A_488, %swap3A_489] : memref<1x512x32xi32, #tpu.memory_space<vmem>>, vector<1x512x1xi32>
    %swap3A_491 = vector.shape_cast %swap3A_490 : vector<1x512x1xi32> to vector<512x1xi32>
    %swap3A_492 = vector.shape_cast %add3A_486 : vector<512x1xi32> to vector<1x512x1xi32>
    tpu.vector_store %arg3[%swap3A_487, %swap3A_488, %swap3A_489], %swap3A_492 {strides = array<i32>} : memref<1x512x32xi32, #tpu.memory_space<vmem>>, vector<1x512x1xi32>,
    %eq3A_493 = arith.constant 20 : i32
    %eq3A_494 = vector.broadcast %eq3A_493 : i32 to vector<512x1024xi32>
    %eq3A_495 = arith.cmpi eq, %select_n3A, %eq3A_494 : vector<512x1024xi32>
    %jit3A_496 = arith.constant 1024 : i32
    %broadcast_in_dim3A_497 = vector.broadcast %jit3A_496 : i32 to vector<512x1024xi32>
    %select_n3A_498 = arith.select %eq3A_495, %iota3A, %broadcast_in_dim3A_497 : vector<512x1024xi1>, vector<512x1024xi32>
    %reduce_min3A_499 = arith.constant dense<2147483647> : vector<512xi32>
    %reduce_min3A_500 = vector.multi_reduction <minsi>, %select_n3A_498, %reduce_min3A_499 [1] : vector<512x1024xi32> to vector<512xi32>
    %broadcast_in_dim3A_501 = vector.shape_cast %reduce_min3A_500 : vector<512xi32> to vector<512x1xi32>
    %gt3A_502 = arith.constant 19 : i32
    %gt3A_503 = vector.broadcast %gt3A_502 : i32 to vector<512x1xi32>
    %gt3A_504 = arith.cmpi sgt, %slice3A_79, %gt3A_503 : vector<512x1xi32>
    %select_n3A_505 = arith.select %gt3A_504, %broadcast_in_dim3A_501, %select_n3A_92 : vector<512x1xi1>, vector<512x1xi32>
    %add3A_506 = vector.broadcast %mul3A_94 : i32 to vector<512x1xi32>
    %add3A_507 = arith.addi %select_n3A_505, %add3A_506 : vector<512x1xi32>
    %swap3A_508 = arith.constant 0 : index
    %swap3A_509 = arith.constant 0 : index
    %swap3A_510 = arith.constant 19 : index
    %swap3A_511 = vector.load %arg3[%swap3A_508, %swap3A_509, %swap3A_510] : memref<1x512x32xi32, #tpu.memory_space<vmem>>, vector<1x512x1xi32>
    %swap3A_512 = vector.shape_cast %swap3A_511 : vector<1x512x1xi32> to vector<512x1xi32>
    %swap3A_513 = vector.shape_cast %add3A_507 : vector<512x1xi32> to vector<1x512x1xi32>
    tpu.vector_store %arg3[%swap3A_508, %swap3A_509, %swap3A_510], %swap3A_513 {strides = array<i32>} : memref<1x512x32xi32, #tpu.memory_space<vmem>>, vector<1x512x1xi32>,
    %eq3A_514 = arith.constant 21 : i32
    %eq3A_515 = vector.broadcast %eq3A_514 : i32 to vector<512x1024xi32>
    %eq3A_516 = arith.cmpi eq, %select_n3A, %eq3A_515 : vector<512x1024xi32>
    %jit3A_517 = arith.constant 1024 : i32
    %broadcast_in_dim3A_518 = vector.broadcast %jit3A_517 : i32 to vector<512x1024xi32>
    %select_n3A_519 = arith.select %eq3A_516, %iota3A, %broadcast_in_dim3A_518 : vector<512x1024xi1>, vector<512x1024xi32>
    %reduce_min3A_520 = arith.constant dense<2147483647> : vector<512xi32>
    %reduce_min3A_521 = vector.multi_reduction <minsi>, %select_n3A_519, %reduce_min3A_520 [1] : vector<512x1024xi32> to vector<512xi32>
    %broadcast_in_dim3A_522 = vector.shape_cast %reduce_min3A_521 : vector<512xi32> to vector<512x1xi32>
    %gt3A_523 = arith.constant 20 : i32
    %gt3A_524 = vector.broadcast %gt3A_523 : i32 to vector<512x1xi32>
    %gt3A_525 = arith.cmpi sgt, %slice3A_79, %gt3A_524 : vector<512x1xi32>
    %select_n3A_526 = arith.select %gt3A_525, %broadcast_in_dim3A_522, %select_n3A_92 : vector<512x1xi1>, vector<512x1xi32>
    %add3A_527 = vector.broadcast %mul3A_94 : i32 to vector<512x1xi32>
    %add3A_528 = arith.addi %select_n3A_526, %add3A_527 : vector<512x1xi32>
    %swap3A_529 = arith.constant 0 : index
    %swap3A_530 = arith.constant 0 : index
    %swap3A_531 = arith.constant 20 : index
    %swap3A_532 = vector.load %arg3[%swap3A_529, %swap3A_530, %swap3A_531] : memref<1x512x32xi32, #tpu.memory_space<vmem>>, vector<1x512x1xi32>
    %swap3A_533 = vector.shape_cast %swap3A_532 : vector<1x512x1xi32> to vector<512x1xi32>
    %swap3A_534 = vector.shape_cast %add3A_528 : vector<512x1xi32> to vector<1x512x1xi32>
    tpu.vector_store %arg3[%swap3A_529, %swap3A_530, %swap3A_531], %swap3A_534 {strides = array<i32>} : memref<1x512x32xi32, #tpu.memory_space<vmem>>, vector<1x512x1xi32>,
    %eq3A_535 = arith.constant 22 : i32
    %eq3A_536 = vector.broadcast %eq3A_535 : i32 to vector<512x1024xi32>
    %eq3A_537 = arith.cmpi eq, %select_n3A, %eq3A_536 : vector<512x1024xi32>
    %jit3A_538 = arith.constant 1024 : i32
    %broadcast_in_dim3A_539 = vector.broadcast %jit3A_538 : i32 to vector<512x1024xi32>
    %select_n3A_540 = arith.select %eq3A_537, %iota3A, %broadcast_in_dim3A_539 : vector<512x1024xi1>, vector<512x1024xi32>
    %reduce_min3A_541 = arith.constant dense<2147483647> : vector<512xi32>
    %reduce_min3A_542 = vector.multi_reduction <minsi>, %select_n3A_540, %reduce_min3A_541 [1] : vector<512x1024xi32> to vector<512xi32>
    %broadcast_in_dim3A_543 = vector.shape_cast %reduce_min3A_542 : vector<512xi32> to vector<512x1xi32>
    %gt3A_544 = arith.constant 21 : i32
    %gt3A_545 = vector.broadcast %gt3A_544 : i32 to vector<512x1xi32>
    %gt3A_546 = arith.cmpi sgt, %slice3A_79, %gt3A_545 : vector<512x1xi32>
    %select_n3A_547 = arith.select %gt3A_546, %broadcast_in_dim3A_543, %select_n3A_92 : vector<512x1xi1>, vector<512x1xi32>
    %add3A_548 = vector.broadcast %mul3A_94 : i32 to vector<512x1xi32>
    %add3A_549 = arith.addi %select_n3A_547, %add3A_548 : vector<512x1xi32>
    %swap3A_550 = arith.constant 0 : index
    %swap3A_551 = arith.constant 0 : index
    %swap3A_552 = arith.constant 21 : index
    %swap3A_553 = vector.load %arg3[%swap3A_550, %swap3A_551, %swap3A_552] : memref<1x512x32xi32, #tpu.memory_space<vmem>>, vector<1x512x1xi32>
    %swap3A_554 = vector.shape_cast %swap3A_553 : vector<1x512x1xi32> to vector<512x1xi32>
    %swap3A_555 = vector.shape_cast %add3A_549 : vector<512x1xi32> to vector<1x512x1xi32>
    tpu.vector_store %arg3[%swap3A_550, %swap3A_551, %swap3A_552], %swap3A_555 {strides = array<i32>} : memref<1x512x32xi32, #tpu.memory_space<vmem>>, vector<1x512x1xi32>,
    %eq3A_556 = arith.constant 23 : i32
    %eq3A_557 = vector.broadcast %eq3A_556 : i32 to vector<512x1024xi32>
    %eq3A_558 = arith.cmpi eq, %select_n3A, %eq3A_557 : vector<512x1024xi32>
    %jit3A_559 = arith.constant 1024 : i32
    %broadcast_in_dim3A_560 = vector.broadcast %jit3A_559 : i32 to vector<512x1024xi32>
    %select_n3A_561 = arith.select %eq3A_558, %iota3A, %broadcast_in_dim3A_560 : vector<512x1024xi1>, vector<512x1024xi32>
    %reduce_min3A_562 = arith.constant dense<2147483647> : vector<512xi32>
    %reduce_min3A_563 = vector.multi_reduction <minsi>, %select_n3A_561, %reduce_min3A_562 [1] : vector<512x1024xi32> to vector<512xi32>
    %broadcast_in_dim3A_564 = vector.shape_cast %reduce_min3A_563 : vector<512xi32> to vector<512x1xi32>
    %gt3A_565 = arith.constant 22 : i32
    %gt3A_566 = vector.broadcast %gt3A_565 : i32 to vector<512x1xi32>
    %gt3A_567 = arith.cmpi sgt, %slice3A_79, %gt3A_566 : vector<512x1xi32>
    %select_n3A_568 = arith.select %gt3A_567, %broadcast_in_dim3A_564, %select_n3A_92 : vector<512x1xi1>, vector<512x1xi32>
    %add3A_569 = vector.broadcast %mul3A_94 : i32 to vector<512x1xi32>
    %add3A_570 = arith.addi %select_n3A_568, %add3A_569 : vector<512x1xi32>
    %swap3A_571 = arith.constant 0 : index
    %swap3A_572 = arith.constant 0 : index
    %swap3A_573 = arith.constant 22 : index
    %swap3A_574 = vector.load %arg3[%swap3A_571, %swap3A_572, %swap3A_573] : memref<1x512x32xi32, #tpu.memory_space<vmem>>, vector<1x512x1xi32>
    %swap3A_575 = vector.shape_cast %swap3A_574 : vector<1x512x1xi32> to vector<512x1xi32>
    %swap3A_576 = vector.shape_cast %add3A_570 : vector<512x1xi32> to vector<1x512x1xi32>
    tpu.vector_store %arg3[%swap3A_571, %swap3A_572, %swap3A_573], %swap3A_576 {strides = array<i32>} : memref<1x512x32xi32, #tpu.memory_space<vmem>>, vector<1x512x1xi32>,
    %eq3A_577 = arith.constant 24 : i32
    %eq3A_578 = vector.broadcast %eq3A_577 : i32 to vector<512x1024xi32>
    %eq3A_579 = arith.cmpi eq, %select_n3A, %eq3A_578 : vector<512x1024xi32>
    %jit3A_580 = arith.constant 1024 : i32
    %broadcast_in_dim3A_581 = vector.broadcast %jit3A_580 : i32 to vector<512x1024xi32>
    %select_n3A_582 = arith.select %eq3A_579, %iota3A, %broadcast_in_dim3A_581 : vector<512x1024xi1>, vector<512x1024xi32>
    %reduce_min3A_583 = arith.constant dense<2147483647> : vector<512xi32>
    %reduce_min3A_584 = vector.multi_reduction <minsi>, %select_n3A_582, %reduce_min3A_583 [1] : vector<512x1024xi32> to vector<512xi32>
    %broadcast_in_dim3A_585 = vector.shape_cast %reduce_min3A_584 : vector<512xi32> to vector<512x1xi32>
    %gt3A_586 = arith.constant 23 : i32
    %gt3A_587 = vector.broadcast %gt3A_586 : i32 to vector<512x1xi32>
    %gt3A_588 = arith.cmpi sgt, %slice3A_79, %gt3A_587 : vector<512x1xi32>
    %select_n3A_589 = arith.select %gt3A_588, %broadcast_in_dim3A_585, %select_n3A_92 : vector<512x1xi1>, vector<512x1xi32>
    %add3A_590 = vector.broadcast %mul3A_94 : i32 to vector<512x1xi32>
    %add3A_591 = arith.addi %select_n3A_589, %add3A_590 : vector<512x1xi32>
    %swap3A_592 = arith.constant 0 : index
    %swap3A_593 = arith.constant 0 : index
    %swap3A_594 = arith.constant 23 : index
    %swap3A_595 = vector.load %arg3[%swap3A_592, %swap3A_593, %swap3A_594] : memref<1x512x32xi32, #tpu.memory_space<vmem>>, vector<1x512x1xi32>
    %swap3A_596 = vector.shape_cast %swap3A_595 : vector<1x512x1xi32> to vector<512x1xi32>
    %swap3A_597 = vector.shape_cast %add3A_591 : vector<512x1xi32> to vector<1x512x1xi32>
    tpu.vector_store %arg3[%swap3A_592, %swap3A_593, %swap3A_594], %swap3A_597 {strides = array<i32>} : memref<1x512x32xi32, #tpu.memory_space<vmem>>, vector<1x512x1xi32>,
    %eq3A_598 = arith.constant 25 : i32
    %eq3A_599 = vector.broadcast %eq3A_598 : i32 to vector<512x1024xi32>
    %eq3A_600 = arith.cmpi eq, %select_n3A, %eq3A_599 : vector<512x1024xi32>
    %jit3A_601 = arith.constant 1024 : i32
    %broadcast_in_dim3A_602 = vector.broadcast %jit3A_601 : i32 to vector<512x1024xi32>
    %select_n3A_603 = arith.select %eq3A_600, %iota3A, %broadcast_in_dim3A_602 : vector<512x1024xi1>, vector<512x1024xi32>
    %reduce_min3A_604 = arith.constant dense<2147483647> : vector<512xi32>
    %reduce_min3A_605 = vector.multi_reduction <minsi>, %select_n3A_603, %reduce_min3A_604 [1] : vector<512x1024xi32> to vector<512xi32>
    %broadcast_in_dim3A_606 = vector.shape_cast %reduce_min3A_605 : vector<512xi32> to vector<512x1xi32>
    %gt3A_607 = arith.constant 24 : i32
    %gt3A_608 = vector.broadcast %gt3A_607 : i32 to vector<512x1xi32>
    %gt3A_609 = arith.cmpi sgt, %slice3A_79, %gt3A_608 : vector<512x1xi32>
    %select_n3A_610 = arith.select %gt3A_609, %broadcast_in_dim3A_606, %select_n3A_92 : vector<512x1xi1>, vector<512x1xi32>
    %add3A_611 = vector.broadcast %mul3A_94 : i32 to vector<512x1xi32>
    %add3A_612 = arith.addi %select_n3A_610, %add3A_611 : vector<512x1xi32>
    %swap3A_613 = arith.constant 0 : index
    %swap3A_614 = arith.constant 0 : index
    %swap3A_615 = arith.constant 24 : index
    %swap3A_616 = vector.load %arg3[%swap3A_613, %swap3A_614, %swap3A_615] : memref<1x512x32xi32, #tpu.memory_space<vmem>>, vector<1x512x1xi32>
    %swap3A_617 = vector.shape_cast %swap3A_616 : vector<1x512x1xi32> to vector<512x1xi32>
    %swap3A_618 = vector.shape_cast %add3A_612 : vector<512x1xi32> to vector<1x512x1xi32>
    tpu.vector_store %arg3[%swap3A_613, %swap3A_614, %swap3A_615], %swap3A_618 {strides = array<i32>} : memref<1x512x32xi32, #tpu.memory_space<vmem>>, vector<1x512x1xi32>,
    %eq3A_619 = arith.constant 26 : i32
    %eq3A_620 = vector.broadcast %eq3A_619 : i32 to vector<512x1024xi32>
    %eq3A_621 = arith.cmpi eq, %select_n3A, %eq3A_620 : vector<512x1024xi32>
    %jit3A_622 = arith.constant 1024 : i32
    %broadcast_in_dim3A_623 = vector.broadcast %jit3A_622 : i32 to vector<512x1024xi32>
    %select_n3A_624 = arith.select %eq3A_621, %iota3A, %broadcast_in_dim3A_623 : vector<512x1024xi1>, vector<512x1024xi32>
    %reduce_min3A_625 = arith.constant dense<2147483647> : vector<512xi32>
    %reduce_min3A_626 = vector.multi_reduction <minsi>, %select_n3A_624, %reduce_min3A_625 [1] : vector<512x1024xi32> to vector<512xi32>
    %broadcast_in_dim3A_627 = vector.shape_cast %reduce_min3A_626 : vector<512xi32> to vector<512x1xi32>
    %gt3A_628 = arith.constant 25 : i32
    %gt3A_629 = vector.broadcast %gt3A_628 : i32 to vector<512x1xi32>
    %gt3A_630 = arith.cmpi sgt, %slice3A_79, %gt3A_629 : vector<512x1xi32>
    %select_n3A_631 = arith.select %gt3A_630, %broadcast_in_dim3A_627, %select_n3A_92 : vector<512x1xi1>, vector<512x1xi32>
    %add3A_632 = vector.broadcast %mul3A_94 : i32 to vector<512x1xi32>
    %add3A_633 = arith.addi %select_n3A_631, %add3A_632 : vector<512x1xi32>
    %swap3A_634 = arith.constant 0 : index
    %swap3A_635 = arith.constant 0 : index
    %swap3A_636 = arith.constant 25 : index
    %swap3A_637 = vector.load %arg3[%swap3A_634, %swap3A_635, %swap3A_636] : memref<1x512x32xi32, #tpu.memory_space<vmem>>, vector<1x512x1xi32>
    %swap3A_638 = vector.shape_cast %swap3A_637 : vector<1x512x1xi32> to vector<512x1xi32>
    %swap3A_639 = vector.shape_cast %add3A_633 : vector<512x1xi32> to vector<1x512x1xi32>
    tpu.vector_store %arg3[%swap3A_634, %swap3A_635, %swap3A_636], %swap3A_639 {strides = array<i32>} : memref<1x512x32xi32, #tpu.memory_space<vmem>>, vector<1x512x1xi32>,
    %eq3A_640 = arith.constant 27 : i32
    %eq3A_641 = vector.broadcast %eq3A_640 : i32 to vector<512x1024xi32>
    %eq3A_642 = arith.cmpi eq, %select_n3A, %eq3A_641 : vector<512x1024xi32>
    %jit3A_643 = arith.constant 1024 : i32
    %broadcast_in_dim3A_644 = vector.broadcast %jit3A_643 : i32 to vector<512x1024xi32>
    %select_n3A_645 = arith.select %eq3A_642, %iota3A, %broadcast_in_dim3A_644 : vector<512x1024xi1>, vector<512x1024xi32>
    %reduce_min3A_646 = arith.constant dense<2147483647> : vector<512xi32>
    %reduce_min3A_647 = vector.multi_reduction <minsi>, %select_n3A_645, %reduce_min3A_646 [1] : vector<512x1024xi32> to vector<512xi32>
    %broadcast_in_dim3A_648 = vector.shape_cast %reduce_min3A_647 : vector<512xi32> to vector<512x1xi32>
    %gt3A_649 = arith.constant 26 : i32
    %gt3A_650 = vector.broadcast %gt3A_649 : i32 to vector<512x1xi32>
    %gt3A_651 = arith.cmpi sgt, %slice3A_79, %gt3A_650 : vector<512x1xi32>
    %select_n3A_652 = arith.select %gt3A_651, %broadcast_in_dim3A_648, %select_n3A_92 : vector<512x1xi1>, vector<512x1xi32>
    %add3A_653 = vector.broadcast %mul3A_94 : i32 to vector<512x1xi32>
    %add3A_654 = arith.addi %select_n3A_652, %add3A_653 : vector<512x1xi32>
    %swap3A_655 = arith.constant 0 : index
    %swap3A_656 = arith.constant 0 : index
    %swap3A_657 = arith.constant 26 : index
    %swap3A_658 = vector.load %arg3[%swap3A_655, %swap3A_656, %swap3A_657] : memref<1x512x32xi32, #tpu.memory_space<vmem>>, vector<1x512x1xi32>
    %swap3A_659 = vector.shape_cast %swap3A_658 : vector<1x512x1xi32> to vector<512x1xi32>
    %swap3A_660 = vector.shape_cast %add3A_654 : vector<512x1xi32> to vector<1x512x1xi32>
    tpu.vector_store %arg3[%swap3A_655, %swap3A_656, %swap3A_657], %swap3A_660 {strides = array<i32>} : memref<1x512x32xi32, #tpu.memory_space<vmem>>, vector<1x512x1xi32>,
    %eq3A_661 = arith.constant 28 : i32
    %eq3A_662 = vector.broadcast %eq3A_661 : i32 to vector<512x1024xi32>
    %eq3A_663 = arith.cmpi eq, %select_n3A, %eq3A_662 : vector<512x1024xi32>
    %jit3A_664 = arith.constant 1024 : i32
    %broadcast_in_dim3A_665 = vector.broadcast %jit3A_664 : i32 to vector<512x1024xi32>
    %select_n3A_666 = arith.select %eq3A_663, %iota3A, %broadcast_in_dim3A_665 : vector<512x1024xi1>, vector<512x1024xi32>
    %reduce_min3A_667 = arith.constant dense<2147483647> : vector<512xi32>
    %reduce_min3A_668 = vector.multi_reduction <minsi>, %select_n3A_666, %reduce_min3A_667 [1] : vector<512x1024xi32> to vector<512xi32>
    %broadcast_in_dim3A_669 = vector.shape_cast %reduce_min3A_668 : vector<512xi32> to vector<512x1xi32>
    %gt3A_670 = arith.constant 27 : i32
    %gt3A_671 = vector.broadcast %gt3A_670 : i32 to vector<512x1xi32>
    %gt3A_672 = arith.cmpi sgt, %slice3A_79, %gt3A_671 : vector<512x1xi32>
    %select_n3A_673 = arith.select %gt3A_672, %broadcast_in_dim3A_669, %select_n3A_92 : vector<512x1xi1>, vector<512x1xi32>
    %add3A_674 = vector.broadcast %mul3A_94 : i32 to vector<512x1xi32>
    %add3A_675 = arith.addi %select_n3A_673, %add3A_674 : vector<512x1xi32>
    %swap3A_676 = arith.constant 0 : index
    %swap3A_677 = arith.constant 0 : index
    %swap3A_678 = arith.constant 27 : index
    %swap3A_679 = vector.load %arg3[%swap3A_676, %swap3A_677, %swap3A_678] : memref<1x512x32xi32, #tpu.memory_space<vmem>>, vector<1x512x1xi32>
    %swap3A_680 = vector.shape_cast %swap3A_679 : vector<1x512x1xi32> to vector<512x1xi32>
    %swap3A_681 = vector.shape_cast %add3A_675 : vector<512x1xi32> to vector<1x512x1xi32>
    tpu.vector_store %arg3[%swap3A_676, %swap3A_677, %swap3A_678], %swap3A_681 {strides = array<i32>} : memref<1x512x32xi32, #tpu.memory_space<vmem>>, vector<1x512x1xi32>,
    %eq3A_682 = arith.constant 29 : i32
    %eq3A_683 = vector.broadcast %eq3A_682 : i32 to vector<512x1024xi32>
    %eq3A_684 = arith.cmpi eq, %select_n3A, %eq3A_683 : vector<512x1024xi32>
    %jit3A_685 = arith.constant 1024 : i32
    %broadcast_in_dim3A_686 = vector.broadcast %jit3A_685 : i32 to vector<512x1024xi32>
    %select_n3A_687 = arith.select %eq3A_684, %iota3A, %broadcast_in_dim3A_686 : vector<512x1024xi1>, vector<512x1024xi32>
    %reduce_min3A_688 = arith.constant dense<2147483647> : vector<512xi32>
    %reduce_min3A_689 = vector.multi_reduction <minsi>, %select_n3A_687, %reduce_min3A_688 [1] : vector<512x1024xi32> to vector<512xi32>
    %broadcast_in_dim3A_690 = vector.shape_cast %reduce_min3A_689 : vector<512xi32> to vector<512x1xi32>
    %gt3A_691 = arith.constant 28 : i32
    %gt3A_692 = vector.broadcast %gt3A_691 : i32 to vector<512x1xi32>
    %gt3A_693 = arith.cmpi sgt, %slice3A_79, %gt3A_692 : vector<512x1xi32>
    %select_n3A_694 = arith.select %gt3A_693, %broadcast_in_dim3A_690, %select_n3A_92 : vector<512x1xi1>, vector<512x1xi32>
    %add3A_695 = vector.broadcast %mul3A_94 : i32 to vector<512x1xi32>
    %add3A_696 = arith.addi %select_n3A_694, %add3A_695 : vector<512x1xi32>
    %swap3A_697 = arith.constant 0 : index
    %swap3A_698 = arith.constant 0 : index
    %swap3A_699 = arith.constant 28 : index
    %swap3A_700 = vector.load %arg3[%swap3A_697, %swap3A_698, %swap3A_699] : memref<1x512x32xi32, #tpu.memory_space<vmem>>, vector<1x512x1xi32>
    %swap3A_701 = vector.shape_cast %swap3A_700 : vector<1x512x1xi32> to vector<512x1xi32>
    %swap3A_702 = vector.shape_cast %add3A_696 : vector<512x1xi32> to vector<1x512x1xi32>
    tpu.vector_store %arg3[%swap3A_697, %swap3A_698, %swap3A_699], %swap3A_702 {strides = array<i32>} : memref<1x512x32xi32, #tpu.memory_space<vmem>>, vector<1x512x1xi32>,
    %eq3A_703 = arith.constant 30 : i32
    %eq3A_704 = vector.broadcast %eq3A_703 : i32 to vector<512x1024xi32>
    %eq3A_705 = arith.cmpi eq, %select_n3A, %eq3A_704 : vector<512x1024xi32>
    %jit3A_706 = arith.constant 1024 : i32
    %broadcast_in_dim3A_707 = vector.broadcast %jit3A_706 : i32 to vector<512x1024xi32>
    %select_n3A_708 = arith.select %eq3A_705, %iota3A, %broadcast_in_dim3A_707 : vector<512x1024xi1>, vector<512x1024xi32>
    %reduce_min3A_709 = arith.constant dense<2147483647> : vector<512xi32>
    %reduce_min3A_710 = vector.multi_reduction <minsi>, %select_n3A_708, %reduce_min3A_709 [1] : vector<512x1024xi32> to vector<512xi32>
    %broadcast_in_dim3A_711 = vector.shape_cast %reduce_min3A_710 : vector<512xi32> to vector<512x1xi32>
    %gt3A_712 = arith.constant 29 : i32
    %gt3A_713 = vector.broadcast %gt3A_712 : i32 to vector<512x1xi32>
    %gt3A_714 = arith.cmpi sgt, %slice3A_79, %gt3A_713 : vector<512x1xi32>
    %select_n3A_715 = arith.select %gt3A_714, %broadcast_in_dim3A_711, %select_n3A_92 : vector<512x1xi1>, vector<512x1xi32>
    %add3A_716 = vector.broadcast %mul3A_94 : i32 to vector<512x1xi32>
    %add3A_717 = arith.addi %select_n3A_715, %add3A_716 : vector<512x1xi32>
    %swap3A_718 = arith.constant 0 : index
    %swap3A_719 = arith.constant 0 : index
    %swap3A_720 = arith.constant 29 : index
    %swap3A_721 = vector.load %arg3[%swap3A_718, %swap3A_719, %swap3A_720] : memref<1x512x32xi32, #tpu.memory_space<vmem>>, vector<1x512x1xi32>
    %swap3A_722 = vector.shape_cast %swap3A_721 : vector<1x512x1xi32> to vector<512x1xi32>
    %swap3A_723 = vector.shape_cast %add3A_717 : vector<512x1xi32> to vector<1x512x1xi32>
    tpu.vector_store %arg3[%swap3A_718, %swap3A_719, %swap3A_720], %swap3A_723 {strides = array<i32>} : memref<1x512x32xi32, #tpu.memory_space<vmem>>, vector<1x512x1xi32>,
    %eq3A_724 = arith.constant 31 : i32
    %eq3A_725 = vector.broadcast %eq3A_724 : i32 to vector<512x1024xi32>
    %eq3A_726 = arith.cmpi eq, %select_n3A, %eq3A_725 : vector<512x1024xi32>
    %jit3A_727 = arith.constant 1024 : i32
    %broadcast_in_dim3A_728 = vector.broadcast %jit3A_727 : i32 to vector<512x1024xi32>
    %select_n3A_729 = arith.select %eq3A_726, %iota3A, %broadcast_in_dim3A_728 : vector<512x1024xi1>, vector<512x1024xi32>
    %reduce_min3A_730 = arith.constant dense<2147483647> : vector<512xi32>
    %reduce_min3A_731 = vector.multi_reduction <minsi>, %select_n3A_729, %reduce_min3A_730 [1] : vector<512x1024xi32> to vector<512xi32>
    %broadcast_in_dim3A_732 = vector.shape_cast %reduce_min3A_731 : vector<512xi32> to vector<512x1xi32>
    %gt3A_733 = arith.constant 30 : i32
    %gt3A_734 = vector.broadcast %gt3A_733 : i32 to vector<512x1xi32>
    %gt3A_735 = arith.cmpi sgt, %slice3A_79, %gt3A_734 : vector<512x1xi32>
    %select_n3A_736 = arith.select %gt3A_735, %broadcast_in_dim3A_732, %select_n3A_92 : vector<512x1xi1>, vector<512x1xi32>
    %add3A_737 = vector.broadcast %mul3A_94 : i32 to vector<512x1xi32>
    %add3A_738 = arith.addi %select_n3A_736, %add3A_737 : vector<512x1xi32>
    %swap3A_739 = arith.constant 0 : index
    %swap3A_740 = arith.constant 0 : index
    %swap3A_741 = arith.constant 30 : index
    %swap3A_742 = vector.load %arg3[%swap3A_739, %swap3A_740, %swap3A_741] : memref<1x512x32xi32, #tpu.memory_space<vmem>>, vector<1x512x1xi32>
    %swap3A_743 = vector.shape_cast %swap3A_742 : vector<1x512x1xi32> to vector<512x1xi32>
    %swap3A_744 = vector.shape_cast %add3A_738 : vector<512x1xi32> to vector<1x512x1xi32>
    tpu.vector_store %arg3[%swap3A_739, %swap3A_740, %swap3A_741], %swap3A_744 {strides = array<i32>} : memref<1x512x32xi32, #tpu.memory_space<vmem>>, vector<1x512x1xi32>,
    %eq3A_745 = arith.constant 32 : i32
    %eq3A_746 = vector.broadcast %eq3A_745 : i32 to vector<512x1024xi32>
    %eq3A_747 = arith.cmpi eq, %select_n3A, %eq3A_746 : vector<512x1024xi32>
    %jit3A_748 = arith.constant 1024 : i32
    %broadcast_in_dim3A_749 = vector.broadcast %jit3A_748 : i32 to vector<512x1024xi32>
    %select_n3A_750 = arith.select %eq3A_747, %iota3A, %broadcast_in_dim3A_749 : vector<512x1024xi1>, vector<512x1024xi32>
    %reduce_min3A_751 = arith.constant dense<2147483647> : vector<512xi32>
    %reduce_min3A_752 = vector.multi_reduction <minsi>, %select_n3A_750, %reduce_min3A_751 [1] : vector<512x1024xi32> to vector<512xi32>
    %broadcast_in_dim3A_753 = vector.shape_cast %reduce_min3A_752 : vector<512xi32> to vector<512x1xi32>
    %gt3A_754 = arith.constant 31 : i32
    %gt3A_755 = vector.broadcast %gt3A_754 : i32 to vector<512x1xi32>
    %gt3A_756 = arith.cmpi sgt, %slice3A_79, %gt3A_755 : vector<512x1xi32>
    %select_n3A_757 = arith.select %gt3A_756, %broadcast_in_dim3A_753, %select_n3A_92 : vector<512x1xi1>, vector<512x1xi32>
    %add3A_758 = vector.broadcast %mul3A_94 : i32 to vector<512x1xi32>
    %add3A_759 = arith.addi %select_n3A_757, %add3A_758 : vector<512x1xi32>
    %swap3A_760 = arith.constant 0 : index
    %swap3A_761 = arith.constant 0 : index
    %swap3A_762 = arith.constant 31 : index
    %swap3A_763 = vector.load %arg3[%swap3A_760, %swap3A_761, %swap3A_762] : memref<1x512x32xi32, #tpu.memory_space<vmem>>, vector<1x512x1xi32>
    %swap3A_764 = vector.shape_cast %swap3A_763 : vector<1x512x1xi32> to vector<512x1xi32>
    %swap3A_765 = vector.shape_cast %add3A_759 : vector<512x1xi32> to vector<1x512x1xi32>
    tpu.vector_store %arg3[%swap3A_760, %swap3A_761, %swap3A_762], %swap3A_765 {strides = array<i32>} : memref<1x512x32xi32, #tpu.memory_space<vmem>>, vector<1x512x1xi32>,
    return
  }
  func.func @transform_0(%arg0: i32) -> (i32, i32, i32) {
    %c0_i32 = arith.constant 0 : i32
    %c0_i32_0 = arith.constant 0 : i32
    %c0_i32_1 = arith.constant 0 : i32
    return %arg0, %c0_i32, %c0_i32_0 : i32, i32, i32
  }
  func.func @transform_1(%arg0: i32) -> (i32, i32, i32) {
    %c0_i32 = arith.constant 0 : i32
    %c0_i32_0 = arith.constant 0 : i32
    %c0_i32_1 = arith.constant 0 : i32
    return %arg0, %c0_i32, %c0_i32_0 : i32, i32, i32
  }
  func.func @transform_2(%arg0: i32) -> (i32, i32, i32) {
    %c0_i32 = arith.constant 0 : i32
    %c0_i32_0 = arith.constant 0 : i32
    %c0_i32_1 = arith.constant 0 : i32
    return %arg0, %c0_i32, %c0_i32_0 : i32, i32, i32
  }
}

module attributes {stable_mosaic.version = 14 : i64} {
  func.func @_samlp_body(%arg0: i32, %arg1: memref<1x16384x48xf32, #tpu.memory_space<vmem>>, %arg2: memref<1x512x3xf32, #tpu.memory_space<vmem>>, %arg3: memref<35x32xf32, #tpu.memory_space<vmem>>, %arg4: memref<1x32xf32, #tpu.memory_space<vmem>>, %arg5: memref<32x32xf32, #tpu.memory_space<vmem>>, %arg6: memref<1x32xf32, #tpu.memory_space<vmem>>, %arg7: memref<32x64xf32, #tpu.memory_space<vmem>>, %arg8: memref<1x64xf32, #tpu.memory_space<vmem>>, %arg9: memref<1x512x64xf32, #tpu.memory_space<vmem>>) attributes {dimension_semantics = [#tpu.dimension_semantics<arbitrary>], iteration_bounds = array<i64: 16>, scalar_prefetch = 0 : i64, scratch_operands = 0 : i64, tpu.core_type = #tpu.core_type<tc>, window_params = [{transform_indices = @transform_0, window_bounds = array<i64: 1, 16384, 48>}, {transform_indices = @transform_1, window_bounds = array<i64: 1, 512, 3>}, {pipeline_mode = #tpu.pipeline_mode<synchronous>, transform_indices = @transform_2, window_bounds = array<i64: 35, 32>}, {pipeline_mode = #tpu.pipeline_mode<synchronous>, transform_indices = @transform_3, window_bounds = array<i64: 1, 32>}, {pipeline_mode = #tpu.pipeline_mode<synchronous>, transform_indices = @transform_4, window_bounds = array<i64: 32, 32>}, {pipeline_mode = #tpu.pipeline_mode<synchronous>, transform_indices = @transform_5, window_bounds = array<i64: 1, 32>}, {pipeline_mode = #tpu.pipeline_mode<synchronous>, transform_indices = @transform_6, window_bounds = array<i64: 32, 64>}, {pipeline_mode = #tpu.pipeline_mode<synchronous>, transform_indices = @transform_7, window_bounds = array<i64: 1, 64>}, {transform_indices = @transform_8, window_bounds = array<i64: 1, 512, 64>}]} {
    %get3A = arith.constant 0 : index
    %get3A_0 = arith.constant 0 : index
    %get3A_1 = arith.constant 0 : index
    %get3A_2 = vector.load %arg2[%get3A, %get3A_0, %get3A_1] : memref<1x512x3xf32, #tpu.memory_space<vmem>>, vector<1x512x3xf32>
    %get3A_3 = vector.shape_cast %get3A_2 : vector<1x512x3xf32> to vector<512x3xf32>
    %broadcast_in_dim3A = arith.constant 0.000000e+00 : f32
    %broadcast_in_dim3A_4 = vector.broadcast %broadcast_in_dim3A : f32 to vector<512x32xf32>
    %concatenate3A = tpu.concatenate %get3A_3, %broadcast_in_dim3A_4 in 1 : vector<512x3xf32>, vector<512x32xf32> -> vector<512x35xf32>
    %get3A_5 = arith.constant 0 : index
    %get3A_6 = arith.constant 0 : index
    %get3A_7 = vector.load %arg3[%get3A_5, %get3A_6] : memref<35x32xf32, #tpu.memory_space<vmem>>, vector<35x32xf32>
    %get3A_8 = arith.constant 0 : index
    %get3A_9 = arith.constant 0 : index
    %get3A_10 = vector.load %arg4[%get3A_8, %get3A_9] : memref<1x32xf32, #tpu.memory_space<vmem>>, vector<1x32xf32>
    %get3A_11 = arith.constant 0 : index
    %get3A_12 = arith.constant 0 : index
    %get3A_13 = vector.load %arg5[%get3A_11, %get3A_12] : memref<32x32xf32, #tpu.memory_space<vmem>>, vector<32x32xf32>
    %get3A_14 = arith.constant 0 : index
    %get3A_15 = arith.constant 0 : index
    %get3A_16 = vector.load %arg6[%get3A_14, %get3A_15] : memref<1x32xf32, #tpu.memory_space<vmem>>, vector<1x32xf32>
    %get3A_17 = arith.constant 0 : index
    %get3A_18 = arith.constant 0 : index
    %get3A_19 = vector.load %arg7[%get3A_17, %get3A_18] : memref<32x64xf32, #tpu.memory_space<vmem>>, vector<32x64xf32>
    %get3A_20 = arith.constant 0 : index
    %get3A_21 = arith.constant 0 : index
    %get3A_22 = vector.load %arg8[%get3A_20, %get3A_21] : memref<1x64xf32, #tpu.memory_space<vmem>>, vector<1x64xf32>
    %get3A_23 = arith.constant 0 : index
    %get3A_24 = arith.constant 0 : index
    %get3A_25 = arith.constant 0 : index
    %get3A_26 = vector.load %arg1[%get3A_23, %get3A_24, %get3A_25] : memref<1x16384x48xf32, #tpu.memory_space<vmem>>, vector<1x512x48xf32>
    %get3A_27 = vector.shape_cast %get3A_26 : vector<1x512x48xf32> to vector<512x48xf32>
    %slice3A = vector.extract_strided_slice %get3A_27 {offsets = [0, 0], sizes = [512, 35], strides = [1, 1]} : vector<512x48xf32> to vector<512x35xf32>
    %sub3A = arith.subf %slice3A, %concatenate3A : vector<512x35xf32>
    %dot_general3A = arith.constant dense<0.000000e+00> : vector<512x32xf32>
    %dot_general3A_28 = tpu.matmul %sub3A, %get3A_7, %dot_general3A {dimension_numbers = #tpu.dot_dimension_numbers<[1], [0], [0], [1], [0, 0, 1, 1], [], []>, transpose_lhs_hint = false} : vector<512x35xf32>, vector<35x32xf32>, vector<512x32xf32> -> vector<512x32xf32>
    %add3A = vector.broadcast %get3A_10 : vector<1x32xf32> to vector<512x32xf32>
    %add3A_29 = arith.addf %dot_general3A_28, %add3A : vector<512x32xf32>
    %max3A = arith.constant 0.000000e+00 : f32
    %max3A_30 = vector.broadcast %max3A : f32 to vector<512x32xf32>
    %max3A_31 = arith.maximumf %add3A_29, %max3A_30 : vector<512x32xf32>
    %dot_general3A_32 = arith.constant dense<0.000000e+00> : vector<512x32xf32>
    %dot_general3A_33 = tpu.matmul %max3A_31, %get3A_13, %dot_general3A_32 {dimension_numbers = #tpu.dot_dimension_numbers<[1], [0], [0], [1], [0, 0, 1, 1], [], []>, transpose_lhs_hint = false} : vector<512x32xf32>, vector<32x32xf32>, vector<512x32xf32> -> vector<512x32xf32>
    %add3A_34 = vector.broadcast %get3A_16 : vector<1x32xf32> to vector<512x32xf32>
    %add3A_35 = arith.addf %dot_general3A_33, %add3A_34 : vector<512x32xf32>
    %max3A_36 = arith.constant 0.000000e+00 : f32
    %max3A_37 = vector.broadcast %max3A_36 : f32 to vector<512x32xf32>
    %max3A_38 = arith.maximumf %add3A_35, %max3A_37 : vector<512x32xf32>
    %dot_general3A_39 = arith.constant dense<0.000000e+00> : vector<512x64xf32>
    %dot_general3A_40 = tpu.matmul %max3A_38, %get3A_19, %dot_general3A_39 {dimension_numbers = #tpu.dot_dimension_numbers<[1], [0], [0], [1], [0, 0, 1, 1], [], []>, transpose_lhs_hint = false} : vector<512x32xf32>, vector<32x64xf32>, vector<512x64xf32> -> vector<512x64xf32>
    %add3A_41 = vector.broadcast %get3A_22 : vector<1x64xf32> to vector<512x64xf32>
    %add3A_42 = arith.addf %dot_general3A_40, %add3A_41 : vector<512x64xf32>
    %max3A_43 = arith.constant 0.000000e+00 : f32
    %max3A_44 = vector.broadcast %max3A_43 : f32 to vector<512x64xf32>
    %max3A_45 = arith.maximumf %add3A_42, %max3A_44 : vector<512x64xf32>
    %scan3A = arith.constant 1 : i32
    %scan3A_46 = arith.constant 31 : i32
    %scan3A_47 = arith.addi %scan3A, %scan3A_46 : i32
    %scan3A_48 = arith.constant 1 : i32
    %scan3A_49 = scf.for %scan3A_56 = %scan3A to %scan3A_47 step %scan3A_48 iter_args(%scan3A_57 = %max3A_45) -> (vector<512x64xf32>)  : i32 {
      %mul3A = arith.constant 512 : i32
      %mul3A_58 = arith.muli %scan3A_56, %mul3A : i32
      %get3A_59 = arith.constant 0 : index
      %get3A_60 = arith.index_cast %mul3A_58 : i32 to index
      %get3A_61 = arith.constant 0 : index
      %get3A_62 = vector.load %arg1[%get3A_59, %get3A_60, %get3A_61] : memref<1x16384x48xf32, #tpu.memory_space<vmem>>, vector<1x512x48xf32>
      %get3A_63 = vector.shape_cast %get3A_62 : vector<1x512x48xf32> to vector<512x48xf32>
      %slice3A_64 = vector.extract_strided_slice %get3A_63 {offsets = [0, 0], sizes = [512, 35], strides = [1, 1]} : vector<512x48xf32> to vector<512x35xf32>
      %sub3A_65 = arith.subf %slice3A_64, %concatenate3A : vector<512x35xf32>
      %dot_general3A_66 = arith.constant dense<0.000000e+00> : vector<512x32xf32>
      %dot_general3A_67 = tpu.matmul %sub3A_65, %get3A_7, %dot_general3A_66 {dimension_numbers = #tpu.dot_dimension_numbers<[1], [0], [0], [1], [0, 0, 1, 1], [], []>, transpose_lhs_hint = false} : vector<512x35xf32>, vector<35x32xf32>, vector<512x32xf32> -> vector<512x32xf32>
      %add3A_68 = vector.broadcast %get3A_10 : vector<1x32xf32> to vector<512x32xf32>
      %add3A_69 = arith.addf %dot_general3A_67, %add3A_68 : vector<512x32xf32>
      %max3A_70 = arith.constant 0.000000e+00 : f32
      %max3A_71 = vector.broadcast %max3A_70 : f32 to vector<512x32xf32>
      %max3A_72 = arith.maximumf %add3A_69, %max3A_71 : vector<512x32xf32>
      %dot_general3A_73 = arith.constant dense<0.000000e+00> : vector<512x32xf32>
      %dot_general3A_74 = tpu.matmul %max3A_72, %get3A_13, %dot_general3A_73 {dimension_numbers = #tpu.dot_dimension_numbers<[1], [0], [0], [1], [0, 0, 1, 1], [], []>, transpose_lhs_hint = false} : vector<512x32xf32>, vector<32x32xf32>, vector<512x32xf32> -> vector<512x32xf32>
      %add3A_75 = vector.broadcast %get3A_16 : vector<1x32xf32> to vector<512x32xf32>
      %add3A_76 = arith.addf %dot_general3A_74, %add3A_75 : vector<512x32xf32>
      %max3A_77 = arith.constant 0.000000e+00 : f32
      %max3A_78 = vector.broadcast %max3A_77 : f32 to vector<512x32xf32>
      %max3A_79 = arith.maximumf %add3A_76, %max3A_78 : vector<512x32xf32>
      %dot_general3A_80 = arith.constant dense<0.000000e+00> : vector<512x64xf32>
      %dot_general3A_81 = tpu.matmul %max3A_79, %get3A_19, %dot_general3A_80 {dimension_numbers = #tpu.dot_dimension_numbers<[1], [0], [0], [1], [0, 0, 1, 1], [], []>, transpose_lhs_hint = false} : vector<512x32xf32>, vector<32x64xf32>, vector<512x64xf32> -> vector<512x64xf32>
      %add3A_82 = vector.broadcast %get3A_22 : vector<1x64xf32> to vector<512x64xf32>
      %add3A_83 = arith.addf %dot_general3A_81, %add3A_82 : vector<512x64xf32>
      %max3A_84 = arith.constant 0.000000e+00 : f32
      %max3A_85 = vector.broadcast %max3A_84 : f32 to vector<512x64xf32>
      %max3A_86 = arith.maximumf %add3A_83, %max3A_85 : vector<512x64xf32>
      %max3A_87 = arith.maximumf %scan3A_57, %max3A_86 : vector<512x64xf32>
      scf.yield %max3A_87 : vector<512x64xf32>
    }
    %scan3A_50 = arith.constant 31 : i32
    %swap3A = arith.constant 0 : index
    %swap3A_51 = arith.constant 0 : index
    %swap3A_52 = arith.constant 0 : index
    %swap3A_53 = vector.load %arg9[%swap3A, %swap3A_51, %swap3A_52] : memref<1x512x64xf32, #tpu.memory_space<vmem>>, vector<1x512x64xf32>
    %swap3A_54 = vector.shape_cast %swap3A_53 : vector<1x512x64xf32> to vector<512x64xf32>
    %swap3A_55 = vector.shape_cast %scan3A_49 : vector<512x64xf32> to vector<1x512x64xf32>
    tpu.vector_store %arg9[%swap3A, %swap3A_51, %swap3A_52], %swap3A_55 {strides = array<i32>} : memref<1x512x64xf32, #tpu.memory_space<vmem>>, vector<1x512x64xf32>,
    return
  }
  func.func @transform_0(%arg0: i32) -> (i32, i32, i32) {
    %c0_i32 = arith.constant 0 : i32
    %c0_i32_0 = arith.constant 0 : i32
    %c0_i32_1 = arith.constant 0 : i32
    return %arg0, %c0_i32, %c0_i32_0 : i32, i32, i32
  }
  func.func @transform_1(%arg0: i32) -> (i32, i32, i32) {
    %c0_i32 = arith.constant 0 : i32
    %c0_i32_0 = arith.constant 0 : i32
    %c0_i32_1 = arith.constant 0 : i32
    return %arg0, %c0_i32, %c0_i32_0 : i32, i32, i32
  }
  func.func @transform_2(%arg0: i32) -> (i32, i32) {
    %c0_i32 = arith.constant 0 : i32
    %c0_i32_0 = arith.constant 0 : i32
    %c0_i32_1 = arith.constant 0 : i32
    return %c0_i32, %c0_i32_0 : i32, i32
  }
  func.func @transform_3(%arg0: i32) -> (i32, i32) {
    %c0_i32 = arith.constant 0 : i32
    %c0_i32_0 = arith.constant 0 : i32
    %c0_i32_1 = arith.constant 0 : i32
    return %c0_i32, %c0_i32_0 : i32, i32
  }
  func.func @transform_4(%arg0: i32) -> (i32, i32) {
    %c0_i32 = arith.constant 0 : i32
    %c0_i32_0 = arith.constant 0 : i32
    %c0_i32_1 = arith.constant 0 : i32
    return %c0_i32, %c0_i32_0 : i32, i32
  }
  func.func @transform_5(%arg0: i32) -> (i32, i32) {
    %c0_i32 = arith.constant 0 : i32
    %c0_i32_0 = arith.constant 0 : i32
    %c0_i32_1 = arith.constant 0 : i32
    return %c0_i32, %c0_i32_0 : i32, i32
  }
  func.func @transform_6(%arg0: i32) -> (i32, i32) {
    %c0_i32 = arith.constant 0 : i32
    %c0_i32_0 = arith.constant 0 : i32
    %c0_i32_1 = arith.constant 0 : i32
    return %c0_i32, %c0_i32_0 : i32, i32
  }
  func.func @transform_7(%arg0: i32) -> (i32, i32) {
    %c0_i32 = arith.constant 0 : i32
    %c0_i32_0 = arith.constant 0 : i32
    %c0_i32_1 = arith.constant 0 : i32
    return %c0_i32, %c0_i32_0 : i32, i32
  }
  func.func @transform_8(%arg0: i32) -> (i32, i32, i32) {
    %c0_i32 = arith.constant 0 : i32
    %c0_i32_0 = arith.constant 0 : i32
    %c0_i32_1 = arith.constant 0 : i32
    return %arg0, %c0_i32, %c0_i32_0 : i32, i32, i32
  }
}

module attributes {stable_mosaic.version = 14 : i64} {
  func.func @_sa_body(%arg0: i32, %arg1: memref<1x512x67xf32, #tpu.memory_space<vmem>>, %arg2: memref<1x3x512xf32, #tpu.memory_space<vmem>>, %arg3: memref<1x256x3xf32, #tpu.memory_space<vmem>>, %arg4: memref<67x64xf32, #tpu.memory_space<vmem>>, %arg5: memref<1x64xf32, #tpu.memory_space<vmem>>, %arg6: memref<64x64xf32, #tpu.memory_space<vmem>>, %arg7: memref<1x64xf32, #tpu.memory_space<vmem>>, %arg8: memref<64x128xf32, #tpu.memory_space<vmem>>, %arg9: memref<1x128xf32, #tpu.memory_space<vmem>>, %arg10: memref<1x256x128xf32, #tpu.memory_space<vmem>>) attributes {dimension_semantics = [#tpu.dimension_semantics<parallel>], iteration_bounds = array<i64: 16>, scalar_prefetch = 0 : i64, scratch_operands = 0 : i64, tpu.core_type = #tpu.core_type<tc>, window_params = [{transform_indices = @transform_0, window_bounds = array<i64: 1, 512, 67>}, {transform_indices = @transform_1, window_bounds = array<i64: 1, 3, 512>}, {transform_indices = @transform_2, window_bounds = array<i64: 1, 256, 3>}, {pipeline_mode = #tpu.pipeline_mode<synchronous>, transform_indices = @transform_3, window_bounds = array<i64: 67, 64>}, {pipeline_mode = #tpu.pipeline_mode<synchronous>, transform_indices = @transform_4, window_bounds = array<i64: 1, 64>}, {pipeline_mode = #tpu.pipeline_mode<synchronous>, transform_indices = @transform_5, window_bounds = array<i64: 64, 64>}, {pipeline_mode = #tpu.pipeline_mode<synchronous>, transform_indices = @transform_6, window_bounds = array<i64: 1, 64>}, {pipeline_mode = #tpu.pipeline_mode<synchronous>, transform_indices = @transform_7, window_bounds = array<i64: 64, 128>}, {pipeline_mode = #tpu.pipeline_mode<synchronous>, transform_indices = @transform_8, window_bounds = array<i64: 1, 128>}, {transform_indices = @transform_9, window_bounds = array<i64: 1, 256, 128>}]} {
    %get3A = arith.constant 0 : index
    %get3A_0 = arith.constant 0 : index
    %get3A_1 = arith.constant 0 : index
    %get3A_2 = vector.load %arg1[%get3A, %get3A_0, %get3A_1] : memref<1x512x67xf32, #tpu.memory_space<vmem>>, vector<1x512x67xf32>
    %get3A_3 = vector.shape_cast %get3A_2 : vector<1x512x67xf32> to vector<512x67xf32>
    %get3A_4 = arith.constant 0 : index
    %get3A_5 = arith.constant 0 : index
    %get3A_6 = arith.constant 0 : index
    %get3A_7 = vector.load %arg2[%get3A_4, %get3A_5, %get3A_6] : memref<1x3x512xf32, #tpu.memory_space<vmem>>, vector<1x3x512xf32>
    %get3A_8 = vector.shape_cast %get3A_7 : vector<1x3x512xf32> to vector<3x512xf32>
    %get3A_9 = arith.constant 0 : index
    %get3A_10 = arith.constant 0 : index
    %get3A_11 = arith.constant 0 : index
    %get3A_12 = vector.load %arg3[%get3A_9, %get3A_10, %get3A_11] : memref<1x256x3xf32, #tpu.memory_space<vmem>>, vector<1x256x3xf32>
    %get3A_13 = vector.shape_cast %get3A_12 : vector<1x256x3xf32> to vector<256x3xf32>
    %slice3A = vector.extract_strided_slice %get3A_8 {offsets = [0, 0], sizes = [1, 512], strides = [1, 1]} : vector<3x512xf32> to vector<1x512xf32>
    %slice3A_14 = vector.extract_strided_slice %get3A_8 {offsets = [1, 0], sizes = [1, 512], strides = [1, 1]} : vector<3x512xf32> to vector<1x512xf32>
    %slice3A_15 = vector.extract_strided_slice %get3A_8 {offsets = [2, 0], sizes = [1, 512], strides = [1, 1]} : vector<3x512xf32> to vector<1x512xf32>
    %mul3A = arith.mulf %slice3A, %slice3A : vector<1x512xf32>
    %mul3A_16 = arith.mulf %slice3A_14, %slice3A_14 : vector<1x512xf32>
    %add3A = arith.addf %mul3A, %mul3A_16 : vector<1x512xf32>
    %mul3A_17 = arith.mulf %slice3A_15, %slice3A_15 : vector<1x512xf32>
    %add3A_18 = arith.addf %add3A, %mul3A_17 : vector<1x512xf32>
    %slice3A_19 = vector.extract_strided_slice %get3A_13 {offsets = [0, 0], sizes = [256, 1], strides = [1, 1]} : vector<256x3xf32> to vector<256x1xf32>
    %slice3A_20 = vector.extract_strided_slice %get3A_13 {offsets = [0, 1], sizes = [256, 1], strides = [1, 1]} : vector<256x3xf32> to vector<256x1xf32>
    %slice3A_21 = vector.extract_strided_slice %get3A_13 {offsets = [0, 2], sizes = [256, 1], strides = [1, 1]} : vector<256x3xf32> to vector<256x1xf32>
    %mul3A_22 = arith.mulf %slice3A_19, %slice3A_19 : vector<256x1xf32>
    %mul3A_23 = arith.mulf %slice3A_20, %slice3A_20 : vector<256x1xf32>
    %add3A_24 = arith.addf %mul3A_22, %mul3A_23 : vector<256x1xf32>
    %mul3A_25 = arith.mulf %slice3A_21, %slice3A_21 : vector<256x1xf32>
    %add3A_26 = arith.addf %add3A_24, %mul3A_25 : vector<256x1xf32>
    %dot_general3A = arith.constant dense<0.000000e+00> : vector<256x512xf32>
    %dot_general3A_27 = tpu.matmul %get3A_13, %get3A_8, %dot_general3A {dimension_numbers = #tpu.dot_dimension_numbers<[1], [0], [0], [1], [0, 0, 1, 1], [], []>, transpose_lhs_hint = false} : vector<256x3xf32>, vector<3x512xf32>, vector<256x512xf32> -> vector<256x512xf32>
    %add3A_28 = vector.broadcast %add3A_26 : vector<256x1xf32> to vector<256x512xf32>
    %add3A_29 = vector.broadcast %add3A_18 : vector<1x512xf32> to vector<256x512xf32>
    %add3A_30 = arith.addf %add3A_28, %add3A_29 : vector<256x512xf32>
    %mul3A_31 = arith.constant 2.000000e+00 : f32
    %mul3A_32 = vector.broadcast %mul3A_31 : f32 to vector<256x512xf32>
    %mul3A_33 = arith.mulf %mul3A_32, %dot_general3A_27 : vector<256x512xf32>
    %sub3A = arith.subf %add3A_30, %mul3A_33 : vector<256x512xf32>
    %le3A = arith.constant 4.000000e-02 : f32
    %le3A_34 = vector.broadcast %le3A : f32 to vector<256x512xf32>
    %le3A_35 = arith.cmpf ole, %sub3A, %le3A_34 : vector<256x512xf32>
    %convert_element_type3A = arith.extui %le3A_35 : vector<256x512xi1> to vector<256x512xi32>
    %broadcast_in_dim3A = arith.constant 0 : i32
    %broadcast_in_dim3A_36 = vector.broadcast %broadcast_in_dim3A : i32 to vector<256x1xi32>
    %slice3A_37 = vector.extract_strided_slice %convert_element_type3A {offsets = [0, 0], sizes = [256, 511], strides = [1, 1]} : vector<256x512xi32> to vector<256x511xi32>
    %concatenate3A = tpu.concatenate %broadcast_in_dim3A_36, %slice3A_37 in 1 : vector<256x1xi32>, vector<256x511xi32> -> vector<256x512xi32>
    %add3A_38 = arith.addi %convert_element_type3A, %concatenate3A : vector<256x512xi32>
    %broadcast_in_dim3A_39 = arith.constant 0 : i32
    %broadcast_in_dim3A_40 = vector.broadcast %broadcast_in_dim3A_39 : i32 to vector<256x2xi32>
    %slice3A_41 = vector.extract_strided_slice %add3A_38 {offsets = [0, 0], sizes = [256, 510], strides = [1, 1]} : vector<256x512xi32> to vector<256x510xi32>
    %concatenate3A_42 = tpu.concatenate %broadcast_in_dim3A_40, %slice3A_41 in 1 : vector<256x2xi32>, vector<256x510xi32> -> vector<256x512xi32>
    %add3A_43 = arith.addi %add3A_38, %concatenate3A_42 : vector<256x512xi32>
    %broadcast_in_dim3A_44 = arith.constant 0 : i32
    %broadcast_in_dim3A_45 = vector.broadcast %broadcast_in_dim3A_44 : i32 to vector<256x4xi32>
    %slice3A_46 = vector.extract_strided_slice %add3A_43 {offsets = [0, 0], sizes = [256, 508], strides = [1, 1]} : vector<256x512xi32> to vector<256x508xi32>
    %concatenate3A_47 = tpu.concatenate %broadcast_in_dim3A_45, %slice3A_46 in 1 : vector<256x4xi32>, vector<256x508xi32> -> vector<256x512xi32>
    %add3A_48 = arith.addi %add3A_43, %concatenate3A_47 : vector<256x512xi32>
    %broadcast_in_dim3A_49 = arith.constant 0 : i32
    %broadcast_in_dim3A_50 = vector.broadcast %broadcast_in_dim3A_49 : i32 to vector<256x8xi32>
    %slice3A_51 = vector.extract_strided_slice %add3A_48 {offsets = [0, 0], sizes = [256, 504], strides = [1, 1]} : vector<256x512xi32> to vector<256x504xi32>
    %concatenate3A_52 = tpu.concatenate %broadcast_in_dim3A_50, %slice3A_51 in 1 : vector<256x8xi32>, vector<256x504xi32> -> vector<256x512xi32>
    %add3A_53 = arith.addi %add3A_48, %concatenate3A_52 : vector<256x512xi32>
    %broadcast_in_dim3A_54 = arith.constant 0 : i32
    %broadcast_in_dim3A_55 = vector.broadcast %broadcast_in_dim3A_54 : i32 to vector<256x16xi32>
    %slice3A_56 = vector.extract_strided_slice %add3A_53 {offsets = [0, 0], sizes = [256, 496], strides = [1, 1]} : vector<256x512xi32> to vector<256x496xi32>
    %concatenate3A_57 = tpu.concatenate %broadcast_in_dim3A_55, %slice3A_56 in 1 : vector<256x16xi32>, vector<256x496xi32> -> vector<256x512xi32>
    %add3A_58 = arith.addi %add3A_53, %concatenate3A_57 : vector<256x512xi32>
    %broadcast_in_dim3A_59 = arith.constant 0 : i32
    %broadcast_in_dim3A_60 = vector.broadcast %broadcast_in_dim3A_59 : i32 to vector<256x32xi32>
    %slice3A_61 = vector.extract_strided_slice %add3A_58 {offsets = [0, 0], sizes = [256, 480], strides = [1, 1]} : vector<256x512xi32> to vector<256x480xi32>
    %concatenate3A_62 = tpu.concatenate %broadcast_in_dim3A_60, %slice3A_61 in 1 : vector<256x32xi32>, vector<256x480xi32> -> vector<256x512xi32>
    %add3A_63 = arith.addi %add3A_58, %concatenate3A_62 : vector<256x512xi32>
    %broadcast_in_dim3A_64 = arith.constant 0 : i32
    %broadcast_in_dim3A_65 = vector.broadcast %broadcast_in_dim3A_64 : i32 to vector<256x64xi32>
    %slice3A_66 = vector.extract_strided_slice %add3A_63 {offsets = [0, 0], sizes = [256, 448], strides = [1, 1]} : vector<256x512xi32> to vector<256x448xi32>
    %concatenate3A_67 = tpu.concatenate %broadcast_in_dim3A_65, %slice3A_66 in 1 : vector<256x64xi32>, vector<256x448xi32> -> vector<256x512xi32>
    %add3A_68 = arith.addi %add3A_63, %concatenate3A_67 : vector<256x512xi32>
    %broadcast_in_dim3A_69 = arith.constant 0 : i32
    %broadcast_in_dim3A_70 = vector.broadcast %broadcast_in_dim3A_69 : i32 to vector<256x128xi32>
    %slice3A_71 = vector.extract_strided_slice %add3A_68 {offsets = [0, 0], sizes = [256, 384], strides = [1, 1]} : vector<256x512xi32> to vector<256x384xi32>
    %concatenate3A_72 = tpu.concatenate %broadcast_in_dim3A_70, %slice3A_71 in 1 : vector<256x128xi32>, vector<256x384xi32> -> vector<256x512xi32>
    %add3A_73 = arith.addi %add3A_68, %concatenate3A_72 : vector<256x512xi32>
    %broadcast_in_dim3A_74 = arith.constant 0 : i32
    %broadcast_in_dim3A_75 = vector.broadcast %broadcast_in_dim3A_74 : i32 to vector<256x256xi32>
    %slice3A_76 = vector.extract_strided_slice %add3A_73 {offsets = [0, 0], sizes = [256, 256], strides = [1, 1]} : vector<256x512xi32> to vector<256x256xi32>
    %concatenate3A_77 = tpu.concatenate %broadcast_in_dim3A_75, %slice3A_76 in 1 : vector<256x256xi32>, vector<256x256xi32> -> vector<256x512xi32>
    %add3A_78 = arith.addi %add3A_73, %concatenate3A_77 : vector<256x512xi32>
    %slice3A_79 = vector.extract_strided_slice %add3A_78 {offsets = [0, 511], sizes = [256, 1], strides = [1, 1]} : vector<256x512xi32> to vector<256x1xi32>
    %jit3A = arith.constant 0 : i32
    %broadcast_in_dim3A_80 = vector.broadcast %jit3A : i32 to vector<256x512xi32>
    %select_n3A = arith.select %le3A_35, %add3A_78, %broadcast_in_dim3A_80 : vector<256x512xi1>, vector<256x512xi32>
    %broadcast_in_dim3A_81 = arith.constant 0.000000e+00 : f32
    %broadcast_in_dim3A_82 = vector.broadcast %broadcast_in_dim3A_81 : f32 to vector<256x64xf32>
    %concatenate3A_83 = tpu.concatenate %get3A_13, %broadcast_in_dim3A_82 in 1 : vector<256x3xf32>, vector<256x64xf32> -> vector<256x67xf32>
    %get3A_84 = arith.constant 0 : index
    %get3A_85 = arith.constant 0 : index
    %get3A_86 = vector.load %arg4[%get3A_84, %get3A_85] : memref<67x64xf32, #tpu.memory_space<vmem>>, vector<67x64xf32>
    %get3A_87 = arith.constant 0 : index
    %get3A_88 = arith.constant 0 : index
    %get3A_89 = vector.load %arg5[%get3A_87, %get3A_88] : memref<1x64xf32, #tpu.memory_space<vmem>>, vector<1x64xf32>
    %get3A_90 = arith.constant 0 : index
    %get3A_91 = arith.constant 0 : index
    %get3A_92 = vector.load %arg6[%get3A_90, %get3A_91] : memref<64x64xf32, #tpu.memory_space<vmem>>, vector<64x64xf32>
    %get3A_93 = arith.constant 0 : index
    %get3A_94 = arith.constant 0 : index
    %get3A_95 = vector.load %arg7[%get3A_93, %get3A_94] : memref<1x64xf32, #tpu.memory_space<vmem>>, vector<1x64xf32>
    %get3A_96 = arith.constant 0 : index
    %get3A_97 = arith.constant 0 : index
    %get3A_98 = vector.load %arg8[%get3A_96, %get3A_97] : memref<64x128xf32, #tpu.memory_space<vmem>>, vector<64x128xf32>
    %get3A_99 = arith.constant 0 : index
    %get3A_100 = arith.constant 0 : index
    %get3A_101 = vector.load %arg9[%get3A_99, %get3A_100] : memref<1x128xf32, #tpu.memory_space<vmem>>, vector<1x128xf32>
    %convert_element_type3A_102 = arith.truncf %get3A_3 : vector<512x67xf32> to vector<512x67xbf16>
    %convert_element_type3A_103 = arith.extf %convert_element_type3A_102 : vector<512x67xbf16> to vector<512x67xf32>
    %sub3A_104 = arith.subf %get3A_3, %convert_element_type3A_103 : vector<512x67xf32>
    %convert_element_type3A_105 = arith.truncf %sub3A_104 : vector<512x67xf32> to vector<512x67xbf16>
    %eq3A = arith.constant 1 : i32
    %eq3A_106 = vector.broadcast %eq3A : i32 to vector<256x512xi32>
    %eq3A_107 = arith.cmpi eq, %select_n3A, %eq3A_106 : vector<256x512xi32>
    %convert_element_type3A_108 = arith.extui %eq3A_107 : vector<256x512xi1> to vector<256x512xi32>
    %convert_element_type3A_109 = arith.sitofp %convert_element_type3A_108 : vector<256x512xi32> to vector<256x512xf32>
    %convert_element_type3A_110 = arith.truncf %convert_element_type3A_109 : vector<256x512xf32> to vector<256x512xbf16>
    %dot_general3A_111 = arith.constant dense<0.000000e+00> : vector<256x67xf32>
    %dot_general3A_112 = tpu.matmul %convert_element_type3A_110, %convert_element_type3A_102, %dot_general3A_111 {dimension_numbers = #tpu.dot_dimension_numbers<[1], [0], [0], [1], [0, 0, 1, 1], [], []>, transpose_lhs_hint = false} : vector<256x512xbf16>, vector<512x67xbf16>, vector<256x67xf32> -> vector<256x67xf32>
    %dot_general3A_113 = arith.constant dense<0.000000e+00> : vector<256x67xf32>
    %dot_general3A_114 = tpu.matmul %convert_element_type3A_110, %convert_element_type3A_105, %dot_general3A_113 {dimension_numbers = #tpu.dot_dimension_numbers<[1], [0], [0], [1], [0, 0, 1, 1], [], []>, transpose_lhs_hint = false} : vector<256x512xbf16>, vector<512x67xbf16>, vector<256x67xf32> -> vector<256x67xf32>
    %add3A_115 = arith.addf %dot_general3A_112, %dot_general3A_114 : vector<256x67xf32>
    %gt3A = arith.constant 0 : i32
    %gt3A_116 = vector.broadcast %gt3A : i32 to vector<256x1xi32>
    %gt3A_117 = arith.cmpi sgt, %slice3A_79, %gt3A_116 : vector<256x1xi32>
    %slice3A_118 = vector.extract_strided_slice %get3A_3 {offsets = [0, 0], sizes = [1, 67], strides = [1, 1]} : vector<512x67xf32> to vector<1x67xf32>
    %broadcast_in_dim3A_119 = vector.shape_cast %gt3A_117 : vector<256x1xi1> to vector<256x1xi1>
    %broadcast_in_dim3A_120 = vector.broadcast %broadcast_in_dim3A_119 : vector<256x1xi1> to vector<256x67xi1>
    %broadcast_in_dim3A_121 = vector.shape_cast %slice3A_118 : vector<1x67xf32> to vector<1x67xf32>
    %broadcast_in_dim3A_122 = vector.broadcast %broadcast_in_dim3A_121 : vector<1x67xf32> to vector<256x67xf32>
    %select_n3A_123 = arith.select %broadcast_in_dim3A_120, %add3A_115, %broadcast_in_dim3A_122 : vector<256x67xi1>, vector<256x67xf32>
    %sub3A_124 = arith.subf %select_n3A_123, %concatenate3A_83 : vector<256x67xf32>
    %dot_general3A_125 = arith.constant dense<0.000000e+00> : vector<256x64xf32>
    %dot_general3A_126 = tpu.matmul %sub3A_124, %get3A_86, %dot_general3A_125 {dimension_numbers = #tpu.dot_dimension_numbers<[1], [0], [0], [1], [0, 0, 1, 1], [], []>, transpose_lhs_hint = false} : vector<256x67xf32>, vector<67x64xf32>, vector<256x64xf32> -> vector<256x64xf32>
    %add3A_127 = vector.broadcast %get3A_89 : vector<1x64xf32> to vector<256x64xf32>
    %add3A_128 = arith.addf %dot_general3A_126, %add3A_127 : vector<256x64xf32>
    %max3A = arith.constant 0.000000e+00 : f32
    %max3A_129 = vector.broadcast %max3A : f32 to vector<256x64xf32>
    %max3A_130 = arith.maximumf %add3A_128, %max3A_129 : vector<256x64xf32>
    %dot_general3A_131 = arith.constant dense<0.000000e+00> : vector<256x64xf32>
    %dot_general3A_132 = tpu.matmul %max3A_130, %get3A_92, %dot_general3A_131 {dimension_numbers = #tpu.dot_dimension_numbers<[1], [0], [0], [1], [0, 0, 1, 1], [], []>, transpose_lhs_hint = false} : vector<256x64xf32>, vector<64x64xf32>, vector<256x64xf32> -> vector<256x64xf32>
    %add3A_133 = vector.broadcast %get3A_95 : vector<1x64xf32> to vector<256x64xf32>
    %add3A_134 = arith.addf %dot_general3A_132, %add3A_133 : vector<256x64xf32>
    %max3A_135 = arith.constant 0.000000e+00 : f32
    %max3A_136 = vector.broadcast %max3A_135 : f32 to vector<256x64xf32>
    %max3A_137 = arith.maximumf %add3A_134, %max3A_136 : vector<256x64xf32>
    %dot_general3A_138 = arith.constant dense<0.000000e+00> : vector<256x128xf32>
    %dot_general3A_139 = tpu.matmul %max3A_137, %get3A_98, %dot_general3A_138 {dimension_numbers = #tpu.dot_dimension_numbers<[1], [0], [0], [1], [0, 0, 1, 1], [], []>, transpose_lhs_hint = false} : vector<256x64xf32>, vector<64x128xf32>, vector<256x128xf32> -> vector<256x128xf32>
    %add3A_140 = vector.broadcast %get3A_101 : vector<1x128xf32> to vector<256x128xf32>
    %add3A_141 = arith.addf %dot_general3A_139, %add3A_140 : vector<256x128xf32>
    %max3A_142 = arith.constant 0.000000e+00 : f32
    %max3A_143 = vector.broadcast %max3A_142 : f32 to vector<256x128xf32>
    %max3A_144 = arith.maximumf %add3A_141, %max3A_143 : vector<256x128xf32>
    %scan3A = arith.constant 1 : i32
    %scan3A_145 = arith.constant 31 : i32
    %scan3A_146 = arith.addi %scan3A, %scan3A_145 : i32
    %scan3A_147 = arith.constant 1 : i32
    %scan3A_148 = scf.for %scan3A_155 = %scan3A to %scan3A_146 step %scan3A_147 iter_args(%scan3A_156 = %max3A_144) -> (vector<256x128xf32>)  : i32 {
      %add3A_157 = arith.constant 1 : i32
      %add3A_158 = arith.addi %scan3A_155, %add3A_157 : i32
      %eq3A_159 = vector.broadcast %add3A_158 : i32 to vector<256x512xi32>
      %eq3A_160 = arith.cmpi eq, %select_n3A, %eq3A_159 : vector<256x512xi32>
      %convert_element_type3A_161 = arith.extui %eq3A_160 : vector<256x512xi1> to vector<256x512xi32>
      %convert_element_type3A_162 = arith.sitofp %convert_element_type3A_161 : vector<256x512xi32> to vector<256x512xf32>
      %convert_element_type3A_163 = arith.truncf %convert_element_type3A_162 : vector<256x512xf32> to vector<256x512xbf16>
      %dot_general3A_164 = arith.constant dense<0.000000e+00> : vector<256x67xf32>
      %dot_general3A_165 = tpu.matmul %convert_element_type3A_163, %convert_element_type3A_102, %dot_general3A_164 {dimension_numbers = #tpu.dot_dimension_numbers<[1], [0], [0], [1], [0, 0, 1, 1], [], []>, transpose_lhs_hint = false} : vector<256x512xbf16>, vector<512x67xbf16>, vector<256x67xf32> -> vector<256x67xf32>
      %dot_general3A_166 = arith.constant dense<0.000000e+00> : vector<256x67xf32>
      %dot_general3A_167 = tpu.matmul %convert_element_type3A_163, %convert_element_type3A_105, %dot_general3A_166 {dimension_numbers = #tpu.dot_dimension_numbers<[1], [0], [0], [1], [0, 0, 1, 1], [], []>, transpose_lhs_hint = false} : vector<256x512xbf16>, vector<512x67xbf16>, vector<256x67xf32> -> vector<256x67xf32>
      %add3A_168 = arith.addf %dot_general3A_165, %dot_general3A_167 : vector<256x67xf32>
      %gt3A_169 = vector.broadcast %scan3A_155 : i32 to vector<256x1xi32>
      %gt3A_170 = arith.cmpi sgt, %slice3A_79, %gt3A_169 : vector<256x1xi32>
      %broadcast_in_dim3A_171 = vector.shape_cast %gt3A_170 : vector<256x1xi1> to vector<256x1xi1>
      %broadcast_in_dim3A_172 = vector.broadcast %broadcast_in_dim3A_171 : vector<256x1xi1> to vector<256x67xi1>
      %select_n3A_173 = arith.select %broadcast_in_dim3A_172, %add3A_168, %select_n3A_123 : vector<256x67xi1>, vector<256x67xf32>
      %sub3A_174 = arith.subf %select_n3A_173, %concatenate3A_83 : vector<256x67xf32>
      %dot_general3A_175 = arith.constant dense<0.000000e+00> : vector<256x64xf32>
      %dot_general3A_176 = tpu.matmul %sub3A_174, %get3A_86, %dot_general3A_175 {dimension_numbers = #tpu.dot_dimension_numbers<[1], [0], [0], [1], [0, 0, 1, 1], [], []>, transpose_lhs_hint = false} : vector<256x67xf32>, vector<67x64xf32>, vector<256x64xf32> -> vector<256x64xf32>
      %add3A_177 = vector.broadcast %get3A_89 : vector<1x64xf32> to vector<256x64xf32>
      %add3A_178 = arith.addf %dot_general3A_176, %add3A_177 : vector<256x64xf32>
      %max3A_179 = arith.constant 0.000000e+00 : f32
      %max3A_180 = vector.broadcast %max3A_179 : f32 to vector<256x64xf32>
      %max3A_181 = arith.maximumf %add3A_178, %max3A_180 : vector<256x64xf32>
      %dot_general3A_182 = arith.constant dense<0.000000e+00> : vector<256x64xf32>
      %dot_general3A_183 = tpu.matmul %max3A_181, %get3A_92, %dot_general3A_182 {dimension_numbers = #tpu.dot_dimension_numbers<[1], [0], [0], [1], [0, 0, 1, 1], [], []>, transpose_lhs_hint = false} : vector<256x64xf32>, vector<64x64xf32>, vector<256x64xf32> -> vector<256x64xf32>
      %add3A_184 = vector.broadcast %get3A_95 : vector<1x64xf32> to vector<256x64xf32>
      %add3A_185 = arith.addf %dot_general3A_183, %add3A_184 : vector<256x64xf32>
      %max3A_186 = arith.constant 0.000000e+00 : f32
      %max3A_187 = vector.broadcast %max3A_186 : f32 to vector<256x64xf32>
      %max3A_188 = arith.maximumf %add3A_185, %max3A_187 : vector<256x64xf32>
      %dot_general3A_189 = arith.constant dense<0.000000e+00> : vector<256x128xf32>
      %dot_general3A_190 = tpu.matmul %max3A_188, %get3A_98, %dot_general3A_189 {dimension_numbers = #tpu.dot_dimension_numbers<[1], [0], [0], [1], [0, 0, 1, 1], [], []>, transpose_lhs_hint = false} : vector<256x64xf32>, vector<64x128xf32>, vector<256x128xf32> -> vector<256x128xf32>
      %add3A_191 = vector.broadcast %get3A_101 : vector<1x128xf32> to vector<256x128xf32>
      %add3A_192 = arith.addf %dot_general3A_190, %add3A_191 : vector<256x128xf32>
      %max3A_193 = arith.constant 0.000000e+00 : f32
      %max3A_194 = vector.broadcast %max3A_193 : f32 to vector<256x128xf32>
      %max3A_195 = arith.maximumf %add3A_192, %max3A_194 : vector<256x128xf32>
      %max3A_196 = arith.maximumf %scan3A_156, %max3A_195 : vector<256x128xf32>
      scf.yield %max3A_196 : vector<256x128xf32>
    }
    %scan3A_149 = arith.constant 31 : i32
    %swap3A = arith.constant 0 : index
    %swap3A_150 = arith.constant 0 : index
    %swap3A_151 = arith.constant 0 : index
    %swap3A_152 = vector.load %arg10[%swap3A, %swap3A_150, %swap3A_151] : memref<1x256x128xf32, #tpu.memory_space<vmem>>, vector<1x256x128xf32>
    %swap3A_153 = vector.shape_cast %swap3A_152 : vector<1x256x128xf32> to vector<256x128xf32>
    %swap3A_154 = vector.shape_cast %scan3A_148 : vector<256x128xf32> to vector<1x256x128xf32>
    tpu.vector_store %arg10[%swap3A, %swap3A_150, %swap3A_151], %swap3A_154 {strides = array<i32>} : memref<1x256x128xf32, #tpu.memory_space<vmem>>, vector<1x256x128xf32>,
    return
  }
  func.func @transform_0(%arg0: i32) -> (i32, i32, i32) {
    %c0_i32 = arith.constant 0 : i32
    %c0_i32_0 = arith.constant 0 : i32
    %c0_i32_1 = arith.constant 0 : i32
    return %arg0, %c0_i32, %c0_i32_0 : i32, i32, i32
  }
  func.func @transform_1(%arg0: i32) -> (i32, i32, i32) {
    %c0_i32 = arith.constant 0 : i32
    %c0_i32_0 = arith.constant 0 : i32
    %c0_i32_1 = arith.constant 0 : i32
    return %arg0, %c0_i32, %c0_i32_0 : i32, i32, i32
  }
  func.func @transform_2(%arg0: i32) -> (i32, i32, i32) {
    %c0_i32 = arith.constant 0 : i32
    %c0_i32_0 = arith.constant 0 : i32
    %c0_i32_1 = arith.constant 0 : i32
    return %arg0, %c0_i32, %c0_i32_0 : i32, i32, i32
  }
  func.func @transform_3(%arg0: i32) -> (i32, i32) {
    %c0_i32 = arith.constant 0 : i32
    %c0_i32_0 = arith.constant 0 : i32
    %c0_i32_1 = arith.constant 0 : i32
    return %c0_i32, %c0_i32_0 : i32, i32
  }
  func.func @transform_4(%arg0: i32) -> (i32, i32) {
    %c0_i32 = arith.constant 0 : i32
    %c0_i32_0 = arith.constant 0 : i32
    %c0_i32_1 = arith.constant 0 : i32
    return %c0_i32, %c0_i32_0 : i32, i32
  }
  func.func @transform_5(%arg0: i32) -> (i32, i32) {
    %c0_i32 = arith.constant 0 : i32
    %c0_i32_0 = arith.constant 0 : i32
    %c0_i32_1 = arith.constant 0 : i32
    return %c0_i32, %c0_i32_0 : i32, i32
  }
  func.func @transform_6(%arg0: i32) -> (i32, i32) {
    %c0_i32 = arith.constant 0 : i32
    %c0_i32_0 = arith.constant 0 : i32
    %c0_i32_1 = arith.constant 0 : i32
    return %c0_i32, %c0_i32_0 : i32, i32
  }
  func.func @transform_7(%arg0: i32) -> (i32, i32) {
    %c0_i32 = arith.constant 0 : i32
    %c0_i32_0 = arith.constant 0 : i32
    %c0_i32_1 = arith.constant 0 : i32
    return %c0_i32, %c0_i32_0 : i32, i32
  }
  func.func @transform_8(%arg0: i32) -> (i32, i32) {
    %c0_i32 = arith.constant 0 : i32
    %c0_i32_0 = arith.constant 0 : i32
    %c0_i32_1 = arith.constant 0 : i32
    return %c0_i32, %c0_i32_0 : i32, i32
  }
  func.func @transform_9(%arg0: i32) -> (i32, i32, i32) {
    %c0_i32 = arith.constant 0 : i32
    %c0_i32_0 = arith.constant 0 : i32
    %c0_i32_1 = arith.constant 0 : i32
    return %arg0, %c0_i32, %c0_i32_0 : i32, i32, i32
  }
}

module attributes {stable_mosaic.version = 14 : i64} {
  func.func @_sa_body(%arg0: i32, %arg1: memref<1x256x131xf32, #tpu.memory_space<vmem>>, %arg2: memref<1x3x256xf32, #tpu.memory_space<vmem>>, %arg3: memref<1x128x3xf32, #tpu.memory_space<vmem>>, %arg4: memref<131x128xf32, #tpu.memory_space<vmem>>, %arg5: memref<1x128xf32, #tpu.memory_space<vmem>>, %arg6: memref<128x128xf32, #tpu.memory_space<vmem>>, %arg7: memref<1x128xf32, #tpu.memory_space<vmem>>, %arg8: memref<128x256xf32, #tpu.memory_space<vmem>>, %arg9: memref<1x256xf32, #tpu.memory_space<vmem>>, %arg10: memref<1x128x256xf32, #tpu.memory_space<vmem>>) attributes {dimension_semantics = [#tpu.dimension_semantics<parallel>], iteration_bounds = array<i64: 16>, scalar_prefetch = 0 : i64, scratch_operands = 0 : i64, tpu.core_type = #tpu.core_type<tc>, window_params = [{transform_indices = @transform_0, window_bounds = array<i64: 1, 256, 131>}, {transform_indices = @transform_1, window_bounds = array<i64: 1, 3, 256>}, {transform_indices = @transform_2, window_bounds = array<i64: 1, 128, 3>}, {pipeline_mode = #tpu.pipeline_mode<synchronous>, transform_indices = @transform_3, window_bounds = array<i64: 131, 128>}, {pipeline_mode = #tpu.pipeline_mode<synchronous>, transform_indices = @transform_4, window_bounds = array<i64: 1, 128>}, {pipeline_mode = #tpu.pipeline_mode<synchronous>, transform_indices = @transform_5, window_bounds = array<i64: 128, 128>}, {pipeline_mode = #tpu.pipeline_mode<synchronous>, transform_indices = @transform_6, window_bounds = array<i64: 1, 128>}, {pipeline_mode = #tpu.pipeline_mode<synchronous>, transform_indices = @transform_7, window_bounds = array<i64: 128, 256>}, {pipeline_mode = #tpu.pipeline_mode<synchronous>, transform_indices = @transform_8, window_bounds = array<i64: 1, 256>}, {transform_indices = @transform_9, window_bounds = array<i64: 1, 128, 256>}]} {
    %get3A = arith.constant 0 : index
    %get3A_0 = arith.constant 0 : index
    %get3A_1 = arith.constant 0 : index
    %get3A_2 = vector.load %arg1[%get3A, %get3A_0, %get3A_1] : memref<1x256x131xf32, #tpu.memory_space<vmem>>, vector<1x256x131xf32>
    %get3A_3 = vector.shape_cast %get3A_2 : vector<1x256x131xf32> to vector<256x131xf32>
    %get3A_4 = arith.constant 0 : index
    %get3A_5 = arith.constant 0 : index
    %get3A_6 = arith.constant 0 : index
    %get3A_7 = vector.load %arg2[%get3A_4, %get3A_5, %get3A_6] : memref<1x3x256xf32, #tpu.memory_space<vmem>>, vector<1x3x256xf32>
    %get3A_8 = vector.shape_cast %get3A_7 : vector<1x3x256xf32> to vector<3x256xf32>
    %get3A_9 = arith.constant 0 : index
    %get3A_10 = arith.constant 0 : index
    %get3A_11 = arith.constant 0 : index
    %get3A_12 = vector.load %arg3[%get3A_9, %get3A_10, %get3A_11] : memref<1x128x3xf32, #tpu.memory_space<vmem>>, vector<1x128x3xf32>
    %get3A_13 = vector.shape_cast %get3A_12 : vector<1x128x3xf32> to vector<128x3xf32>
    %slice3A = vector.extract_strided_slice %get3A_8 {offsets = [0, 0], sizes = [1, 256], strides = [1, 1]} : vector<3x256xf32> to vector<1x256xf32>
    %slice3A_14 = vector.extract_strided_slice %get3A_8 {offsets = [1, 0], sizes = [1, 256], strides = [1, 1]} : vector<3x256xf32> to vector<1x256xf32>
    %slice3A_15 = vector.extract_strided_slice %get3A_8 {offsets = [2, 0], sizes = [1, 256], strides = [1, 1]} : vector<3x256xf32> to vector<1x256xf32>
    %mul3A = arith.mulf %slice3A, %slice3A : vector<1x256xf32>
    %mul3A_16 = arith.mulf %slice3A_14, %slice3A_14 : vector<1x256xf32>
    %add3A = arith.addf %mul3A, %mul3A_16 : vector<1x256xf32>
    %mul3A_17 = arith.mulf %slice3A_15, %slice3A_15 : vector<1x256xf32>
    %add3A_18 = arith.addf %add3A, %mul3A_17 : vector<1x256xf32>
    %slice3A_19 = vector.extract_strided_slice %get3A_13 {offsets = [0, 0], sizes = [128, 1], strides = [1, 1]} : vector<128x3xf32> to vector<128x1xf32>
    %slice3A_20 = vector.extract_strided_slice %get3A_13 {offsets = [0, 1], sizes = [128, 1], strides = [1, 1]} : vector<128x3xf32> to vector<128x1xf32>
    %slice3A_21 = vector.extract_strided_slice %get3A_13 {offsets = [0, 2], sizes = [128, 1], strides = [1, 1]} : vector<128x3xf32> to vector<128x1xf32>
    %mul3A_22 = arith.mulf %slice3A_19, %slice3A_19 : vector<128x1xf32>
    %mul3A_23 = arith.mulf %slice3A_20, %slice3A_20 : vector<128x1xf32>
    %add3A_24 = arith.addf %mul3A_22, %mul3A_23 : vector<128x1xf32>
    %mul3A_25 = arith.mulf %slice3A_21, %slice3A_21 : vector<128x1xf32>
    %add3A_26 = arith.addf %add3A_24, %mul3A_25 : vector<128x1xf32>
    %dot_general3A = arith.constant dense<0.000000e+00> : vector<128x256xf32>
    %dot_general3A_27 = tpu.matmul %get3A_13, %get3A_8, %dot_general3A {dimension_numbers = #tpu.dot_dimension_numbers<[1], [0], [0], [1], [0, 0, 1, 1], [], []>, transpose_lhs_hint = false} : vector<128x3xf32>, vector<3x256xf32>, vector<128x256xf32> -> vector<128x256xf32>
    %add3A_28 = vector.broadcast %add3A_26 : vector<128x1xf32> to vector<128x256xf32>
    %add3A_29 = vector.broadcast %add3A_18 : vector<1x256xf32> to vector<128x256xf32>
    %add3A_30 = arith.addf %add3A_28, %add3A_29 : vector<128x256xf32>
    %mul3A_31 = arith.constant 2.000000e+00 : f32
    %mul3A_32 = vector.broadcast %mul3A_31 : f32 to vector<128x256xf32>
    %mul3A_33 = arith.mulf %mul3A_32, %dot_general3A_27 : vector<128x256xf32>
    %sub3A = arith.subf %add3A_30, %mul3A_33 : vector<128x256xf32>
    %le3A = arith.constant 9.000000e-02 : f32
    %le3A_34 = vector.broadcast %le3A : f32 to vector<128x256xf32>
    %le3A_35 = arith.cmpf ole, %sub3A, %le3A_34 : vector<128x256xf32>
    %convert_element_type3A = arith.extui %le3A_35 : vector<128x256xi1> to vector<128x256xi32>
    %broadcast_in_dim3A = arith.constant 0 : i32
    %broadcast_in_dim3A_36 = vector.broadcast %broadcast_in_dim3A : i32 to vector<128x1xi32>
    %slice3A_37 = vector.extract_strided_slice %convert_element_type3A {offsets = [0, 0], sizes = [128, 255], strides = [1, 1]} : vector<128x256xi32> to vector<128x255xi32>
    %concatenate3A = tpu.concatenate %broadcast_in_dim3A_36, %slice3A_37 in 1 : vector<128x1xi32>, vector<128x255xi32> -> vector<128x256xi32>
    %add3A_38 = arith.addi %convert_element_type3A, %concatenate3A : vector<128x256xi32>
    %broadcast_in_dim3A_39 = arith.constant 0 : i32
    %broadcast_in_dim3A_40 = vector.broadcast %broadcast_in_dim3A_39 : i32 to vector<128x2xi32>
    %slice3A_41 = vector.extract_strided_slice %add3A_38 {offsets = [0, 0], sizes = [128, 254], strides = [1, 1]} : vector<128x256xi32> to vector<128x254xi32>
    %concatenate3A_42 = tpu.concatenate %broadcast_in_dim3A_40, %slice3A_41 in 1 : vector<128x2xi32>, vector<128x254xi32> -> vector<128x256xi32>
    %add3A_43 = arith.addi %add3A_38, %concatenate3A_42 : vector<128x256xi32>
    %broadcast_in_dim3A_44 = arith.constant 0 : i32
    %broadcast_in_dim3A_45 = vector.broadcast %broadcast_in_dim3A_44 : i32 to vector<128x4xi32>
    %slice3A_46 = vector.extract_strided_slice %add3A_43 {offsets = [0, 0], sizes = [128, 252], strides = [1, 1]} : vector<128x256xi32> to vector<128x252xi32>
    %concatenate3A_47 = tpu.concatenate %broadcast_in_dim3A_45, %slice3A_46 in 1 : vector<128x4xi32>, vector<128x252xi32> -> vector<128x256xi32>
    %add3A_48 = arith.addi %add3A_43, %concatenate3A_47 : vector<128x256xi32>
    %broadcast_in_dim3A_49 = arith.constant 0 : i32
    %broadcast_in_dim3A_50 = vector.broadcast %broadcast_in_dim3A_49 : i32 to vector<128x8xi32>
    %slice3A_51 = vector.extract_strided_slice %add3A_48 {offsets = [0, 0], sizes = [128, 248], strides = [1, 1]} : vector<128x256xi32> to vector<128x248xi32>
    %concatenate3A_52 = tpu.concatenate %broadcast_in_dim3A_50, %slice3A_51 in 1 : vector<128x8xi32>, vector<128x248xi32> -> vector<128x256xi32>
    %add3A_53 = arith.addi %add3A_48, %concatenate3A_52 : vector<128x256xi32>
    %broadcast_in_dim3A_54 = arith.constant 0 : i32
    %broadcast_in_dim3A_55 = vector.broadcast %broadcast_in_dim3A_54 : i32 to vector<128x16xi32>
    %slice3A_56 = vector.extract_strided_slice %add3A_53 {offsets = [0, 0], sizes = [128, 240], strides = [1, 1]} : vector<128x256xi32> to vector<128x240xi32>
    %concatenate3A_57 = tpu.concatenate %broadcast_in_dim3A_55, %slice3A_56 in 1 : vector<128x16xi32>, vector<128x240xi32> -> vector<128x256xi32>
    %add3A_58 = arith.addi %add3A_53, %concatenate3A_57 : vector<128x256xi32>
    %broadcast_in_dim3A_59 = arith.constant 0 : i32
    %broadcast_in_dim3A_60 = vector.broadcast %broadcast_in_dim3A_59 : i32 to vector<128x32xi32>
    %slice3A_61 = vector.extract_strided_slice %add3A_58 {offsets = [0, 0], sizes = [128, 224], strides = [1, 1]} : vector<128x256xi32> to vector<128x224xi32>
    %concatenate3A_62 = tpu.concatenate %broadcast_in_dim3A_60, %slice3A_61 in 1 : vector<128x32xi32>, vector<128x224xi32> -> vector<128x256xi32>
    %add3A_63 = arith.addi %add3A_58, %concatenate3A_62 : vector<128x256xi32>
    %broadcast_in_dim3A_64 = arith.constant 0 : i32
    %broadcast_in_dim3A_65 = vector.broadcast %broadcast_in_dim3A_64 : i32 to vector<128x64xi32>
    %slice3A_66 = vector.extract_strided_slice %add3A_63 {offsets = [0, 0], sizes = [128, 192], strides = [1, 1]} : vector<128x256xi32> to vector<128x192xi32>
    %concatenate3A_67 = tpu.concatenate %broadcast_in_dim3A_65, %slice3A_66 in 1 : vector<128x64xi32>, vector<128x192xi32> -> vector<128x256xi32>
    %add3A_68 = arith.addi %add3A_63, %concatenate3A_67 : vector<128x256xi32>
    %broadcast_in_dim3A_69 = arith.constant 0 : i32
    %broadcast_in_dim3A_70 = vector.broadcast %broadcast_in_dim3A_69 : i32 to vector<128x128xi32>
    %slice3A_71 = vector.extract_strided_slice %add3A_68 {offsets = [0, 0], sizes = [128, 128], strides = [1, 1]} : vector<128x256xi32> to vector<128x128xi32>
    %concatenate3A_72 = tpu.concatenate %broadcast_in_dim3A_70, %slice3A_71 in 1 : vector<128x128xi32>, vector<128x128xi32> -> vector<128x256xi32>
    %add3A_73 = arith.addi %add3A_68, %concatenate3A_72 : vector<128x256xi32>
    %slice3A_74 = vector.extract_strided_slice %add3A_73 {offsets = [0, 255], sizes = [128, 1], strides = [1, 1]} : vector<128x256xi32> to vector<128x1xi32>
    %jit3A = arith.constant 0 : i32
    %broadcast_in_dim3A_75 = vector.broadcast %jit3A : i32 to vector<128x256xi32>
    %select_n3A = arith.select %le3A_35, %add3A_73, %broadcast_in_dim3A_75 : vector<128x256xi1>, vector<128x256xi32>
    %broadcast_in_dim3A_76 = arith.constant 0.000000e+00 : f32
    %broadcast_in_dim3A_77 = vector.broadcast %broadcast_in_dim3A_76 : f32 to vector<128x128xf32>
    %concatenate3A_78 = tpu.concatenate %get3A_13, %broadcast_in_dim3A_77 in 1 : vector<128x3xf32>, vector<128x128xf32> -> vector<128x131xf32>
    %get3A_79 = arith.constant 0 : index
    %get3A_80 = arith.constant 0 : index
    %get3A_81 = vector.load %arg4[%get3A_79, %get3A_80] : memref<131x128xf32, #tpu.memory_space<vmem>>, vector<131x128xf32>
    %get3A_82 = arith.constant 0 : index
    %get3A_83 = arith.constant 0 : index
    %get3A_84 = vector.load %arg5[%get3A_82, %get3A_83] : memref<1x128xf32, #tpu.memory_space<vmem>>, vector<1x128xf32>
    %get3A_85 = arith.constant 0 : index
    %get3A_86 = arith.constant 0 : index
    %get3A_87 = vector.load %arg6[%get3A_85, %get3A_86] : memref<128x128xf32, #tpu.memory_space<vmem>>, vector<128x128xf32>
    %get3A_88 = arith.constant 0 : index
    %get3A_89 = arith.constant 0 : index
    %get3A_90 = vector.load %arg7[%get3A_88, %get3A_89] : memref<1x128xf32, #tpu.memory_space<vmem>>, vector<1x128xf32>
    %get3A_91 = arith.constant 0 : index
    %get3A_92 = arith.constant 0 : index
    %get3A_93 = vector.load %arg8[%get3A_91, %get3A_92] : memref<128x256xf32, #tpu.memory_space<vmem>>, vector<128x256xf32>
    %get3A_94 = arith.constant 0 : index
    %get3A_95 = arith.constant 0 : index
    %get3A_96 = vector.load %arg9[%get3A_94, %get3A_95] : memref<1x256xf32, #tpu.memory_space<vmem>>, vector<1x256xf32>
    %convert_element_type3A_97 = arith.truncf %get3A_3 : vector<256x131xf32> to vector<256x131xbf16>
    %convert_element_type3A_98 = arith.extf %convert_element_type3A_97 : vector<256x131xbf16> to vector<256x131xf32>
    %sub3A_99 = arith.subf %get3A_3, %convert_element_type3A_98 : vector<256x131xf32>
    %convert_element_type3A_100 = arith.truncf %sub3A_99 : vector<256x131xf32> to vector<256x131xbf16>
    %eq3A = arith.constant 1 : i32
    %eq3A_101 = vector.broadcast %eq3A : i32 to vector<128x256xi32>
    %eq3A_102 = arith.cmpi eq, %select_n3A, %eq3A_101 : vector<128x256xi32>
    %convert_element_type3A_103 = arith.extui %eq3A_102 : vector<128x256xi1> to vector<128x256xi32>
    %convert_element_type3A_104 = arith.sitofp %convert_element_type3A_103 : vector<128x256xi32> to vector<128x256xf32>
    %convert_element_type3A_105 = arith.truncf %convert_element_type3A_104 : vector<128x256xf32> to vector<128x256xbf16>
    %dot_general3A_106 = arith.constant dense<0.000000e+00> : vector<128x131xf32>
    %dot_general3A_107 = tpu.matmul %convert_element_type3A_105, %convert_element_type3A_97, %dot_general3A_106 {dimension_numbers = #tpu.dot_dimension_numbers<[1], [0], [0], [1], [0, 0, 1, 1], [], []>, transpose_lhs_hint = false} : vector<128x256xbf16>, vector<256x131xbf16>, vector<128x131xf32> -> vector<128x131xf32>
    %dot_general3A_108 = arith.constant dense<0.000000e+00> : vector<128x131xf32>
    %dot_general3A_109 = tpu.matmul %convert_element_type3A_105, %convert_element_type3A_100, %dot_general3A_108 {dimension_numbers = #tpu.dot_dimension_numbers<[1], [0], [0], [1], [0, 0, 1, 1], [], []>, transpose_lhs_hint = false} : vector<128x256xbf16>, vector<256x131xbf16>, vector<128x131xf32> -> vector<128x131xf32>
    %add3A_110 = arith.addf %dot_general3A_107, %dot_general3A_109 : vector<128x131xf32>
    %gt3A = arith.constant 0 : i32
    %gt3A_111 = vector.broadcast %gt3A : i32 to vector<128x1xi32>
    %gt3A_112 = arith.cmpi sgt, %slice3A_74, %gt3A_111 : vector<128x1xi32>
    %slice3A_113 = vector.extract_strided_slice %get3A_3 {offsets = [0, 0], sizes = [1, 131], strides = [1, 1]} : vector<256x131xf32> to vector<1x131xf32>
    %broadcast_in_dim3A_114 = vector.shape_cast %gt3A_112 : vector<128x1xi1> to vector<128x1xi1>
    %broadcast_in_dim3A_115 = vector.broadcast %broadcast_in_dim3A_114 : vector<128x1xi1> to vector<128x131xi1>
    %broadcast_in_dim3A_116 = vector.shape_cast %slice3A_113 : vector<1x131xf32> to vector<1x131xf32>
    %broadcast_in_dim3A_117 = vector.broadcast %broadcast_in_dim3A_116 : vector<1x131xf32> to vector<128x131xf32>
    %select_n3A_118 = arith.select %broadcast_in_dim3A_115, %add3A_110, %broadcast_in_dim3A_117 : vector<128x131xi1>, vector<128x131xf32>
    %sub3A_119 = arith.subf %select_n3A_118, %concatenate3A_78 : vector<128x131xf32>
    %dot_general3A_120 = arith.constant dense<0.000000e+00> : vector<128x128xf32>
    %dot_general3A_121 = tpu.matmul %sub3A_119, %get3A_81, %dot_general3A_120 {dimension_numbers = #tpu.dot_dimension_numbers<[1], [0], [0], [1], [0, 0, 1, 1], [], []>, transpose_lhs_hint = false} : vector<128x131xf32>, vector<131x128xf32>, vector<128x128xf32> -> vector<128x128xf32>
    %add3A_122 = vector.broadcast %get3A_84 : vector<1x128xf32> to vector<128x128xf32>
    %add3A_123 = arith.addf %dot_general3A_121, %add3A_122 : vector<128x128xf32>
    %max3A = arith.constant 0.000000e+00 : f32
    %max3A_124 = vector.broadcast %max3A : f32 to vector<128x128xf32>
    %max3A_125 = arith.maximumf %add3A_123, %max3A_124 : vector<128x128xf32>
    %dot_general3A_126 = arith.constant dense<0.000000e+00> : vector<128x128xf32>
    %dot_general3A_127 = tpu.matmul %max3A_125, %get3A_87, %dot_general3A_126 {dimension_numbers = #tpu.dot_dimension_numbers<[1], [0], [0], [1], [0, 0, 1, 1], [], []>, transpose_lhs_hint = false} : vector<128x128xf32>, vector<128x128xf32>, vector<128x128xf32> -> vector<128x128xf32>
    %add3A_128 = vector.broadcast %get3A_90 : vector<1x128xf32> to vector<128x128xf32>
    %add3A_129 = arith.addf %dot_general3A_127, %add3A_128 : vector<128x128xf32>
    %max3A_130 = arith.constant 0.000000e+00 : f32
    %max3A_131 = vector.broadcast %max3A_130 : f32 to vector<128x128xf32>
    %max3A_132 = arith.maximumf %add3A_129, %max3A_131 : vector<128x128xf32>
    %dot_general3A_133 = arith.constant dense<0.000000e+00> : vector<128x256xf32>
    %dot_general3A_134 = tpu.matmul %max3A_132, %get3A_93, %dot_general3A_133 {dimension_numbers = #tpu.dot_dimension_numbers<[1], [0], [0], [1], [0, 0, 1, 1], [], []>, transpose_lhs_hint = false} : vector<128x128xf32>, vector<128x256xf32>, vector<128x256xf32> -> vector<128x256xf32>
    %add3A_135 = vector.broadcast %get3A_96 : vector<1x256xf32> to vector<128x256xf32>
    %add3A_136 = arith.addf %dot_general3A_134, %add3A_135 : vector<128x256xf32>
    %max3A_137 = arith.constant 0.000000e+00 : f32
    %max3A_138 = vector.broadcast %max3A_137 : f32 to vector<128x256xf32>
    %max3A_139 = arith.maximumf %add3A_136, %max3A_138 : vector<128x256xf32>
    %scan3A = arith.constant 1 : i32
    %scan3A_140 = arith.constant 31 : i32
    %scan3A_141 = arith.addi %scan3A, %scan3A_140 : i32
    %scan3A_142 = arith.constant 1 : i32
    %scan3A_143 = scf.for %scan3A_150 = %scan3A to %scan3A_141 step %scan3A_142 iter_args(%scan3A_151 = %max3A_139) -> (vector<128x256xf32>)  : i32 {
      %add3A_152 = arith.constant 1 : i32
      %add3A_153 = arith.addi %scan3A_150, %add3A_152 : i32
      %eq3A_154 = vector.broadcast %add3A_153 : i32 to vector<128x256xi32>
      %eq3A_155 = arith.cmpi eq, %select_n3A, %eq3A_154 : vector<128x256xi32>
      %convert_element_type3A_156 = arith.extui %eq3A_155 : vector<128x256xi1> to vector<128x256xi32>
      %convert_element_type3A_157 = arith.sitofp %convert_element_type3A_156 : vector<128x256xi32> to vector<128x256xf32>
      %convert_element_type3A_158 = arith.truncf %convert_element_type3A_157 : vector<128x256xf32> to vector<128x256xbf16>
      %dot_general3A_159 = arith.constant dense<0.000000e+00> : vector<128x131xf32>
      %dot_general3A_160 = tpu.matmul %convert_element_type3A_158, %convert_element_type3A_97, %dot_general3A_159 {dimension_numbers = #tpu.dot_dimension_numbers<[1], [0], [0], [1], [0, 0, 1, 1], [], []>, transpose_lhs_hint = false} : vector<128x256xbf16>, vector<256x131xbf16>, vector<128x131xf32> -> vector<128x131xf32>
      %dot_general3A_161 = arith.constant dense<0.000000e+00> : vector<128x131xf32>
      %dot_general3A_162 = tpu.matmul %convert_element_type3A_158, %convert_element_type3A_100, %dot_general3A_161 {dimension_numbers = #tpu.dot_dimension_numbers<[1], [0], [0], [1], [0, 0, 1, 1], [], []>, transpose_lhs_hint = false} : vector<128x256xbf16>, vector<256x131xbf16>, vector<128x131xf32> -> vector<128x131xf32>
      %add3A_163 = arith.addf %dot_general3A_160, %dot_general3A_162 : vector<128x131xf32>
      %gt3A_164 = vector.broadcast %scan3A_150 : i32 to vector<128x1xi32>
      %gt3A_165 = arith.cmpi sgt, %slice3A_74, %gt3A_164 : vector<128x1xi32>
      %broadcast_in_dim3A_166 = vector.shape_cast %gt3A_165 : vector<128x1xi1> to vector<128x1xi1>
      %broadcast_in_dim3A_167 = vector.broadcast %broadcast_in_dim3A_166 : vector<128x1xi1> to vector<128x131xi1>
      %select_n3A_168 = arith.select %broadcast_in_dim3A_167, %add3A_163, %select_n3A_118 : vector<128x131xi1>, vector<128x131xf32>
      %sub3A_169 = arith.subf %select_n3A_168, %concatenate3A_78 : vector<128x131xf32>
      %dot_general3A_170 = arith.constant dense<0.000000e+00> : vector<128x128xf32>
      %dot_general3A_171 = tpu.matmul %sub3A_169, %get3A_81, %dot_general3A_170 {dimension_numbers = #tpu.dot_dimension_numbers<[1], [0], [0], [1], [0, 0, 1, 1], [], []>, transpose_lhs_hint = false} : vector<128x131xf32>, vector<131x128xf32>, vector<128x128xf32> -> vector<128x128xf32>
      %add3A_172 = vector.broadcast %get3A_84 : vector<1x128xf32> to vector<128x128xf32>
      %add3A_173 = arith.addf %dot_general3A_171, %add3A_172 : vector<128x128xf32>
      %max3A_174 = arith.constant 0.000000e+00 : f32
      %max3A_175 = vector.broadcast %max3A_174 : f32 to vector<128x128xf32>
      %max3A_176 = arith.maximumf %add3A_173, %max3A_175 : vector<128x128xf32>
      %dot_general3A_177 = arith.constant dense<0.000000e+00> : vector<128x128xf32>
      %dot_general3A_178 = tpu.matmul %max3A_176, %get3A_87, %dot_general3A_177 {dimension_numbers = #tpu.dot_dimension_numbers<[1], [0], [0], [1], [0, 0, 1, 1], [], []>, transpose_lhs_hint = false} : vector<128x128xf32>, vector<128x128xf32>, vector<128x128xf32> -> vector<128x128xf32>
      %add3A_179 = vector.broadcast %get3A_90 : vector<1x128xf32> to vector<128x128xf32>
      %add3A_180 = arith.addf %dot_general3A_178, %add3A_179 : vector<128x128xf32>
      %max3A_181 = arith.constant 0.000000e+00 : f32
      %max3A_182 = vector.broadcast %max3A_181 : f32 to vector<128x128xf32>
      %max3A_183 = arith.maximumf %add3A_180, %max3A_182 : vector<128x128xf32>
      %dot_general3A_184 = arith.constant dense<0.000000e+00> : vector<128x256xf32>
      %dot_general3A_185 = tpu.matmul %max3A_183, %get3A_93, %dot_general3A_184 {dimension_numbers = #tpu.dot_dimension_numbers<[1], [0], [0], [1], [0, 0, 1, 1], [], []>, transpose_lhs_hint = false} : vector<128x128xf32>, vector<128x256xf32>, vector<128x256xf32> -> vector<128x256xf32>
      %add3A_186 = vector.broadcast %get3A_96 : vector<1x256xf32> to vector<128x256xf32>
      %add3A_187 = arith.addf %dot_general3A_185, %add3A_186 : vector<128x256xf32>
      %max3A_188 = arith.constant 0.000000e+00 : f32
      %max3A_189 = vector.broadcast %max3A_188 : f32 to vector<128x256xf32>
      %max3A_190 = arith.maximumf %add3A_187, %max3A_189 : vector<128x256xf32>
      %max3A_191 = arith.maximumf %scan3A_151, %max3A_190 : vector<128x256xf32>
      scf.yield %max3A_191 : vector<128x256xf32>
    }
    %scan3A_144 = arith.constant 31 : i32
    %swap3A = arith.constant 0 : index
    %swap3A_145 = arith.constant 0 : index
    %swap3A_146 = arith.constant 0 : index
    %swap3A_147 = vector.load %arg10[%swap3A, %swap3A_145, %swap3A_146] : memref<1x128x256xf32, #tpu.memory_space<vmem>>, vector<1x128x256xf32>
    %swap3A_148 = vector.shape_cast %swap3A_147 : vector<1x128x256xf32> to vector<128x256xf32>
    %swap3A_149 = vector.shape_cast %scan3A_143 : vector<128x256xf32> to vector<1x128x256xf32>
    tpu.vector_store %arg10[%swap3A, %swap3A_145, %swap3A_146], %swap3A_149 {strides = array<i32>} : memref<1x128x256xf32, #tpu.memory_space<vmem>>, vector<1x128x256xf32>,
    return
  }
  func.func @transform_0(%arg0: i32) -> (i32, i32, i32) {
    %c0_i32 = arith.constant 0 : i32
    %c0_i32_0 = arith.constant 0 : i32
    %c0_i32_1 = arith.constant 0 : i32
    return %arg0, %c0_i32, %c0_i32_0 : i32, i32, i32
  }
  func.func @transform_1(%arg0: i32) -> (i32, i32, i32) {
    %c0_i32 = arith.constant 0 : i32
    %c0_i32_0 = arith.constant 0 : i32
    %c0_i32_1 = arith.constant 0 : i32
    return %arg0, %c0_i32, %c0_i32_0 : i32, i32, i32
  }
  func.func @transform_2(%arg0: i32) -> (i32, i32, i32) {
    %c0_i32 = arith.constant 0 : i32
    %c0_i32_0 = arith.constant 0 : i32
    %c0_i32_1 = arith.constant 0 : i32
    return %arg0, %c0_i32, %c0_i32_0 : i32, i32, i32
  }
  func.func @transform_3(%arg0: i32) -> (i32, i32) {
    %c0_i32 = arith.constant 0 : i32
    %c0_i32_0 = arith.constant 0 : i32
    %c0_i32_1 = arith.constant 0 : i32
    return %c0_i32, %c0_i32_0 : i32, i32
  }
  func.func @transform_4(%arg0: i32) -> (i32, i32) {
    %c0_i32 = arith.constant 0 : i32
    %c0_i32_0 = arith.constant 0 : i32
    %c0_i32_1 = arith.constant 0 : i32
    return %c0_i32, %c0_i32_0 : i32, i32
  }
  func.func @transform_5(%arg0: i32) -> (i32, i32) {
    %c0_i32 = arith.constant 0 : i32
    %c0_i32_0 = arith.constant 0 : i32
    %c0_i32_1 = arith.constant 0 : i32
    return %c0_i32, %c0_i32_0 : i32, i32
  }
  func.func @transform_6(%arg0: i32) -> (i32, i32) {
    %c0_i32 = arith.constant 0 : i32
    %c0_i32_0 = arith.constant 0 : i32
    %c0_i32_1 = arith.constant 0 : i32
    return %c0_i32, %c0_i32_0 : i32, i32
  }
  func.func @transform_7(%arg0: i32) -> (i32, i32) {
    %c0_i32 = arith.constant 0 : i32
    %c0_i32_0 = arith.constant 0 : i32
    %c0_i32_1 = arith.constant 0 : i32
    return %c0_i32, %c0_i32_0 : i32, i32
  }
  func.func @transform_8(%arg0: i32) -> (i32, i32) {
    %c0_i32 = arith.constant 0 : i32
    %c0_i32_0 = arith.constant 0 : i32
    %c0_i32_1 = arith.constant 0 : i32
    return %c0_i32, %c0_i32_0 : i32, i32
  }
  func.func @transform_9(%arg0: i32) -> (i32, i32, i32) {
    %c0_i32 = arith.constant 0 : i32
    %c0_i32_0 = arith.constant 0 : i32
    %c0_i32_1 = arith.constant 0 : i32
    return %arg0, %c0_i32, %c0_i32_0 : i32, i32, i32
  }
}

module attributes {stable_mosaic.version = 14 : i64} {
  func.func @_head_body(%arg0: i32, %arg1: memref<1x1024x3xf32, #tpu.memory_space<vmem>>, %arg2: memref<1x1024x32xf32, #tpu.memory_space<vmem>>, %arg3: memref<1x3x512xf32, #tpu.memory_space<vmem>>, %arg4: memref<1x512x64xf32, #tpu.memory_space<vmem>>, %arg5: memref<64x32xf32, #tpu.memory_space<vmem>>, %arg6: memref<1x32xf32, #tpu.memory_space<vmem>>, %arg7: memref<1x3x256xf32, #tpu.memory_space<vmem>>, %arg8: memref<1x256x128xf32, #tpu.memory_space<vmem>>, %arg9: memref<128x32xf32, #tpu.memory_space<vmem>>, %arg10: memref<1x32xf32, #tpu.memory_space<vmem>>, %arg11: memref<1x3x128xf32, #tpu.memory_space<vmem>>, %arg12: memref<1x128x256xf32, #tpu.memory_space<vmem>>, %arg13: memref<256x32xf32, #tpu.memory_space<vmem>>, %arg14: memref<1x32xf32, #tpu.memory_space<vmem>>, %arg15: memref<131x32xf32, #tpu.memory_space<vmem>>, %arg16: memref<1x32xf32, #tpu.memory_space<vmem>>, %arg17: memref<32x4xf32, #tpu.memory_space<vmem>>, %arg18: memref<1x4xf32, #tpu.memory_space<vmem>>, %arg19: memref<131x32xf32, #tpu.memory_space<vmem>>, %arg20: memref<1x32xf32, #tpu.memory_space<vmem>>, %arg21: memref<32x4xf32, #tpu.memory_space<vmem>>, %arg22: memref<1x4xf32, #tpu.memory_space<vmem>>, %arg23: memref<4x64xf32, #tpu.memory_space<vmem>>, %arg24: memref<1x64xf32, #tpu.memory_space<vmem>>, %arg25: memref<64x7xf32, #tpu.memory_space<vmem>>, %arg26: memref<1x7xf32, #tpu.memory_space<vmem>>, %arg27: memref<1x2048x7xf32, #tpu.memory_space<vmem>>, %arg28: memref<1x2048x4xf32, #tpu.memory_space<vmem>>) attributes {dimension_semantics = [#tpu.dimension_semantics<parallel>], iteration_bounds = array<i64: 16>, scalar_prefetch = 0 : i64, scratch_operands = 0 : i64, tpu.core_type = #tpu.core_type<tc>, window_params = [{transform_indices = @transform_0, window_bounds = array<i64: 1, 1024, 3>}, {transform_indices = @transform_1, window_bounds = array<i64: 1, 1024, 32>}, {transform_indices = @transform_2, window_bounds = array<i64: 1, 3, 512>}, {transform_indices = @transform_3, window_bounds = array<i64: 1, 512, 64>}, {pipeline_mode = #tpu.pipeline_mode<synchronous>, transform_indices = @transform_4, window_bounds = array<i64: 64, 32>}, {pipeline_mode = #tpu.pipeline_mode<synchronous>, transform_indices = @transform_5, window_bounds = array<i64: 1, 32>}, {transform_indices = @transform_6, window_bounds = array<i64: 1, 3, 256>}, {transform_indices = @transform_7, window_bounds = array<i64: 1, 256, 128>}, {pipeline_mode = #tpu.pipeline_mode<synchronous>, transform_indices = @transform_8, window_bounds = array<i64: 128, 32>}, {pipeline_mode = #tpu.pipeline_mode<synchronous>, transform_indices = @transform_9, window_bounds = array<i64: 1, 32>}, {transform_indices = @transform_10, window_bounds = array<i64: 1, 3, 128>}, {transform_indices = @transform_11, window_bounds = array<i64: 1, 128, 256>}, {pipeline_mode = #tpu.pipeline_mode<synchronous>, transform_indices = @transform_12, window_bounds = array<i64: 256, 32>}, {pipeline_mode = #tpu.pipeline_mode<synchronous>, transform_indices = @transform_13, window_bounds = array<i64: 1, 32>}, {pipeline_mode = #tpu.pipeline_mode<synchronous>, transform_indices = @transform_14, window_bounds = array<i64: 131, 32>}, {pipeline_mode = #tpu.pipeline_mode<synchronous>, transform_indices = @transform_15, window_bounds = array<i64: 1, 32>}, {pipeline_mode = #tpu.pipeline_mode<synchronous>, transform_indices = @transform_16, window_bounds = array<i64: 32, 4>}, {pipeline_mode = #tpu.pipeline_mode<synchronous>, transform_indices = @transform_17, window_bounds = array<i64: 1, 4>}, {pipeline_mode = #tpu.pipeline_mode<synchronous>, transform_indices = @transform_18, window_bounds = array<i64: 131, 32>}, {pipeline_mode = #tpu.pipeline_mode<synchronous>, transform_indices = @transform_19, window_bounds = array<i64: 1, 32>}, {pipeline_mode = #tpu.pipeline_mode<synchronous>, transform_indices = @transform_20, window_bounds = array<i64: 32, 4>}, {pipeline_mode = #tpu.pipeline_mode<synchronous>, transform_indices = @transform_21, window_bounds = array<i64: 1, 4>}, {pipeline_mode = #tpu.pipeline_mode<synchronous>, transform_indices = @transform_22, window_bounds = array<i64: 4, 64>}, {pipeline_mode = #tpu.pipeline_mode<synchronous>, transform_indices = @transform_23, window_bounds = array<i64: 1, 64>}, {pipeline_mode = #tpu.pipeline_mode<synchronous>, transform_indices = @transform_24, window_bounds = array<i64: 64, 7>}, {pipeline_mode = #tpu.pipeline_mode<synchronous>, transform_indices = @transform_25, window_bounds = array<i64: 1, 7>}, {transform_indices = @transform_26, window_bounds = array<i64: 1, 2048, 7>}, {transform_indices = @transform_27, window_bounds = array<i64: 1, 2048, 4>}]} {
    %get3A = arith.constant 0 : index
    %get3A_0 = arith.constant 0 : index
    %get3A_1 = arith.constant 0 : index
    %get3A_2 = vector.load %arg1[%get3A, %get3A_0, %get3A_1] : memref<1x1024x3xf32, #tpu.memory_space<vmem>>, vector<1x1024x3xf32>
    %get3A_3 = vector.shape_cast %get3A_2 : vector<1x1024x3xf32> to vector<1024x3xf32>
    %get3A_4 = arith.constant 0 : index
    %get3A_5 = arith.constant 0 : index
    %get3A_6 = arith.constant 0 : index
    %get3A_7 = vector.load %arg2[%get3A_4, %get3A_5, %get3A_6] : memref<1x1024x32xf32, #tpu.memory_space<vmem>>, vector<1x1024x32xf32>
    %get3A_8 = vector.shape_cast %get3A_7 : vector<1x1024x32xf32> to vector<1024x32xf32>
    %slice3A = vector.extract_strided_slice %get3A_3 {offsets = [0, 0], sizes = [1024, 1], strides = [1, 1]} : vector<1024x3xf32> to vector<1024x1xf32>
    %slice3A_9 = vector.extract_strided_slice %get3A_3 {offsets = [0, 1], sizes = [1024, 1], strides = [1, 1]} : vector<1024x3xf32> to vector<1024x1xf32>
    %slice3A_10 = vector.extract_strided_slice %get3A_3 {offsets = [0, 2], sizes = [1024, 1], strides = [1, 1]} : vector<1024x3xf32> to vector<1024x1xf32>
    %mul3A = arith.mulf %slice3A, %slice3A : vector<1024x1xf32>
    %mul3A_11 = arith.mulf %slice3A_9, %slice3A_9 : vector<1024x1xf32>
    %add3A = arith.addf %mul3A, %mul3A_11 : vector<1024x1xf32>
    %mul3A_12 = arith.mulf %slice3A_10, %slice3A_10 : vector<1024x1xf32>
    %add3A_13 = arith.addf %add3A, %mul3A_12 : vector<1024x1xf32>
    %get3A_14 = arith.constant 0 : index
    %get3A_15 = arith.constant 0 : index
    %get3A_16 = arith.constant 0 : index
    %get3A_17 = vector.load %arg3[%get3A_14, %get3A_15, %get3A_16] : memref<1x3x512xf32, #tpu.memory_space<vmem>>, vector<1x3x512xf32>
    %get3A_18 = vector.shape_cast %get3A_17 : vector<1x3x512xf32> to vector<3x512xf32>
    %get3A_19 = arith.constant 0 : index
    %get3A_20 = arith.constant 0 : index
    %get3A_21 = arith.constant 0 : index
    %get3A_22 = vector.load %arg4[%get3A_19, %get3A_20, %get3A_21] : memref<1x512x64xf32, #tpu.memory_space<vmem>>, vector<1x512x64xf32>
    %get3A_23 = vector.shape_cast %get3A_22 : vector<1x512x64xf32> to vector<512x64xf32>
    %iota3A = tpu.iota {dimensions = array<i32: 1>} : vector<1024x512xi32>
    %slice3A_24 = vector.extract_strided_slice %get3A_18 {offsets = [0, 0], sizes = [1, 512], strides = [1, 1]} : vector<3x512xf32> to vector<1x512xf32>
    %slice3A_25 = vector.extract_strided_slice %get3A_18 {offsets = [1, 0], sizes = [1, 512], strides = [1, 1]} : vector<3x512xf32> to vector<1x512xf32>
    %slice3A_26 = vector.extract_strided_slice %get3A_18 {offsets = [2, 0], sizes = [1, 512], strides = [1, 1]} : vector<3x512xf32> to vector<1x512xf32>
    %mul3A_27 = arith.mulf %slice3A_24, %slice3A_24 : vector<1x512xf32>
    %mul3A_28 = arith.mulf %slice3A_25, %slice3A_25 : vector<1x512xf32>
    %add3A_29 = arith.addf %mul3A_27, %mul3A_28 : vector<1x512xf32>
    %mul3A_30 = arith.mulf %slice3A_26, %slice3A_26 : vector<1x512xf32>
    %add3A_31 = arith.addf %add3A_29, %mul3A_30 : vector<1x512xf32>
    %dot_general3A = arith.constant dense<0.000000e+00> : vector<1024x512xf32>
    %dot_general3A_32 = tpu.matmul %get3A_3, %get3A_18, %dot_general3A {dimension_numbers = #tpu.dot_dimension_numbers<[1], [0], [0], [1], [0, 0, 1, 1], [], []>, transpose_lhs_hint = false} : vector<1024x3xf32>, vector<3x512xf32>, vector<1024x512xf32> -> vector<1024x512xf32>
    %add3A_33 = vector.broadcast %add3A_13 : vector<1024x1xf32> to vector<1024x512xf32>
    %add3A_34 = vector.broadcast %add3A_31 : vector<1x512xf32> to vector<1024x512xf32>
    %add3A_35 = arith.addf %add3A_33, %add3A_34 : vector<1024x512xf32>
    %mul3A_36 = arith.constant 2.000000e+00 : f32
    %mul3A_37 = vector.broadcast %mul3A_36 : f32 to vector<1024x512xf32>
    %mul3A_38 = arith.mulf %mul3A_37, %dot_general3A_32 : vector<1024x512xf32>
    %sub3A = arith.subf %add3A_35, %mul3A_38 : vector<1024x512xf32>
    %convert_element_type3A = arith.truncf %get3A_23 : vector<512x64xf32> to vector<512x64xbf16>
    %convert_element_type3A_39 = arith.extf %convert_element_type3A : vector<512x64xbf16> to vector<512x64xf32>
    %sub3A_40 = arith.subf %get3A_23, %convert_element_type3A_39 : vector<512x64xf32>
    %convert_element_type3A_41 = arith.truncf %sub3A_40 : vector<512x64xf32> to vector<512x64xbf16>
    %reduce_min3A = arith.constant dense<0x7F800000> : vector<1024xf32>
    %reduce_min3A_42 = vector.multi_reduction <minimumf>, %sub3A, %reduce_min3A [1] : vector<1024x512xf32> to vector<1024xf32>
    %broadcast_in_dim3A = vector.shape_cast %reduce_min3A_42 : vector<1024xf32> to vector<1024x1xf32>
    %eq3A = vector.broadcast %broadcast_in_dim3A : vector<1024x1xf32> to vector<1024x512xf32>
    %eq3A_43 = arith.cmpf oeq, %sub3A, %eq3A : vector<1024x512xf32>
    %jit3A = arith.constant 512 : i32
    %broadcast_in_dim3A_44 = vector.broadcast %jit3A : i32 to vector<1024x512xi32>
    %select_n3A = arith.select %eq3A_43, %iota3A, %broadcast_in_dim3A_44 : vector<1024x512xi1>, vector<1024x512xi32>
    %reduce_min3A_45 = arith.constant dense<2147483647> : vector<1024xi32>
    %reduce_min3A_46 = vector.multi_reduction <minsi>, %select_n3A, %reduce_min3A_45 [1] : vector<1024x512xi32> to vector<1024xi32>
    %broadcast_in_dim3A_47 = vector.shape_cast %reduce_min3A_46 : vector<1024xi32> to vector<1024x1xi32>
    %eq3A_48 = vector.broadcast %broadcast_in_dim3A_47 : vector<1024x1xi32> to vector<1024x512xi32>
    %eq3A_49 = arith.cmpi eq, %iota3A, %eq3A_48 : vector<1024x512xi32>
    %convert_element_type3A_50 = arith.extui %eq3A_49 : vector<1024x512xi1> to vector<1024x512xi32>
    %convert_element_type3A_51 = arith.sitofp %convert_element_type3A_50 : vector<1024x512xi32> to vector<1024x512xf32>
    %convert_element_type3A_52 = arith.truncf %convert_element_type3A_51 : vector<1024x512xf32> to vector<1024x512xbf16>
    %dot_general3A_53 = arith.constant dense<0.000000e+00> : vector<1024x64xf32>
    %dot_general3A_54 = tpu.matmul %convert_element_type3A_52, %convert_element_type3A, %dot_general3A_53 {dimension_numbers = #tpu.dot_dimension_numbers<[1], [0], [0], [1], [0, 0, 1, 1], [], []>, transpose_lhs_hint = false} : vector<1024x512xbf16>, vector<512x64xbf16>, vector<1024x64xf32> -> vector<1024x64xf32>
    %dot_general3A_55 = arith.constant dense<0.000000e+00> : vector<1024x64xf32>
    %dot_general3A_56 = tpu.matmul %convert_element_type3A_52, %convert_element_type3A_41, %dot_general3A_55 {dimension_numbers = #tpu.dot_dimension_numbers<[1], [0], [0], [1], [0, 0, 1, 1], [], []>, transpose_lhs_hint = false} : vector<1024x512xbf16>, vector<512x64xbf16>, vector<1024x64xf32> -> vector<1024x64xf32>
    %add3A_57 = arith.addf %dot_general3A_54, %dot_general3A_56 : vector<1024x64xf32>
    %max3A = arith.constant 9.99999996E-13 : f32
    %max3A_58 = vector.broadcast %max3A : f32 to vector<1024x1xf32>
    %max3A_59 = arith.maximumf %broadcast_in_dim3A, %max3A_58 : vector<1024x1xf32>
    %sqrt3A = math.sqrt %max3A_59 : vector<1024x1xf32>
    %add3A_60 = arith.constant 9.99999993E-9 : f32
    %add3A_61 = vector.broadcast %add3A_60 : f32 to vector<1024x1xf32>
    %add3A_62 = arith.addf %sqrt3A, %add3A_61 : vector<1024x1xf32>
    %div3A = arith.constant 1.000000e+00 : f32
    %div3A_63 = vector.broadcast %div3A : f32 to vector<1024x1xf32>
    %div3A_64 = arith.divf %div3A_63, %add3A_62 : vector<1024x1xf32>
    %eq3A_65 = vector.broadcast %broadcast_in_dim3A_47 : vector<1024x1xi32> to vector<1024x512xi32>
    %eq3A_66 = arith.cmpi eq, %iota3A, %eq3A_65 : vector<1024x512xi32>
    %jit3A_67 = arith.constant 1.000000e+30 : f32
    %broadcast_in_dim3A_68 = vector.broadcast %jit3A_67 : f32 to vector<1024x512xf32>
    %select_n3A_69 = arith.select %eq3A_66, %broadcast_in_dim3A_68, %sub3A : vector<1024x512xi1>, vector<1024x512xf32>
    %reduce_min3A_70 = arith.constant dense<0x7F800000> : vector<1024xf32>
    %reduce_min3A_71 = vector.multi_reduction <minimumf>, %select_n3A_69, %reduce_min3A_70 [1] : vector<1024x512xf32> to vector<1024xf32>
    %broadcast_in_dim3A_72 = vector.shape_cast %reduce_min3A_71 : vector<1024xf32> to vector<1024x1xf32>
    %eq3A_73 = vector.broadcast %broadcast_in_dim3A_72 : vector<1024x1xf32> to vector<1024x512xf32>
    %eq3A_74 = arith.cmpf oeq, %select_n3A_69, %eq3A_73 : vector<1024x512xf32>
    %jit3A_75 = arith.constant 512 : i32
    %broadcast_in_dim3A_76 = vector.broadcast %jit3A_75 : i32 to vector<1024x512xi32>
    %select_n3A_77 = arith.select %eq3A_74, %iota3A, %broadcast_in_dim3A_76 : vector<1024x512xi1>, vector<1024x512xi32>
    %reduce_min3A_78 = arith.constant dense<2147483647> : vector<1024xi32>
    %reduce_min3A_79 = vector.multi_reduction <minsi>, %select_n3A_77, %reduce_min3A_78 [1] : vector<1024x512xi32> to vector<1024xi32>
    %broadcast_in_dim3A_80 = vector.shape_cast %reduce_min3A_79 : vector<1024xi32> to vector<1024x1xi32>
    %eq3A_81 = vector.broadcast %broadcast_in_dim3A_80 : vector<1024x1xi32> to vector<1024x512xi32>
    %eq3A_82 = arith.cmpi eq, %iota3A, %eq3A_81 : vector<1024x512xi32>
    %convert_element_type3A_83 = arith.extui %eq3A_82 : vector<1024x512xi1> to vector<1024x512xi32>
    %convert_element_type3A_84 = arith.sitofp %convert_element_type3A_83 : vector<1024x512xi32> to vector<1024x512xf32>
    %convert_element_type3A_85 = arith.truncf %convert_element_type3A_84 : vector<1024x512xf32> to vector<1024x512xbf16>
    %dot_general3A_86 = arith.constant dense<0.000000e+00> : vector<1024x64xf32>
    %dot_general3A_87 = tpu.matmul %convert_element_type3A_85, %convert_element_type3A, %dot_general3A_86 {dimension_numbers = #tpu.dot_dimension_numbers<[1], [0], [0], [1], [0, 0, 1, 1], [], []>, transpose_lhs_hint = false} : vector<1024x512xbf16>, vector<512x64xbf16>, vector<1024x64xf32> -> vector<1024x64xf32>
    %dot_general3A_88 = arith.constant dense<0.000000e+00> : vector<1024x64xf32>
    %dot_general3A_89 = tpu.matmul %convert_element_type3A_85, %convert_element_type3A_41, %dot_general3A_88 {dimension_numbers = #tpu.dot_dimension_numbers<[1], [0], [0], [1], [0, 0, 1, 1], [], []>, transpose_lhs_hint = false} : vector<1024x512xbf16>, vector<512x64xbf16>, vector<1024x64xf32> -> vector<1024x64xf32>
    %add3A_90 = arith.addf %dot_general3A_87, %dot_general3A_89 : vector<1024x64xf32>
    %max3A_91 = arith.constant 9.99999996E-13 : f32
    %max3A_92 = vector.broadcast %max3A_91 : f32 to vector<1024x1xf32>
    %max3A_93 = arith.maximumf %broadcast_in_dim3A_72, %max3A_92 : vector<1024x1xf32>
    %sqrt3A_94 = math.sqrt %max3A_93 : vector<1024x1xf32>
    %add3A_95 = arith.constant 9.99999993E-9 : f32
    %add3A_96 = vector.broadcast %add3A_95 : f32 to vector<1024x1xf32>
    %add3A_97 = arith.addf %sqrt3A_94, %add3A_96 : vector<1024x1xf32>
    %div3A_98 = arith.constant 1.000000e+00 : f32
    %div3A_99 = vector.broadcast %div3A_98 : f32 to vector<1024x1xf32>
    %div3A_100 = arith.divf %div3A_99, %add3A_97 : vector<1024x1xf32>
    %eq3A_101 = vector.broadcast %broadcast_in_dim3A_80 : vector<1024x1xi32> to vector<1024x512xi32>
    %eq3A_102 = arith.cmpi eq, %iota3A, %eq3A_101 : vector<1024x512xi32>
    %jit3A_103 = arith.constant 1.000000e+30 : f32
    %broadcast_in_dim3A_104 = vector.broadcast %jit3A_103 : f32 to vector<1024x512xf32>
    %select_n3A_105 = arith.select %eq3A_102, %broadcast_in_dim3A_104, %select_n3A_69 : vector<1024x512xi1>, vector<1024x512xf32>
    %reduce_min3A_106 = arith.constant dense<0x7F800000> : vector<1024xf32>
    %reduce_min3A_107 = vector.multi_reduction <minimumf>, %select_n3A_105, %reduce_min3A_106 [1] : vector<1024x512xf32> to vector<1024xf32>
    %broadcast_in_dim3A_108 = vector.shape_cast %reduce_min3A_107 : vector<1024xf32> to vector<1024x1xf32>
    %eq3A_109 = vector.broadcast %broadcast_in_dim3A_108 : vector<1024x1xf32> to vector<1024x512xf32>
    %eq3A_110 = arith.cmpf oeq, %select_n3A_105, %eq3A_109 : vector<1024x512xf32>
    %jit3A_111 = arith.constant 512 : i32
    %broadcast_in_dim3A_112 = vector.broadcast %jit3A_111 : i32 to vector<1024x512xi32>
    %select_n3A_113 = arith.select %eq3A_110, %iota3A, %broadcast_in_dim3A_112 : vector<1024x512xi1>, vector<1024x512xi32>
    %reduce_min3A_114 = arith.constant dense<2147483647> : vector<1024xi32>
    %reduce_min3A_115 = vector.multi_reduction <minsi>, %select_n3A_113, %reduce_min3A_114 [1] : vector<1024x512xi32> to vector<1024xi32>
    %broadcast_in_dim3A_116 = vector.shape_cast %reduce_min3A_115 : vector<1024xi32> to vector<1024x1xi32>
    %eq3A_117 = vector.broadcast %broadcast_in_dim3A_116 : vector<1024x1xi32> to vector<1024x512xi32>
    %eq3A_118 = arith.cmpi eq, %iota3A, %eq3A_117 : vector<1024x512xi32>
    %convert_element_type3A_119 = arith.extui %eq3A_118 : vector<1024x512xi1> to vector<1024x512xi32>
    %convert_element_type3A_120 = arith.sitofp %convert_element_type3A_119 : vector<1024x512xi32> to vector<1024x512xf32>
    %convert_element_type3A_121 = arith.truncf %convert_element_type3A_120 : vector<1024x512xf32> to vector<1024x512xbf16>
    %dot_general3A_122 = arith.constant dense<0.000000e+00> : vector<1024x64xf32>
    %dot_general3A_123 = tpu.matmul %convert_element_type3A_121, %convert_element_type3A, %dot_general3A_122 {dimension_numbers = #tpu.dot_dimension_numbers<[1], [0], [0], [1], [0, 0, 1, 1], [], []>, transpose_lhs_hint = false} : vector<1024x512xbf16>, vector<512x64xbf16>, vector<1024x64xf32> -> vector<1024x64xf32>
    %dot_general3A_124 = arith.constant dense<0.000000e+00> : vector<1024x64xf32>
    %dot_general3A_125 = tpu.matmul %convert_element_type3A_121, %convert_element_type3A_41, %dot_general3A_124 {dimension_numbers = #tpu.dot_dimension_numbers<[1], [0], [0], [1], [0, 0, 1, 1], [], []>, transpose_lhs_hint = false} : vector<1024x512xbf16>, vector<512x64xbf16>, vector<1024x64xf32> -> vector<1024x64xf32>
    %add3A_126 = arith.addf %dot_general3A_123, %dot_general3A_125 : vector<1024x64xf32>
    %max3A_127 = arith.constant 9.99999996E-13 : f32
    %max3A_128 = vector.broadcast %max3A_127 : f32 to vector<1024x1xf32>
    %max3A_129 = arith.maximumf %broadcast_in_dim3A_108, %max3A_128 : vector<1024x1xf32>
    %sqrt3A_130 = math.sqrt %max3A_129 : vector<1024x1xf32>
    %add3A_131 = arith.constant 9.99999993E-9 : f32
    %add3A_132 = vector.broadcast %add3A_131 : f32 to vector<1024x1xf32>
    %add3A_133 = arith.addf %sqrt3A_130, %add3A_132 : vector<1024x1xf32>
    %div3A_134 = arith.constant 1.000000e+00 : f32
    %div3A_135 = vector.broadcast %div3A_134 : f32 to vector<1024x1xf32>
    %div3A_136 = arith.divf %div3A_135, %add3A_133 : vector<1024x1xf32>
    %add3A_137 = arith.addf %div3A_64, %div3A_100 : vector<1024x1xf32>
    %add3A_138 = arith.addf %add3A_137, %div3A_136 : vector<1024x1xf32>
    %div3A_139 = arith.divf %div3A_64, %add3A_138 : vector<1024x1xf32>
    %div3A_140 = arith.divf %div3A_100, %add3A_138 : vector<1024x1xf32>
    %div3A_141 = arith.divf %div3A_136, %add3A_138 : vector<1024x1xf32>
    %mul3A_142 = vector.broadcast %div3A_139 : vector<1024x1xf32> to vector<1024x64xf32>
    %mul3A_143 = arith.mulf %add3A_57, %mul3A_142 : vector<1024x64xf32>
    %mul3A_144 = vector.broadcast %div3A_140 : vector<1024x1xf32> to vector<1024x64xf32>
    %mul3A_145 = arith.mulf %add3A_90, %mul3A_144 : vector<1024x64xf32>
    %add3A_146 = arith.addf %mul3A_143, %mul3A_145 : vector<1024x64xf32>
    %mul3A_147 = vector.broadcast %div3A_141 : vector<1024x1xf32> to vector<1024x64xf32>
    %mul3A_148 = arith.mulf %add3A_126, %mul3A_147 : vector<1024x64xf32>
    %add3A_149 = arith.addf %add3A_146, %mul3A_148 : vector<1024x64xf32>
    %get3A_150 = arith.constant 0 : index
    %get3A_151 = arith.constant 0 : index
    %get3A_152 = vector.load %arg5[%get3A_150, %get3A_151] : memref<64x32xf32, #tpu.memory_space<vmem>>, vector<64x32xf32>
    %dot_general3A_153 = arith.constant dense<0.000000e+00> : vector<1024x32xf32>
    %dot_general3A_154 = tpu.matmul %add3A_149, %get3A_152, %dot_general3A_153 {dimension_numbers = #tpu.dot_dimension_numbers<[1], [0], [0], [1], [0, 0, 1, 1], [], []>, transpose_lhs_hint = false} : vector<1024x64xf32>, vector<64x32xf32>, vector<1024x32xf32> -> vector<1024x32xf32>
    %get3A_155 = arith.constant 0 : index
    %get3A_156 = arith.constant 0 : index
    %get3A_157 = vector.load %arg6[%get3A_155, %get3A_156] : memref<1x32xf32, #tpu.memory_space<vmem>>, vector<1x32xf32>
    %add3A_158 = vector.broadcast %get3A_157 : vector<1x32xf32> to vector<1024x32xf32>
    %add3A_159 = arith.addf %dot_general3A_154, %add3A_158 : vector<1024x32xf32>
    %max3A_160 = arith.constant 0.000000e+00 : f32
    %max3A_161 = vector.broadcast %max3A_160 : f32 to vector<1024x32xf32>
    %max3A_162 = arith.maximumf %add3A_159, %max3A_161 : vector<1024x32xf32>
    %get3A_163 = arith.constant 0 : index
    %get3A_164 = arith.constant 0 : index
    %get3A_165 = arith.constant 0 : index
    %get3A_166 = vector.load %arg7[%get3A_163, %get3A_164, %get3A_165] : memref<1x3x256xf32, #tpu.memory_space<vmem>>, vector<1x3x256xf32>
    %get3A_167 = vector.shape_cast %get3A_166 : vector<1x3x256xf32> to vector<3x256xf32>
    %get3A_168 = arith.constant 0 : index
    %get3A_169 = arith.constant 0 : index
    %get3A_170 = arith.constant 0 : index
    %get3A_171 = vector.load %arg8[%get3A_168, %get3A_169, %get3A_170] : memref<1x256x128xf32, #tpu.memory_space<vmem>>, vector<1x256x128xf32>
    %get3A_172 = vector.shape_cast %get3A_171 : vector<1x256x128xf32> to vector<256x128xf32>
    %iota3A_173 = tpu.iota {dimensions = array<i32: 1>} : vector<1024x256xi32>
    %slice3A_174 = vector.extract_strided_slice %get3A_167 {offsets = [0, 0], sizes = [1, 256], strides = [1, 1]} : vector<3x256xf32> to vector<1x256xf32>
    %slice3A_175 = vector.extract_strided_slice %get3A_167 {offsets = [1, 0], sizes = [1, 256], strides = [1, 1]} : vector<3x256xf32> to vector<1x256xf32>
    %slice3A_176 = vector.extract_strided_slice %get3A_167 {offsets = [2, 0], sizes = [1, 256], strides = [1, 1]} : vector<3x256xf32> to vector<1x256xf32>
    %mul3A_177 = arith.mulf %slice3A_174, %slice3A_174 : vector<1x256xf32>
    %mul3A_178 = arith.mulf %slice3A_175, %slice3A_175 : vector<1x256xf32>
    %add3A_179 = arith.addf %mul3A_177, %mul3A_178 : vector<1x256xf32>
    %mul3A_180 = arith.mulf %slice3A_176, %slice3A_176 : vector<1x256xf32>
    %add3A_181 = arith.addf %add3A_179, %mul3A_180 : vector<1x256xf32>
    %dot_general3A_182 = arith.constant dense<0.000000e+00> : vector<1024x256xf32>
    %dot_general3A_183 = tpu.matmul %get3A_3, %get3A_167, %dot_general3A_182 {dimension_numbers = #tpu.dot_dimension_numbers<[1], [0], [0], [1], [0, 0, 1, 1], [], []>, transpose_lhs_hint = false} : vector<1024x3xf32>, vector<3x256xf32>, vector<1024x256xf32> -> vector<1024x256xf32>
    %add3A_184 = vector.broadcast %add3A_13 : vector<1024x1xf32> to vector<1024x256xf32>
    %add3A_185 = vector.broadcast %add3A_181 : vector<1x256xf32> to vector<1024x256xf32>
    %add3A_186 = arith.addf %add3A_184, %add3A_185 : vector<1024x256xf32>
    %mul3A_187 = arith.constant 2.000000e+00 : f32
    %mul3A_188 = vector.broadcast %mul3A_187 : f32 to vector<1024x256xf32>
    %mul3A_189 = arith.mulf %mul3A_188, %dot_general3A_183 : vector<1024x256xf32>
    %sub3A_190 = arith.subf %add3A_186, %mul3A_189 : vector<1024x256xf32>
    %convert_element_type3A_191 = arith.truncf %get3A_172 : vector<256x128xf32> to vector<256x128xbf16>
    %convert_element_type3A_192 = arith.extf %convert_element_type3A_191 : vector<256x128xbf16> to vector<256x128xf32>
    %sub3A_193 = arith.subf %get3A_172, %convert_element_type3A_192 : vector<256x128xf32>
    %convert_element_type3A_194 = arith.truncf %sub3A_193 : vector<256x128xf32> to vector<256x128xbf16>
    %reduce_min3A_195 = arith.constant dense<0x7F800000> : vector<1024xf32>
    %reduce_min3A_196 = vector.multi_reduction <minimumf>, %sub3A_190, %reduce_min3A_195 [1] : vector<1024x256xf32> to vector<1024xf32>
    %broadcast_in_dim3A_197 = vector.shape_cast %reduce_min3A_196 : vector<1024xf32> to vector<1024x1xf32>
    %eq3A_198 = vector.broadcast %broadcast_in_dim3A_197 : vector<1024x1xf32> to vector<1024x256xf32>
    %eq3A_199 = arith.cmpf oeq, %sub3A_190, %eq3A_198 : vector<1024x256xf32>
    %jit3A_200 = arith.constant 256 : i32
    %broadcast_in_dim3A_201 = vector.broadcast %jit3A_200 : i32 to vector<1024x256xi32>
    %select_n3A_202 = arith.select %eq3A_199, %iota3A_173, %broadcast_in_dim3A_201 : vector<1024x256xi1>, vector<1024x256xi32>
    %reduce_min3A_203 = arith.constant dense<2147483647> : vector<1024xi32>
    %reduce_min3A_204 = vector.multi_reduction <minsi>, %select_n3A_202, %reduce_min3A_203 [1] : vector<1024x256xi32> to vector<1024xi32>
    %broadcast_in_dim3A_205 = vector.shape_cast %reduce_min3A_204 : vector<1024xi32> to vector<1024x1xi32>
    %eq3A_206 = vector.broadcast %broadcast_in_dim3A_205 : vector<1024x1xi32> to vector<1024x256xi32>
    %eq3A_207 = arith.cmpi eq, %iota3A_173, %eq3A_206 : vector<1024x256xi32>
    %convert_element_type3A_208 = arith.extui %eq3A_207 : vector<1024x256xi1> to vector<1024x256xi32>
    %convert_element_type3A_209 = arith.sitofp %convert_element_type3A_208 : vector<1024x256xi32> to vector<1024x256xf32>
    %convert_element_type3A_210 = arith.truncf %convert_element_type3A_209 : vector<1024x256xf32> to vector<1024x256xbf16>
    %dot_general3A_211 = arith.constant dense<0.000000e+00> : vector<1024x128xf32>
    %dot_general3A_212 = tpu.matmul %convert_element_type3A_210, %convert_element_type3A_191, %dot_general3A_211 {dimension_numbers = #tpu.dot_dimension_numbers<[1], [0], [0], [1], [0, 0, 1, 1], [], []>, transpose_lhs_hint = false} : vector<1024x256xbf16>, vector<256x128xbf16>, vector<1024x128xf32> -> vector<1024x128xf32>
    %dot_general3A_213 = arith.constant dense<0.000000e+00> : vector<1024x128xf32>
    %dot_general3A_214 = tpu.matmul %convert_element_type3A_210, %convert_element_type3A_194, %dot_general3A_213 {dimension_numbers = #tpu.dot_dimension_numbers<[1], [0], [0], [1], [0, 0, 1, 1], [], []>, transpose_lhs_hint = false} : vector<1024x256xbf16>, vector<256x128xbf16>, vector<1024x128xf32> -> vector<1024x128xf32>
    %add3A_215 = arith.addf %dot_general3A_212, %dot_general3A_214 : vector<1024x128xf32>
    %max3A_216 = arith.constant 9.99999996E-13 : f32
    %max3A_217 = vector.broadcast %max3A_216 : f32 to vector<1024x1xf32>
    %max3A_218 = arith.maximumf %broadcast_in_dim3A_197, %max3A_217 : vector<1024x1xf32>
    %sqrt3A_219 = math.sqrt %max3A_218 : vector<1024x1xf32>
    %add3A_220 = arith.constant 9.99999993E-9 : f32
    %add3A_221 = vector.broadcast %add3A_220 : f32 to vector<1024x1xf32>
    %add3A_222 = arith.addf %sqrt3A_219, %add3A_221 : vector<1024x1xf32>
    %div3A_223 = arith.constant 1.000000e+00 : f32
    %div3A_224 = vector.broadcast %div3A_223 : f32 to vector<1024x1xf32>
    %div3A_225 = arith.divf %div3A_224, %add3A_222 : vector<1024x1xf32>
    %eq3A_226 = vector.broadcast %broadcast_in_dim3A_205 : vector<1024x1xi32> to vector<1024x256xi32>
    %eq3A_227 = arith.cmpi eq, %iota3A_173, %eq3A_226 : vector<1024x256xi32>
    %jit3A_228 = arith.constant 1.000000e+30 : f32
    %broadcast_in_dim3A_229 = vector.broadcast %jit3A_228 : f32 to vector<1024x256xf32>
    %select_n3A_230 = arith.select %eq3A_227, %broadcast_in_dim3A_229, %sub3A_190 : vector<1024x256xi1>, vector<1024x256xf32>
    %reduce_min3A_231 = arith.constant dense<0x7F800000> : vector<1024xf32>
    %reduce_min3A_232 = vector.multi_reduction <minimumf>, %select_n3A_230, %reduce_min3A_231 [1] : vector<1024x256xf32> to vector<1024xf32>
    %broadcast_in_dim3A_233 = vector.shape_cast %reduce_min3A_232 : vector<1024xf32> to vector<1024x1xf32>
    %eq3A_234 = vector.broadcast %broadcast_in_dim3A_233 : vector<1024x1xf32> to vector<1024x256xf32>
    %eq3A_235 = arith.cmpf oeq, %select_n3A_230, %eq3A_234 : vector<1024x256xf32>
    %jit3A_236 = arith.constant 256 : i32
    %broadcast_in_dim3A_237 = vector.broadcast %jit3A_236 : i32 to vector<1024x256xi32>
    %select_n3A_238 = arith.select %eq3A_235, %iota3A_173, %broadcast_in_dim3A_237 : vector<1024x256xi1>, vector<1024x256xi32>
    %reduce_min3A_239 = arith.constant dense<2147483647> : vector<1024xi32>
    %reduce_min3A_240 = vector.multi_reduction <minsi>, %select_n3A_238, %reduce_min3A_239 [1] : vector<1024x256xi32> to vector<1024xi32>
    %broadcast_in_dim3A_241 = vector.shape_cast %reduce_min3A_240 : vector<1024xi32> to vector<1024x1xi32>
    %eq3A_242 = vector.broadcast %broadcast_in_dim3A_241 : vector<1024x1xi32> to vector<1024x256xi32>
    %eq3A_243 = arith.cmpi eq, %iota3A_173, %eq3A_242 : vector<1024x256xi32>
    %convert_element_type3A_244 = arith.extui %eq3A_243 : vector<1024x256xi1> to vector<1024x256xi32>
    %convert_element_type3A_245 = arith.sitofp %convert_element_type3A_244 : vector<1024x256xi32> to vector<1024x256xf32>
    %convert_element_type3A_246 = arith.truncf %convert_element_type3A_245 : vector<1024x256xf32> to vector<1024x256xbf16>
    %dot_general3A_247 = arith.constant dense<0.000000e+00> : vector<1024x128xf32>
    %dot_general3A_248 = tpu.matmul %convert_element_type3A_246, %convert_element_type3A_191, %dot_general3A_247 {dimension_numbers = #tpu.dot_dimension_numbers<[1], [0], [0], [1], [0, 0, 1, 1], [], []>, transpose_lhs_hint = false} : vector<1024x256xbf16>, vector<256x128xbf16>, vector<1024x128xf32> -> vector<1024x128xf32>
    %dot_general3A_249 = arith.constant dense<0.000000e+00> : vector<1024x128xf32>
    %dot_general3A_250 = tpu.matmul %convert_element_type3A_246, %convert_element_type3A_194, %dot_general3A_249 {dimension_numbers = #tpu.dot_dimension_numbers<[1], [0], [0], [1], [0, 0, 1, 1], [], []>, transpose_lhs_hint = false} : vector<1024x256xbf16>, vector<256x128xbf16>, vector<1024x128xf32> -> vector<1024x128xf32>
    %add3A_251 = arith.addf %dot_general3A_248, %dot_general3A_250 : vector<1024x128xf32>
    %max3A_252 = arith.constant 9.99999996E-13 : f32
    %max3A_253 = vector.broadcast %max3A_252 : f32 to vector<1024x1xf32>
    %max3A_254 = arith.maximumf %broadcast_in_dim3A_233, %max3A_253 : vector<1024x1xf32>
    %sqrt3A_255 = math.sqrt %max3A_254 : vector<1024x1xf32>
    %add3A_256 = arith.constant 9.99999993E-9 : f32
    %add3A_257 = vector.broadcast %add3A_256 : f32 to vector<1024x1xf32>
    %add3A_258 = arith.addf %sqrt3A_255, %add3A_257 : vector<1024x1xf32>
    %div3A_259 = arith.constant 1.000000e+00 : f32
    %div3A_260 = vector.broadcast %div3A_259 : f32 to vector<1024x1xf32>
    %div3A_261 = arith.divf %div3A_260, %add3A_258 : vector<1024x1xf32>
    %eq3A_262 = vector.broadcast %broadcast_in_dim3A_241 : vector<1024x1xi32> to vector<1024x256xi32>
    %eq3A_263 = arith.cmpi eq, %iota3A_173, %eq3A_262 : vector<1024x256xi32>
    %jit3A_264 = arith.constant 1.000000e+30 : f32
    %broadcast_in_dim3A_265 = vector.broadcast %jit3A_264 : f32 to vector<1024x256xf32>
    %select_n3A_266 = arith.select %eq3A_263, %broadcast_in_dim3A_265, %select_n3A_230 : vector<1024x256xi1>, vector<1024x256xf32>
    %reduce_min3A_267 = arith.constant dense<0x7F800000> : vector<1024xf32>
    %reduce_min3A_268 = vector.multi_reduction <minimumf>, %select_n3A_266, %reduce_min3A_267 [1] : vector<1024x256xf32> to vector<1024xf32>
    %broadcast_in_dim3A_269 = vector.shape_cast %reduce_min3A_268 : vector<1024xf32> to vector<1024x1xf32>
    %eq3A_270 = vector.broadcast %broadcast_in_dim3A_269 : vector<1024x1xf32> to vector<1024x256xf32>
    %eq3A_271 = arith.cmpf oeq, %select_n3A_266, %eq3A_270 : vector<1024x256xf32>
    %jit3A_272 = arith.constant 256 : i32
    %broadcast_in_dim3A_273 = vector.broadcast %jit3A_272 : i32 to vector<1024x256xi32>
    %select_n3A_274 = arith.select %eq3A_271, %iota3A_173, %broadcast_in_dim3A_273 : vector<1024x256xi1>, vector<1024x256xi32>
    %reduce_min3A_275 = arith.constant dense<2147483647> : vector<1024xi32>
    %reduce_min3A_276 = vector.multi_reduction <minsi>, %select_n3A_274, %reduce_min3A_275 [1] : vector<1024x256xi32> to vector<1024xi32>
    %broadcast_in_dim3A_277 = vector.shape_cast %reduce_min3A_276 : vector<1024xi32> to vector<1024x1xi32>
    %eq3A_278 = vector.broadcast %broadcast_in_dim3A_277 : vector<1024x1xi32> to vector<1024x256xi32>
    %eq3A_279 = arith.cmpi eq, %iota3A_173, %eq3A_278 : vector<1024x256xi32>
    %convert_element_type3A_280 = arith.extui %eq3A_279 : vector<1024x256xi1> to vector<1024x256xi32>
    %convert_element_type3A_281 = arith.sitofp %convert_element_type3A_280 : vector<1024x256xi32> to vector<1024x256xf32>
    %convert_element_type3A_282 = arith.truncf %convert_element_type3A_281 : vector<1024x256xf32> to vector<1024x256xbf16>
    %dot_general3A_283 = arith.constant dense<0.000000e+00> : vector<1024x128xf32>
    %dot_general3A_284 = tpu.matmul %convert_element_type3A_282, %convert_element_type3A_191, %dot_general3A_283 {dimension_numbers = #tpu.dot_dimension_numbers<[1], [0], [0], [1], [0, 0, 1, 1], [], []>, transpose_lhs_hint = false} : vector<1024x256xbf16>, vector<256x128xbf16>, vector<1024x128xf32> -> vector<1024x128xf32>
    %dot_general3A_285 = arith.constant dense<0.000000e+00> : vector<1024x128xf32>
    %dot_general3A_286 = tpu.matmul %convert_element_type3A_282, %convert_element_type3A_194, %dot_general3A_285 {dimension_numbers = #tpu.dot_dimension_numbers<[1], [0], [0], [1], [0, 0, 1, 1], [], []>, transpose_lhs_hint = false} : vector<1024x256xbf16>, vector<256x128xbf16>, vector<1024x128xf32> -> vector<1024x128xf32>
    %add3A_287 = arith.addf %dot_general3A_284, %dot_general3A_286 : vector<1024x128xf32>
    %max3A_288 = arith.constant 9.99999996E-13 : f32
    %max3A_289 = vector.broadcast %max3A_288 : f32 to vector<1024x1xf32>
    %max3A_290 = arith.maximumf %broadcast_in_dim3A_269, %max3A_289 : vector<1024x1xf32>
    %sqrt3A_291 = math.sqrt %max3A_290 : vector<1024x1xf32>
    %add3A_292 = arith.constant 9.99999993E-9 : f32
    %add3A_293 = vector.broadcast %add3A_292 : f32 to vector<1024x1xf32>
    %add3A_294 = arith.addf %sqrt3A_291, %add3A_293 : vector<1024x1xf32>
    %div3A_295 = arith.constant 1.000000e+00 : f32
    %div3A_296 = vector.broadcast %div3A_295 : f32 to vector<1024x1xf32>
    %div3A_297 = arith.divf %div3A_296, %add3A_294 : vector<1024x1xf32>
    %add3A_298 = arith.addf %div3A_225, %div3A_261 : vector<1024x1xf32>
    %add3A_299 = arith.addf %add3A_298, %div3A_297 : vector<1024x1xf32>
    %div3A_300 = arith.divf %div3A_225, %add3A_299 : vector<1024x1xf32>
    %div3A_301 = arith.divf %div3A_261, %add3A_299 : vector<1024x1xf32>
    %div3A_302 = arith.divf %div3A_297, %add3A_299 : vector<1024x1xf32>
    %mul3A_303 = vector.broadcast %div3A_300 : vector<1024x1xf32> to vector<1024x128xf32>
    %mul3A_304 = arith.mulf %add3A_215, %mul3A_303 : vector<1024x128xf32>
    %mul3A_305 = vector.broadcast %div3A_301 : vector<1024x1xf32> to vector<1024x128xf32>
    %mul3A_306 = arith.mulf %add3A_251, %mul3A_305 : vector<1024x128xf32>
    %add3A_307 = arith.addf %mul3A_304, %mul3A_306 : vector<1024x128xf32>
    %mul3A_308 = vector.broadcast %div3A_302 : vector<1024x1xf32> to vector<1024x128xf32>
    %mul3A_309 = arith.mulf %add3A_287, %mul3A_308 : vector<1024x128xf32>
    %add3A_310 = arith.addf %add3A_307, %mul3A_309 : vector<1024x128xf32>
    %get3A_311 = arith.constant 0 : index
    %get3A_312 = arith.constant 0 : index
    %get3A_313 = vector.load %arg9[%get3A_311, %get3A_312] : memref<128x32xf32, #tpu.memory_space<vmem>>, vector<128x32xf32>
    %dot_general3A_314 = arith.constant dense<0.000000e+00> : vector<1024x32xf32>
    %dot_general3A_315 = tpu.matmul %add3A_310, %get3A_313, %dot_general3A_314 {dimension_numbers = #tpu.dot_dimension_numbers<[1], [0], [0], [1], [0, 0, 1, 1], [], []>, transpose_lhs_hint = false} : vector<1024x128xf32>, vector<128x32xf32>, vector<1024x32xf32> -> vector<1024x32xf32>
    %get3A_316 = arith.constant 0 : index
    %get3A_317 = arith.constant 0 : index
    %get3A_318 = vector.load %arg10[%get3A_316, %get3A_317] : memref<1x32xf32, #tpu.memory_space<vmem>>, vector<1x32xf32>
    %add3A_319 = vector.broadcast %get3A_318 : vector<1x32xf32> to vector<1024x32xf32>
    %add3A_320 = arith.addf %dot_general3A_315, %add3A_319 : vector<1024x32xf32>
    %max3A_321 = arith.constant 0.000000e+00 : f32
    %max3A_322 = vector.broadcast %max3A_321 : f32 to vector<1024x32xf32>
    %max3A_323 = arith.maximumf %add3A_320, %max3A_322 : vector<1024x32xf32>
    %get3A_324 = arith.constant 0 : index
    %get3A_325 = arith.constant 0 : index
    %get3A_326 = arith.constant 0 : index
    %get3A_327 = vector.load %arg11[%get3A_324, %get3A_325, %get3A_326] : memref<1x3x128xf32, #tpu.memory_space<vmem>>, vector<1x3x128xf32>
    %get3A_328 = vector.shape_cast %get3A_327 : vector<1x3x128xf32> to vector<3x128xf32>
    %get3A_329 = arith.constant 0 : index
    %get3A_330 = arith.constant 0 : index
    %get3A_331 = arith.constant 0 : index
    %get3A_332 = vector.load %arg12[%get3A_329, %get3A_330, %get3A_331] : memref<1x128x256xf32, #tpu.memory_space<vmem>>, vector<1x128x256xf32>
    %get3A_333 = vector.shape_cast %get3A_332 : vector<1x128x256xf32> to vector<128x256xf32>
    %iota3A_334 = tpu.iota {dimensions = array<i32: 1>} : vector<1024x128xi32>
    %slice3A_335 = vector.extract_strided_slice %get3A_328 {offsets = [0, 0], sizes = [1, 128], strides = [1, 1]} : vector<3x128xf32> to vector<1x128xf32>
    %slice3A_336 = vector.extract_strided_slice %get3A_328 {offsets = [1, 0], sizes = [1, 128], strides = [1, 1]} : vector<3x128xf32> to vector<1x128xf32>
    %slice3A_337 = vector.extract_strided_slice %get3A_328 {offsets = [2, 0], sizes = [1, 128], strides = [1, 1]} : vector<3x128xf32> to vector<1x128xf32>
    %mul3A_338 = arith.mulf %slice3A_335, %slice3A_335 : vector<1x128xf32>
    %mul3A_339 = arith.mulf %slice3A_336, %slice3A_336 : vector<1x128xf32>
    %add3A_340 = arith.addf %mul3A_338, %mul3A_339 : vector<1x128xf32>
    %mul3A_341 = arith.mulf %slice3A_337, %slice3A_337 : vector<1x128xf32>
    %add3A_342 = arith.addf %add3A_340, %mul3A_341 : vector<1x128xf32>
    %dot_general3A_343 = arith.constant dense<0.000000e+00> : vector<1024x128xf32>
    %dot_general3A_344 = tpu.matmul %get3A_3, %get3A_328, %dot_general3A_343 {dimension_numbers = #tpu.dot_dimension_numbers<[1], [0], [0], [1], [0, 0, 1, 1], [], []>, transpose_lhs_hint = false} : vector<1024x3xf32>, vector<3x128xf32>, vector<1024x128xf32> -> vector<1024x128xf32>
    %add3A_345 = vector.broadcast %add3A_13 : vector<1024x1xf32> to vector<1024x128xf32>
    %add3A_346 = vector.broadcast %add3A_342 : vector<1x128xf32> to vector<1024x128xf32>
    %add3A_347 = arith.addf %add3A_345, %add3A_346 : vector<1024x128xf32>
    %mul3A_348 = arith.constant 2.000000e+00 : f32
    %mul3A_349 = vector.broadcast %mul3A_348 : f32 to vector<1024x128xf32>
    %mul3A_350 = arith.mulf %mul3A_349, %dot_general3A_344 : vector<1024x128xf32>
    %sub3A_351 = arith.subf %add3A_347, %mul3A_350 : vector<1024x128xf32>
    %convert_element_type3A_352 = arith.truncf %get3A_333 : vector<128x256xf32> to vector<128x256xbf16>
    %convert_element_type3A_353 = arith.extf %convert_element_type3A_352 : vector<128x256xbf16> to vector<128x256xf32>
    %sub3A_354 = arith.subf %get3A_333, %convert_element_type3A_353 : vector<128x256xf32>
    %convert_element_type3A_355 = arith.truncf %sub3A_354 : vector<128x256xf32> to vector<128x256xbf16>
    %reduce_min3A_356 = arith.constant dense<0x7F800000> : vector<1024xf32>
    %reduce_min3A_357 = vector.multi_reduction <minimumf>, %sub3A_351, %reduce_min3A_356 [1] : vector<1024x128xf32> to vector<1024xf32>
    %broadcast_in_dim3A_358 = vector.shape_cast %reduce_min3A_357 : vector<1024xf32> to vector<1024x1xf32>
    %eq3A_359 = vector.broadcast %broadcast_in_dim3A_358 : vector<1024x1xf32> to vector<1024x128xf32>
    %eq3A_360 = arith.cmpf oeq, %sub3A_351, %eq3A_359 : vector<1024x128xf32>
    %jit3A_361 = arith.constant 128 : i32
    %broadcast_in_dim3A_362 = vector.broadcast %jit3A_361 : i32 to vector<1024x128xi32>
    %select_n3A_363 = arith.select %eq3A_360, %iota3A_334, %broadcast_in_dim3A_362 : vector<1024x128xi1>, vector<1024x128xi32>
    %reduce_min3A_364 = arith.constant dense<2147483647> : vector<1024xi32>
    %reduce_min3A_365 = vector.multi_reduction <minsi>, %select_n3A_363, %reduce_min3A_364 [1] : vector<1024x128xi32> to vector<1024xi32>
    %broadcast_in_dim3A_366 = vector.shape_cast %reduce_min3A_365 : vector<1024xi32> to vector<1024x1xi32>
    %eq3A_367 = vector.broadcast %broadcast_in_dim3A_366 : vector<1024x1xi32> to vector<1024x128xi32>
    %eq3A_368 = arith.cmpi eq, %iota3A_334, %eq3A_367 : vector<1024x128xi32>
    %convert_element_type3A_369 = arith.extui %eq3A_368 : vector<1024x128xi1> to vector<1024x128xi32>
    %convert_element_type3A_370 = arith.sitofp %convert_element_type3A_369 : vector<1024x128xi32> to vector<1024x128xf32>
    %convert_element_type3A_371 = arith.truncf %convert_element_type3A_370 : vector<1024x128xf32> to vector<1024x128xbf16>
    %dot_general3A_372 = arith.constant dense<0.000000e+00> : vector<1024x256xf32>
    %dot_general3A_373 = tpu.matmul %convert_element_type3A_371, %convert_element_type3A_352, %dot_general3A_372 {dimension_numbers = #tpu.dot_dimension_numbers<[1], [0], [0], [1], [0, 0, 1, 1], [], []>, transpose_lhs_hint = false} : vector<1024x128xbf16>, vector<128x256xbf16>, vector<1024x256xf32> -> vector<1024x256xf32>
    %dot_general3A_374 = arith.constant dense<0.000000e+00> : vector<1024x256xf32>
    %dot_general3A_375 = tpu.matmul %convert_element_type3A_371, %convert_element_type3A_355, %dot_general3A_374 {dimension_numbers = #tpu.dot_dimension_numbers<[1], [0], [0], [1], [0, 0, 1, 1], [], []>, transpose_lhs_hint = false} : vector<1024x128xbf16>, vector<128x256xbf16>, vector<1024x256xf32> -> vector<1024x256xf32>
    %add3A_376 = arith.addf %dot_general3A_373, %dot_general3A_375 : vector<1024x256xf32>
    %max3A_377 = arith.constant 9.99999996E-13 : f32
    %max3A_378 = vector.broadcast %max3A_377 : f32 to vector<1024x1xf32>
    %max3A_379 = arith.maximumf %broadcast_in_dim3A_358, %max3A_378 : vector<1024x1xf32>
    %sqrt3A_380 = math.sqrt %max3A_379 : vector<1024x1xf32>
    %add3A_381 = arith.constant 9.99999993E-9 : f32
    %add3A_382 = vector.broadcast %add3A_381 : f32 to vector<1024x1xf32>
    %add3A_383 = arith.addf %sqrt3A_380, %add3A_382 : vector<1024x1xf32>
    %div3A_384 = arith.constant 1.000000e+00 : f32
    %div3A_385 = vector.broadcast %div3A_384 : f32 to vector<1024x1xf32>
    %div3A_386 = arith.divf %div3A_385, %add3A_383 : vector<1024x1xf32>
    %eq3A_387 = vector.broadcast %broadcast_in_dim3A_366 : vector<1024x1xi32> to vector<1024x128xi32>
    %eq3A_388 = arith.cmpi eq, %iota3A_334, %eq3A_387 : vector<1024x128xi32>
    %jit3A_389 = arith.constant 1.000000e+30 : f32
    %broadcast_in_dim3A_390 = vector.broadcast %jit3A_389 : f32 to vector<1024x128xf32>
    %select_n3A_391 = arith.select %eq3A_388, %broadcast_in_dim3A_390, %sub3A_351 : vector<1024x128xi1>, vector<1024x128xf32>
    %reduce_min3A_392 = arith.constant dense<0x7F800000> : vector<1024xf32>
    %reduce_min3A_393 = vector.multi_reduction <minimumf>, %select_n3A_391, %reduce_min3A_392 [1] : vector<1024x128xf32> to vector<1024xf32>
    %broadcast_in_dim3A_394 = vector.shape_cast %reduce_min3A_393 : vector<1024xf32> to vector<1024x1xf32>
    %eq3A_395 = vector.broadcast %broadcast_in_dim3A_394 : vector<1024x1xf32> to vector<1024x128xf32>
    %eq3A_396 = arith.cmpf oeq, %select_n3A_391, %eq3A_395 : vector<1024x128xf32>
    %jit3A_397 = arith.constant 128 : i32
    %broadcast_in_dim3A_398 = vector.broadcast %jit3A_397 : i32 to vector<1024x128xi32>
    %select_n3A_399 = arith.select %eq3A_396, %iota3A_334, %broadcast_in_dim3A_398 : vector<1024x128xi1>, vector<1024x128xi32>
    %reduce_min3A_400 = arith.constant dense<2147483647> : vector<1024xi32>
    %reduce_min3A_401 = vector.multi_reduction <minsi>, %select_n3A_399, %reduce_min3A_400 [1] : vector<1024x128xi32> to vector<1024xi32>
    %broadcast_in_dim3A_402 = vector.shape_cast %reduce_min3A_401 : vector<1024xi32> to vector<1024x1xi32>
    %eq3A_403 = vector.broadcast %broadcast_in_dim3A_402 : vector<1024x1xi32> to vector<1024x128xi32>
    %eq3A_404 = arith.cmpi eq, %iota3A_334, %eq3A_403 : vector<1024x128xi32>
    %convert_element_type3A_405 = arith.extui %eq3A_404 : vector<1024x128xi1> to vector<1024x128xi32>
    %convert_element_type3A_406 = arith.sitofp %convert_element_type3A_405 : vector<1024x128xi32> to vector<1024x128xf32>
    %convert_element_type3A_407 = arith.truncf %convert_element_type3A_406 : vector<1024x128xf32> to vector<1024x128xbf16>
    %dot_general3A_408 = arith.constant dense<0.000000e+00> : vector<1024x256xf32>
    %dot_general3A_409 = tpu.matmul %convert_element_type3A_407, %convert_element_type3A_352, %dot_general3A_408 {dimension_numbers = #tpu.dot_dimension_numbers<[1], [0], [0], [1], [0, 0, 1, 1], [], []>, transpose_lhs_hint = false} : vector<1024x128xbf16>, vector<128x256xbf16>, vector<1024x256xf32> -> vector<1024x256xf32>
    %dot_general3A_410 = arith.constant dense<0.000000e+00> : vector<1024x256xf32>
    %dot_general3A_411 = tpu.matmul %convert_element_type3A_407, %convert_element_type3A_355, %dot_general3A_410 {dimension_numbers = #tpu.dot_dimension_numbers<[1], [0], [0], [1], [0, 0, 1, 1], [], []>, transpose_lhs_hint = false} : vector<1024x128xbf16>, vector<128x256xbf16>, vector<1024x256xf32> -> vector<1024x256xf32>
    %add3A_412 = arith.addf %dot_general3A_409, %dot_general3A_411 : vector<1024x256xf32>
    %max3A_413 = arith.constant 9.99999996E-13 : f32
    %max3A_414 = vector.broadcast %max3A_413 : f32 to vector<1024x1xf32>
    %max3A_415 = arith.maximumf %broadcast_in_dim3A_394, %max3A_414 : vector<1024x1xf32>
    %sqrt3A_416 = math.sqrt %max3A_415 : vector<1024x1xf32>
    %add3A_417 = arith.constant 9.99999993E-9 : f32
    %add3A_418 = vector.broadcast %add3A_417 : f32 to vector<1024x1xf32>
    %add3A_419 = arith.addf %sqrt3A_416, %add3A_418 : vector<1024x1xf32>
    %div3A_420 = arith.constant 1.000000e+00 : f32
    %div3A_421 = vector.broadcast %div3A_420 : f32 to vector<1024x1xf32>
    %div3A_422 = arith.divf %div3A_421, %add3A_419 : vector<1024x1xf32>
    %eq3A_423 = vector.broadcast %broadcast_in_dim3A_402 : vector<1024x1xi32> to vector<1024x128xi32>
    %eq3A_424 = arith.cmpi eq, %iota3A_334, %eq3A_423 : vector<1024x128xi32>
    %jit3A_425 = arith.constant 1.000000e+30 : f32
    %broadcast_in_dim3A_426 = vector.broadcast %jit3A_425 : f32 to vector<1024x128xf32>
    %select_n3A_427 = arith.select %eq3A_424, %broadcast_in_dim3A_426, %select_n3A_391 : vector<1024x128xi1>, vector<1024x128xf32>
    %reduce_min3A_428 = arith.constant dense<0x7F800000> : vector<1024xf32>
    %reduce_min3A_429 = vector.multi_reduction <minimumf>, %select_n3A_427, %reduce_min3A_428 [1] : vector<1024x128xf32> to vector<1024xf32>
    %broadcast_in_dim3A_430 = vector.shape_cast %reduce_min3A_429 : vector<1024xf32> to vector<1024x1xf32>
    %eq3A_431 = vector.broadcast %broadcast_in_dim3A_430 : vector<1024x1xf32> to vector<1024x128xf32>
    %eq3A_432 = arith.cmpf oeq, %select_n3A_427, %eq3A_431 : vector<1024x128xf32>
    %jit3A_433 = arith.constant 128 : i32
    %broadcast_in_dim3A_434 = vector.broadcast %jit3A_433 : i32 to vector<1024x128xi32>
    %select_n3A_435 = arith.select %eq3A_432, %iota3A_334, %broadcast_in_dim3A_434 : vector<1024x128xi1>, vector<1024x128xi32>
    %reduce_min3A_436 = arith.constant dense<2147483647> : vector<1024xi32>
    %reduce_min3A_437 = vector.multi_reduction <minsi>, %select_n3A_435, %reduce_min3A_436 [1] : vector<1024x128xi32> to vector<1024xi32>
    %broadcast_in_dim3A_438 = vector.shape_cast %reduce_min3A_437 : vector<1024xi32> to vector<1024x1xi32>
    %eq3A_439 = vector.broadcast %broadcast_in_dim3A_438 : vector<1024x1xi32> to vector<1024x128xi32>
    %eq3A_440 = arith.cmpi eq, %iota3A_334, %eq3A_439 : vector<1024x128xi32>
    %convert_element_type3A_441 = arith.extui %eq3A_440 : vector<1024x128xi1> to vector<1024x128xi32>
    %convert_element_type3A_442 = arith.sitofp %convert_element_type3A_441 : vector<1024x128xi32> to vector<1024x128xf32>
    %convert_element_type3A_443 = arith.truncf %convert_element_type3A_442 : vector<1024x128xf32> to vector<1024x128xbf16>
    %dot_general3A_444 = arith.constant dense<0.000000e+00> : vector<1024x256xf32>
    %dot_general3A_445 = tpu.matmul %convert_element_type3A_443, %convert_element_type3A_352, %dot_general3A_444 {dimension_numbers = #tpu.dot_dimension_numbers<[1], [0], [0], [1], [0, 0, 1, 1], [], []>, transpose_lhs_hint = false} : vector<1024x128xbf16>, vector<128x256xbf16>, vector<1024x256xf32> -> vector<1024x256xf32>
    %dot_general3A_446 = arith.constant dense<0.000000e+00> : vector<1024x256xf32>
    %dot_general3A_447 = tpu.matmul %convert_element_type3A_443, %convert_element_type3A_355, %dot_general3A_446 {dimension_numbers = #tpu.dot_dimension_numbers<[1], [0], [0], [1], [0, 0, 1, 1], [], []>, transpose_lhs_hint = false} : vector<1024x128xbf16>, vector<128x256xbf16>, vector<1024x256xf32> -> vector<1024x256xf32>
    %add3A_448 = arith.addf %dot_general3A_445, %dot_general3A_447 : vector<1024x256xf32>
    %max3A_449 = arith.constant 9.99999996E-13 : f32
    %max3A_450 = vector.broadcast %max3A_449 : f32 to vector<1024x1xf32>
    %max3A_451 = arith.maximumf %broadcast_in_dim3A_430, %max3A_450 : vector<1024x1xf32>
    %sqrt3A_452 = math.sqrt %max3A_451 : vector<1024x1xf32>
    %add3A_453 = arith.constant 9.99999993E-9 : f32
    %add3A_454 = vector.broadcast %add3A_453 : f32 to vector<1024x1xf32>
    %add3A_455 = arith.addf %sqrt3A_452, %add3A_454 : vector<1024x1xf32>
    %div3A_456 = arith.constant 1.000000e+00 : f32
    %div3A_457 = vector.broadcast %div3A_456 : f32 to vector<1024x1xf32>
    %div3A_458 = arith.divf %div3A_457, %add3A_455 : vector<1024x1xf32>
    %add3A_459 = arith.addf %div3A_386, %div3A_422 : vector<1024x1xf32>
    %add3A_460 = arith.addf %add3A_459, %div3A_458 : vector<1024x1xf32>
    %div3A_461 = arith.divf %div3A_386, %add3A_460 : vector<1024x1xf32>
    %div3A_462 = arith.divf %div3A_422, %add3A_460 : vector<1024x1xf32>
    %div3A_463 = arith.divf %div3A_458, %add3A_460 : vector<1024x1xf32>
    %mul3A_464 = vector.broadcast %div3A_461 : vector<1024x1xf32> to vector<1024x256xf32>
    %mul3A_465 = arith.mulf %add3A_376, %mul3A_464 : vector<1024x256xf32>
    %mul3A_466 = vector.broadcast %div3A_462 : vector<1024x1xf32> to vector<1024x256xf32>
    %mul3A_467 = arith.mulf %add3A_412, %mul3A_466 : vector<1024x256xf32>
    %add3A_468 = arith.addf %mul3A_465, %mul3A_467 : vector<1024x256xf32>
    %mul3A_469 = vector.broadcast %div3A_463 : vector<1024x1xf32> to vector<1024x256xf32>
    %mul3A_470 = arith.mulf %add3A_448, %mul3A_469 : vector<1024x256xf32>
    %add3A_471 = arith.addf %add3A_468, %mul3A_470 : vector<1024x256xf32>
    %get3A_472 = arith.constant 0 : index
    %get3A_473 = arith.constant 0 : index
    %get3A_474 = vector.load %arg13[%get3A_472, %get3A_473] : memref<256x32xf32, #tpu.memory_space<vmem>>, vector<256x32xf32>
    %dot_general3A_475 = arith.constant dense<0.000000e+00> : vector<1024x32xf32>
    %dot_general3A_476 = tpu.matmul %add3A_471, %get3A_474, %dot_general3A_475 {dimension_numbers = #tpu.dot_dimension_numbers<[1], [0], [0], [1], [0, 0, 1, 1], [], []>, transpose_lhs_hint = false} : vector<1024x256xf32>, vector<256x32xf32>, vector<1024x32xf32> -> vector<1024x32xf32>
    %get3A_477 = arith.constant 0 : index
    %get3A_478 = arith.constant 0 : index
    %get3A_479 = vector.load %arg14[%get3A_477, %get3A_478] : memref<1x32xf32, #tpu.memory_space<vmem>>, vector<1x32xf32>
    %add3A_480 = vector.broadcast %get3A_479 : vector<1x32xf32> to vector<1024x32xf32>
    %add3A_481 = arith.addf %dot_general3A_476, %add3A_480 : vector<1024x32xf32>
    %max3A_482 = arith.constant 0.000000e+00 : f32
    %max3A_483 = vector.broadcast %max3A_482 : f32 to vector<1024x32xf32>
    %max3A_484 = arith.maximumf %add3A_481, %max3A_483 : vector<1024x32xf32>
    %concatenate3A = tpu.concatenate %get3A_3, %get3A_8, %max3A_162, %max3A_323, %max3A_484 in 1 : vector<1024x3xf32>, vector<1024x32xf32>, vector<1024x32xf32>, vector<1024x32xf32>, vector<1024x32xf32> -> vector<1024x131xf32>
    %get3A_485 = arith.constant 0 : index
    %get3A_486 = arith.constant 0 : index
    %get3A_487 = vector.load %arg15[%get3A_485, %get3A_486] : memref<131x32xf32, #tpu.memory_space<vmem>>, vector<131x32xf32>
    %dot_general3A_488 = arith.constant dense<0.000000e+00> : vector<1024x32xf32>
    %dot_general3A_489 = tpu.matmul %concatenate3A, %get3A_487, %dot_general3A_488 {dimension_numbers = #tpu.dot_dimension_numbers<[1], [0], [0], [1], [0, 0, 1, 1], [], []>, transpose_lhs_hint = false} : vector<1024x131xf32>, vector<131x32xf32>, vector<1024x32xf32> -> vector<1024x32xf32>
    %get3A_490 = arith.constant 0 : index
    %get3A_491 = arith.constant 0 : index
    %get3A_492 = vector.load %arg16[%get3A_490, %get3A_491] : memref<1x32xf32, #tpu.memory_space<vmem>>, vector<1x32xf32>
    %add3A_493 = vector.broadcast %get3A_492 : vector<1x32xf32> to vector<1024x32xf32>
    %add3A_494 = arith.addf %dot_general3A_489, %add3A_493 : vector<1024x32xf32>
    %max3A_495 = arith.constant 0.000000e+00 : f32
    %max3A_496 = vector.broadcast %max3A_495 : f32 to vector<1024x32xf32>
    %max3A_497 = arith.maximumf %add3A_494, %max3A_496 : vector<1024x32xf32>
    %get3A_498 = arith.constant 0 : index
    %get3A_499 = arith.constant 0 : index
    %get3A_500 = vector.load %arg17[%get3A_498, %get3A_499] : memref<32x4xf32, #tpu.memory_space<vmem>>, vector<32x4xf32>
    %dot_general3A_501 = arith.constant dense<0.000000e+00> : vector<1024x4xf32>
    %dot_general3A_502 = tpu.matmul %max3A_497, %get3A_500, %dot_general3A_501 {dimension_numbers = #tpu.dot_dimension_numbers<[1], [0], [0], [1], [0, 0, 1, 1], [], []>, transpose_lhs_hint = false} : vector<1024x32xf32>, vector<32x4xf32>, vector<1024x4xf32> -> vector<1024x4xf32>
    %get3A_503 = arith.constant 0 : index
    %get3A_504 = arith.constant 0 : index
    %get3A_505 = vector.load %arg18[%get3A_503, %get3A_504] : memref<1x4xf32, #tpu.memory_space<vmem>>, vector<1x4xf32>
    %add3A_506 = vector.broadcast %get3A_505 : vector<1x4xf32> to vector<1024x4xf32>
    %add3A_507 = arith.addf %dot_general3A_502, %add3A_506 : vector<1024x4xf32>
    %max3A_508 = arith.constant 0.000000e+00 : f32
    %max3A_509 = vector.broadcast %max3A_508 : f32 to vector<1024x4xf32>
    %max3A_510 = arith.maximumf %add3A_507, %max3A_509 : vector<1024x4xf32>
    %get3A_511 = arith.constant 0 : index
    %get3A_512 = arith.constant 0 : index
    %get3A_513 = vector.load %arg19[%get3A_511, %get3A_512] : memref<131x32xf32, #tpu.memory_space<vmem>>, vector<131x32xf32>
    %dot_general3A_514 = arith.constant dense<0.000000e+00> : vector<1024x32xf32>
    %dot_general3A_515 = tpu.matmul %concatenate3A, %get3A_513, %dot_general3A_514 {dimension_numbers = #tpu.dot_dimension_numbers<[1], [0], [0], [1], [0, 0, 1, 1], [], []>, transpose_lhs_hint = false} : vector<1024x131xf32>, vector<131x32xf32>, vector<1024x32xf32> -> vector<1024x32xf32>
    %get3A_516 = arith.constant 0 : index
    %get3A_517 = arith.constant 0 : index
    %get3A_518 = vector.load %arg20[%get3A_516, %get3A_517] : memref<1x32xf32, #tpu.memory_space<vmem>>, vector<1x32xf32>
    %add3A_519 = vector.broadcast %get3A_518 : vector<1x32xf32> to vector<1024x32xf32>
    %add3A_520 = arith.addf %dot_general3A_515, %add3A_519 : vector<1024x32xf32>
    %max3A_521 = arith.constant 0.000000e+00 : f32
    %max3A_522 = vector.broadcast %max3A_521 : f32 to vector<1024x32xf32>
    %max3A_523 = arith.maximumf %add3A_520, %max3A_522 : vector<1024x32xf32>
    %get3A_524 = arith.constant 0 : index
    %get3A_525 = arith.constant 0 : index
    %get3A_526 = vector.load %arg21[%get3A_524, %get3A_525] : memref<32x4xf32, #tpu.memory_space<vmem>>, vector<32x4xf32>
    %dot_general3A_527 = arith.constant dense<0.000000e+00> : vector<1024x4xf32>
    %dot_general3A_528 = tpu.matmul %max3A_523, %get3A_526, %dot_general3A_527 {dimension_numbers = #tpu.dot_dimension_numbers<[1], [0], [0], [1], [0, 0, 1, 1], [], []>, transpose_lhs_hint = false} : vector<1024x32xf32>, vector<32x4xf32>, vector<1024x4xf32> -> vector<1024x4xf32>
    %get3A_529 = arith.constant 0 : index
    %get3A_530 = arith.constant 0 : index
    %get3A_531 = vector.load %arg22[%get3A_529, %get3A_530] : memref<1x4xf32, #tpu.memory_space<vmem>>, vector<1x4xf32>
    %add3A_532 = vector.broadcast %get3A_531 : vector<1x4xf32> to vector<1024x4xf32>
    %add3A_533 = arith.addf %dot_general3A_528, %add3A_532 : vector<1024x4xf32>
    %max3A_534 = arith.constant 0.000000e+00 : f32
    %max3A_535 = vector.broadcast %max3A_534 : f32 to vector<1024x4xf32>
    %max3A_536 = arith.maximumf %add3A_533, %max3A_535 : vector<1024x4xf32>
    %concatenate3A_537 = tpu.concatenate %max3A_510, %max3A_536 in 0 : vector<1024x4xf32>, vector<1024x4xf32> -> vector<2048x4xf32>
    %get3A_538 = arith.constant 0 : index
    %get3A_539 = arith.constant 0 : index
    %get3A_540 = vector.load %arg23[%get3A_538, %get3A_539] : memref<4x64xf32, #tpu.memory_space<vmem>>, vector<4x64xf32>
    %dot_general3A_541 = arith.constant dense<0.000000e+00> : vector<2048x64xf32>
    %dot_general3A_542 = tpu.matmul %concatenate3A_537, %get3A_540, %dot_general3A_541 {dimension_numbers = #tpu.dot_dimension_numbers<[1], [0], [0], [1], [0, 0, 1, 1], [], []>, transpose_lhs_hint = false} : vector<2048x4xf32>, vector<4x64xf32>, vector<2048x64xf32> -> vector<2048x64xf32>
    %get3A_543 = arith.constant 0 : index
    %get3A_544 = arith.constant 0 : index
    %get3A_545 = vector.load %arg24[%get3A_543, %get3A_544] : memref<1x64xf32, #tpu.memory_space<vmem>>, vector<1x64xf32>
    %add3A_546 = vector.broadcast %get3A_545 : vector<1x64xf32> to vector<2048x64xf32>
    %add3A_547 = arith.addf %dot_general3A_542, %add3A_546 : vector<2048x64xf32>
    %max3A_548 = arith.constant 0.000000e+00 : f32
    %max3A_549 = vector.broadcast %max3A_548 : f32 to vector<2048x64xf32>
    %max3A_550 = arith.maximumf %add3A_547, %max3A_549 : vector<2048x64xf32>
    %get3A_551 = arith.constant 0 : index
    %get3A_552 = arith.constant 0 : index
    %get3A_553 = vector.load %arg25[%get3A_551, %get3A_552] : memref<64x7xf32, #tpu.memory_space<vmem>>, vector<64x7xf32>
    %dot_general3A_554 = arith.constant dense<0.000000e+00> : vector<2048x7xf32>
    %dot_general3A_555 = tpu.matmul %max3A_550, %get3A_553, %dot_general3A_554 {dimension_numbers = #tpu.dot_dimension_numbers<[1], [0], [0], [1], [0, 0, 1, 1], [], []>, transpose_lhs_hint = false} : vector<2048x64xf32>, vector<64x7xf32>, vector<2048x7xf32> -> vector<2048x7xf32>
    %get3A_556 = arith.constant 0 : index
    %get3A_557 = arith.constant 0 : index
    %get3A_558 = vector.load %arg26[%get3A_556, %get3A_557] : memref<1x7xf32, #tpu.memory_space<vmem>>, vector<1x7xf32>
    %add3A_559 = vector.broadcast %get3A_558 : vector<1x7xf32> to vector<2048x7xf32>
    %add3A_560 = arith.addf %dot_general3A_555, %add3A_559 : vector<2048x7xf32>
    %swap3A = arith.constant 0 : index
    %swap3A_561 = arith.constant 0 : index
    %swap3A_562 = arith.constant 0 : index
    %swap3A_563 = vector.load %arg27[%swap3A, %swap3A_561, %swap3A_562] : memref<1x2048x7xf32, #tpu.memory_space<vmem>>, vector<1x2048x7xf32>
    %swap3A_564 = vector.shape_cast %swap3A_563 : vector<1x2048x7xf32> to vector<2048x7xf32>
    %swap3A_565 = vector.shape_cast %add3A_560 : vector<2048x7xf32> to vector<1x2048x7xf32>
    tpu.vector_store %arg27[%swap3A, %swap3A_561, %swap3A_562], %swap3A_565 {strides = array<i32>} : memref<1x2048x7xf32, #tpu.memory_space<vmem>>, vector<1x2048x7xf32>,
    %swap3A_566 = arith.constant 0 : index
    %swap3A_567 = arith.constant 0 : index
    %swap3A_568 = arith.constant 0 : index
    %swap3A_569 = vector.load %arg28[%swap3A_566, %swap3A_567, %swap3A_568] : memref<1x2048x4xf32, #tpu.memory_space<vmem>>, vector<1x2048x4xf32>
    %swap3A_570 = vector.shape_cast %swap3A_569 : vector<1x2048x4xf32> to vector<2048x4xf32>
    %swap3A_571 = vector.shape_cast %concatenate3A_537 : vector<2048x4xf32> to vector<1x2048x4xf32>
    tpu.vector_store %arg28[%swap3A_566, %swap3A_567, %swap3A_568], %swap3A_571 {strides = array<i32>} : memref<1x2048x4xf32, #tpu.memory_space<vmem>>, vector<1x2048x4xf32>,
    return
  }
  func.func @transform_0(%arg0: i32) -> (i32, i32, i32) {
    %c0_i32 = arith.constant 0 : i32
    %c0_i32_0 = arith.constant 0 : i32
    %c0_i32_1 = arith.constant 0 : i32
    return %arg0, %c0_i32, %c0_i32_0 : i32, i32, i32
  }
  func.func @transform_1(%arg0: i32) -> (i32, i32, i32) {
    %c0_i32 = arith.constant 0 : i32
    %c0_i32_0 = arith.constant 0 : i32
    %c0_i32_1 = arith.constant 0 : i32
    return %arg0, %c0_i32, %c0_i32_0 : i32, i32, i32
  }
  func.func @transform_2(%arg0: i32) -> (i32, i32, i32) {
    %c0_i32 = arith.constant 0 : i32
    %c0_i32_0 = arith.constant 0 : i32
    %c0_i32_1 = arith.constant 0 : i32
    return %arg0, %c0_i32, %c0_i32_0 : i32, i32, i32
  }
  func.func @transform_3(%arg0: i32) -> (i32, i32, i32) {
    %c0_i32 = arith.constant 0 : i32
    %c0_i32_0 = arith.constant 0 : i32
    %c0_i32_1 = arith.constant 0 : i32
    return %arg0, %c0_i32, %c0_i32_0 : i32, i32, i32
  }
  func.func @transform_4(%arg0: i32) -> (i32, i32) {
    %c0_i32 = arith.constant 0 : i32
    %c0_i32_0 = arith.constant 0 : i32
    %c0_i32_1 = arith.constant 0 : i32
    return %c0_i32, %c0_i32_0 : i32, i32
  }
  func.func @transform_5(%arg0: i32) -> (i32, i32) {
    %c0_i32 = arith.constant 0 : i32
    %c0_i32_0 = arith.constant 0 : i32
    %c0_i32_1 = arith.constant 0 : i32
    return %c0_i32, %c0_i32_0 : i32, i32
  }
  func.func @transform_6(%arg0: i32) -> (i32, i32, i32) {
    %c0_i32 = arith.constant 0 : i32
    %c0_i32_0 = arith.constant 0 : i32
    %c0_i32_1 = arith.constant 0 : i32
    return %arg0, %c0_i32, %c0_i32_0 : i32, i32, i32
  }
  func.func @transform_7(%arg0: i32) -> (i32, i32, i32) {
    %c0_i32 = arith.constant 0 : i32
    %c0_i32_0 = arith.constant 0 : i32
    %c0_i32_1 = arith.constant 0 : i32
    return %arg0, %c0_i32, %c0_i32_0 : i32, i32, i32
  }
  func.func @transform_8(%arg0: i32) -> (i32, i32) {
    %c0_i32 = arith.constant 0 : i32
    %c0_i32_0 = arith.constant 0 : i32
    %c0_i32_1 = arith.constant 0 : i32
    return %c0_i32, %c0_i32_0 : i32, i32
  }
  func.func @transform_9(%arg0: i32) -> (i32, i32) {
    %c0_i32 = arith.constant 0 : i32
    %c0_i32_0 = arith.constant 0 : i32
    %c0_i32_1 = arith.constant 0 : i32
    return %c0_i32, %c0_i32_0 : i32, i32
  }
  func.func @transform_10(%arg0: i32) -> (i32, i32, i32) {
    %c0_i32 = arith.constant 0 : i32
    %c0_i32_0 = arith.constant 0 : i32
    %c0_i32_1 = arith.constant 0 : i32
    return %arg0, %c0_i32, %c0_i32_0 : i32, i32, i32
  }
  func.func @transform_11(%arg0: i32) -> (i32, i32, i32) {
    %c0_i32 = arith.constant 0 : i32
    %c0_i32_0 = arith.constant 0 : i32
    %c0_i32_1 = arith.constant 0 : i32
    return %arg0, %c0_i32, %c0_i32_0 : i32, i32, i32
  }
  func.func @transform_12(%arg0: i32) -> (i32, i32) {
    %c0_i32 = arith.constant 0 : i32
    %c0_i32_0 = arith.constant 0 : i32
    %c0_i32_1 = arith.constant 0 : i32
    return %c0_i32, %c0_i32_0 : i32, i32
  }
  func.func @transform_13(%arg0: i32) -> (i32, i32) {
    %c0_i32 = arith.constant 0 : i32
    %c0_i32_0 = arith.constant 0 : i32
    %c0_i32_1 = arith.constant 0 : i32
    return %c0_i32, %c0_i32_0 : i32, i32
  }
  func.func @transform_14(%arg0: i32) -> (i32, i32) {
    %c0_i32 = arith.constant 0 : i32
    %c0_i32_0 = arith.constant 0 : i32
    %c0_i32_1 = arith.constant 0 : i32
    return %c0_i32, %c0_i32_0 : i32, i32
  }
  func.func @transform_15(%arg0: i32) -> (i32, i32) {
    %c0_i32 = arith.constant 0 : i32
    %c0_i32_0 = arith.constant 0 : i32
    %c0_i32_1 = arith.constant 0 : i32
    return %c0_i32, %c0_i32_0 : i32, i32
  }
  func.func @transform_16(%arg0: i32) -> (i32, i32) {
    %c0_i32 = arith.constant 0 : i32
    %c0_i32_0 = arith.constant 0 : i32
    %c0_i32_1 = arith.constant 0 : i32
    return %c0_i32, %c0_i32_0 : i32, i32
  }
  func.func @transform_17(%arg0: i32) -> (i32, i32) {
    %c0_i32 = arith.constant 0 : i32
    %c0_i32_0 = arith.constant 0 : i32
    %c0_i32_1 = arith.constant 0 : i32
    return %c0_i32, %c0_i32_0 : i32, i32
  }
  func.func @transform_18(%arg0: i32) -> (i32, i32) {
    %c0_i32 = arith.constant 0 : i32
    %c0_i32_0 = arith.constant 0 : i32
    %c0_i32_1 = arith.constant 0 : i32
    return %c0_i32, %c0_i32_0 : i32, i32
  }
  func.func @transform_19(%arg0: i32) -> (i32, i32) {
    %c0_i32 = arith.constant 0 : i32
    %c0_i32_0 = arith.constant 0 : i32
    %c0_i32_1 = arith.constant 0 : i32
    return %c0_i32, %c0_i32_0 : i32, i32
  }
  func.func @transform_20(%arg0: i32) -> (i32, i32) {
    %c0_i32 = arith.constant 0 : i32
    %c0_i32_0 = arith.constant 0 : i32
    %c0_i32_1 = arith.constant 0 : i32
    return %c0_i32, %c0_i32_0 : i32, i32
  }
  func.func @transform_21(%arg0: i32) -> (i32, i32) {
    %c0_i32 = arith.constant 0 : i32
    %c0_i32_0 = arith.constant 0 : i32
    %c0_i32_1 = arith.constant 0 : i32
    return %c0_i32, %c0_i32_0 : i32, i32
  }
  func.func @transform_22(%arg0: i32) -> (i32, i32) {
    %c0_i32 = arith.constant 0 : i32
    %c0_i32_0 = arith.constant 0 : i32
    %c0_i32_1 = arith.constant 0 : i32
    return %c0_i32, %c0_i32_0 : i32, i32
  }
  func.func @transform_23(%arg0: i32) -> (i32, i32) {
    %c0_i32 = arith.constant 0 : i32
    %c0_i32_0 = arith.constant 0 : i32
    %c0_i32_1 = arith.constant 0 : i32
    return %c0_i32, %c0_i32_0 : i32, i32
  }
  func.func @transform_24(%arg0: i32) -> (i32, i32) {
    %c0_i32 = arith.constant 0 : i32
    %c0_i32_0 = arith.constant 0 : i32
    %c0_i32_1 = arith.constant 0 : i32
    return %c0_i32, %c0_i32_0 : i32, i32
  }
  func.func @transform_25(%arg0: i32) -> (i32, i32) {
    %c0_i32 = arith.constant 0 : i32
    %c0_i32_0 = arith.constant 0 : i32
    %c0_i32_1 = arith.constant 0 : i32
    return %c0_i32, %c0_i32_0 : i32, i32
  }
  func.func @transform_26(%arg0: i32) -> (i32, i32, i32) {
    %c0_i32 = arith.constant 0 : i32
    %c0_i32_0 = arith.constant 0 : i32
    %c0_i32_1 = arith.constant 0 : i32
    return %arg0, %c0_i32, %c0_i32_0 : i32, i32, i32
  }
  func.func @transform_27(%arg0: i32) -> (i32, i32, i32) {
    %c0_i32 = arith.constant 0 : i32
    %c0_i32_0 = arith.constant 0 : i32
    %c0_i32_1 = arith.constant 0 : i32
    return %arg0, %c0_i32, %c0_i32_0 : i32, i32, i32
  }
}

</mosaic_0001>

<sc_bundles>
// kernel: kernel.10.cloned.1.call-start
scs
__scs_entry_jumppad:
0x0: {  	(pc) =	sbr.rel $0x88, $3  }
0x1: {  	(tag) =	ssettag $0x0;
	lr =	simm.s32 $0x1  }
0x2: {  	[smem:$0x3F76] =	sst lr;
	_ =	strace $0xD0000000  }
0x3: {  	_ = 	snop  }
0x4: {  	_ = 	snop  }
0x5: {  	_ = 	snop  }
0x6: {  	_ = 	snop  }
0x7: {  	_ = 	snop  }
__scs_overlays_trampoline_lowered:
0x8: {  	[smem:$0x3F85] =	sst s0  }
0x9: {  	[smem:$0x3F86] =	sst s1  }
0xa: {  	[smem:$0x3F87] =	sst s2  }
0xb: {  	[smem:$0x3F88] =	sst s3  }
0xc: {  	[smem:$0x3F89] =	sst s4  }
0xd: {  	[smem:$0x3F8A] =	sst s5  }
0xe: {  	[smem:$0x3F8B] =	sst s6  }
0xf: {  	[smem:$0x3F8C] =	sst s7  }
0x10: {  	[smem:$0x3F8D] =	sst s8  }
0x11: {  	[smem:$0x3F8E] =	sst s9;
	s0 =	simm.s32 @!p0 $0x0  }
0x12: {  	s1 =	sld [smem:$0x3F74];
	s0 =	simm.s32 @p0 $0x1  }
0x13: {  	[smem:$0x3F8F] =	sst s0;
	s0 =	simm.s32 @!p1 $0x0  }
0x14: {  	s2 =	sld [smem:$0x3F73];
	s0 =	simm.s32 @p1 $0x1  }
0x15: {  	[smem:$0x3F90] =	sst s0;
	s0 =	simm.s32 @!p2 $0x0  }
0x16: {  	s3 =	sld [smem:$0x3FDB];
	s0 =	simm.s32 @p2 $0x1  }
0x17: {  	s4 =	simm.s32 $0x1BF5;
	[smem:$0x3F92] =	sst s0  }
0x18: {  	s0 =	sld [smem:$0x3F75];
	_ =	swait.ge [sflag:s4], $0x0  }
0x19: {  	s7 =	sld [smem:$0x3F76]  }
0x1a: {  	s8 =	sadd.s32 $0xFFFFE003, lr  }
0x1b: {  	s9 =	sadd.s32 $0xFFFFFEF7, lr;
	s5 =	simm.s32 $0xFFFFFFFF;
	p2 =	slt.u32 s8, $0xFFFFF086  }
0x1c: {  	p1 =	slt.u32 s9, $0xF7A;
	s5 =	simm.s32 @!p2 $0x0  }
0x1d: {  	s5 =	simm.s32 @p1 $0x1;
	p0 =	seq.s32 s7, s2  }
0x1e: {  	s7 =	smul.u32 @!p0 $0xF7A, s2;
	p2 =	seq.s32 @!p0 s5, $0x0  }
0x1f: {  	s9 =	smul.u32 $0xF7A, s1;
	s8 =	simm.s32 @!p0 $0x1BF5;
	p2 =	por !p2, p0  }
0x20: {  	[sflag:s8] =	ssyncset.s32 @!p0 $0xFFFFF086;
	s6 =	sadd.s32 @!p0 s3, s7;
	s7 =	simm.s32 @!p0 $0x108  }
0x21: {  	s3 =	sadd.s32 s3, s9;
	s6 =	sadd.s32 @!p0 $0x88, s6;
	s7 =	simm.s32 @p2 $0x1082  }
0x22: {  	[simem:s7], [sflag:s8] =	dma.local @!p0 [hbm:s6], $0xF7A  }
0x23: {  	s9 =	sor.u32 $0xD0000000, s2;
	s6 =	simm.s32 $0x108;
	_ =	swait.ge @!p0 [sflag:s8], $0x0  }
0x24: {  	s3 =	sadd.s32 $0x88, s3;
	s6 =	simm.s32 @!p1 $0x1082;
	[sflag:s4] =	ssyncset.s32 $0xFFFFF086  }
0x25: {  	[simem:s6], [sflag:s4] =	dma.local [hbm:s3], $0xF7A  }
0x26: {  	[smem:$0x3F76] =	sst s1;
	(tag) =	ssettag s2;
	_ =	strace s9  }
0x27: {  	s1 =	sld [smem:$0x3F86]  }
0x28: {  	s2 =	sld [smem:$0x3F87]  }
0x29: {  	s4 =	sld [smem:$0x3F89]  }
0x2a: {  	p0 =	seq.s32 s5, $0x0;
	s5 =	sld [smem:$0x3F8A]  }
0x2b: {  	s6 =	sld [smem:$0x3F8B]  }
0x2c: {  	s7 =	sld [smem:$0x3F8C]  }
0x2d: {  	s3 =	simm.s32 $0x108;
	s8 =	sld [smem:$0x3F8D]  }
0x2e: {  	s3 =	simm.s32 @!p0 $0x1082;
	s9 =	sld [smem:$0x3F8E]  }
0x2f: {  	lr =	sadd.s32 s0, s3;
	s0 =	sld [smem:$0x3F85]  }
0x30: {  	s3 =	sld [smem:$0x3F88]  }
0x31: {  	[smem:$0x3F91] =	sst s10  }
0x32: {  	s10 =	sld [smem:$0x3F8F];
	_ =	sdelay $0x3  }
0x33: {  	p0 =	seq.s32 s10, $0x1;
	s10 =	sld [smem:$0x3F91];
	_ =	sdelay $0x3  }
0x34: {  	[smem:$0x3F91] =	sst s10  }
0x35: {  	s10 =	sld [smem:$0x3F90];
	_ =	sdelay $0x3  }
0x36: {  	p1 =	seq.s32 s10, $0x1;
	s10 =	sld [smem:$0x3F91];
	_ =	sdelay $0x3  }
0x37: {  	[smem:$0x3F91] =	sst s10  }
0x38: {  	s10 =	sld [smem:$0x3F92]  }
0x39: {  	_ = 	snop;
	(pc) =	sbr.ind lr, $3  }
0x3a: {  	_ = 	snop  }
0x3b: {  	_ = 	snop  }
0x3c: {  	p2 =	seq.s32 s10, $0x1;
	s10 =	sld [smem:$0x3F91]  }
0x3d: {  	_ =	shalt  }
0x3e: {  	_ =	shalt  }
0x3f: {  	_ =	shalt  }
0x40: {  	_ =	shalt  }
0x41: {  	_ =	shalt  }
0x42: {  	_ =	shalt  }
0x43: {  	_ =	shalt  }
0x44: {  	_ =	shalt  }
0x45: {  	_ =	shalt  }
0x46: {  	_ =	shalt  }
0x47: {  	_ =	shalt  }
0x48: {  	_ =	shalt  }
0x49: {  	_ =	shalt  }
0x4a: {  	_ =	shalt  }
0x4b: {  	_ =	shalt  }
0x4c: {  	_ =	shalt  }
0x4d: {  	_ =	shalt  }
0x4e: {  	_ =	shalt  }
0x4f: {  	_ =	shalt  }
0x50: {  	_ =	shalt  }
0x51: {  	_ =	shalt  }
0x52: {  	_ =	shalt  }
0x53: {  	_ =	shalt  }
0x54: {  	_ =	shalt  }
0x55: {  	_ =	shalt  }
0x56: {  	_ =	shalt  }
0x57: {  	_ =	shalt  }
0x58: {  	_ =	shalt  }
0x59: {  	_ =	shalt  }
0x5a: {  	_ =	shalt  }
0x5b: {  	_ =	shalt  }
0x5c: {  	_ =	shalt  }
0x5d: {  	_ =	shalt  }
0x5e: {  	_ =	shalt  }
0x5f: {  	_ =	shalt  }
0x60: {  	_ =	shalt  }
0x61: {  	_ =	shalt  }
0x62: {  	_ =	shalt  }
0x63: {  	_ =	shalt  }
0x64: {  	_ =	shalt  }
0x65: {  	_ =	shalt  }
0x66: {  	_ =	shalt  }
0x67: {  	_ =	shalt  }
0x68: {  	_ =	shalt  }
0x69: {  	_ =	shalt  }
0x6a: {  	_ =	shalt  }
0x6b: {  	_ =	shalt  }
0x6c: {  	_ =	shalt  }
0x6d: {  	_ =	shalt  }
0x6e: {  	_ =	shalt  }
0x6f: {  	_ =	shalt  }
0x70: {  	_ =	shalt  }
0x71: {  	_ =	shalt  }
0x72: {  	_ =	shalt  }
0x73: {  	_ =	shalt  }
0x74: {  	_ =	shalt  }
0x75: {  	_ =	shalt  }
0x76: {  	_ =	shalt  }
0x77: {  	_ =	shalt  }
0x78: {  	_ =	shalt  }
0x79: {  	_ =	shalt  }
0x7a: {  	_ =	shalt  }
0x7b: {  	_ =	shalt  }
0x7c: {  	_ =	shalt  }
0x7d: {  	_ =	shalt  }
0x7e: {  	_ =	shalt  }
0x7f: {  	_ =	shalt  }
0x80: {  	_ =	shalt  }
0x81: {  	_ =	shalt  }
0x82: {  	_ =	shalt  }
0x83: {  	_ =	shalt  }
0x84: {  	_ =	shalt  }
0x85: {  	_ =	shalt  }
0x86: {  	_ =	shalt  }
0x87: {  	_ =	shalt  }
.Lfunc_end0:
.L_simem_size_0:
called_computation_lowered:
.L_overlay_start_0:
0x88: {  	s2 =	sld [smem:$0x3FD9]  }
0x89: {  	s3 =	sld [smem:$0x3FFE];
	_ =	sdelay $0x1  }
0x8a: {  	s1 =	srdreg.scid  }
0x8b: {  	s0 =	sand.u32 $0x1, s1  }
0x8c: {  	s16 =	sshll.u32 s0, $0xA;
	s2 =	sadd.s32 s3, s2  }
0x8d: {  	s2 =	sadd.s32 s2, s16  }
0x8e: {  	[smem:$0x3F9D] =	sst s2  }
0x8f: {  	_ = 	snop  }
0x90: {  	(tm) =	ssettm $0x1  }
0x91: {  	s17 =	sld [smem:$0x3FFB];
	_ =	sdelay $0x3  }
0x92: {  	_ =	strace s17  }
0x93: {  	s2 =	sld [smem:$0x3FFC];
	_ =	sdelay $0x3  }
0x94: {  	_ =	strace s2  }
0x95: {  	s2 =	sld [smem:$0x3FFD];
	_ =	sdelay $0x3  }
0x96: {  	_ =	strace s2  }
0x97: {  	_ =	strace $0x8FFFFFFF  }
0x98: {  	s18 =	sld [smem:$0x3FDB];
	_ =	sdelay $0x1  }
0x99: {  	s19 =	simm.s32 $_scs_section_size  }
0x9a: {  	s4 =	simm.s32 $_size__tile_overlayer_lowered;
	s5 =	simm.s32 $_tile_overlayer_lowered  }
0x9b: {  	s22 =	simm.s32 $0x1BFF;
	s21 =	sshll.u32 s5, $0x1;
	s2 =	sadd.s32 s19, s18  }
0x9c: {  	s6 =	simm.s32 $0x0;
	s20 =	sshll.u32 s4, $0x1;
	s4 =	sadd.s32 s21, s2  }
0x9d: {  	[timem:s6], [sflag:s22] =	dma.local [hbm:s4], s20  }
0x9e: {  	_ =	swait.ge [sflag:s22], s20  }
0x9f: {  	s3 =	ssub.s32 $0x0, s20;
	[sflag:s22] =	ssyncset.done $0x0  }
0xa0: {  	[sflag:s22] =	ssyncadd.s32 s3;
	_ =	sdelay $0x1  }
0xa1: {  	s23 =	simm.s32 $0x1B8B  }
0xa2: {  	_ =	swait.ge [sflag:s23], $0x1  }
0xa3: {  	[sflag:s23] =	ssyncset.done $0x0  }
0xa4: {  	s25 =	simm.s32 $0x1B8E;
	s24 =	sld [smem:$0x3FFE];
	[sflag:s23] =	ssyncadd.s32 $0xFFFFFFFF  }
0xa5: {  	s26 =	simm.s32 $execute0_lowered;
	[smem:$0x3FD2] =	sst s25  }
0xa6: {  	s4 =	sshll.u32 s26, $0x1;
	_ =	strace $0x80000046;
	[dreg:$0x1] =	wrdreg $0xFFFFFFFF  }
0xa7: {  	s28 =	simm.s32 $_size_execute0_lowered;
	s2 =	sadd.s32 s2, s4;
	[dreg:$0x0] =	wrdreg $0x0  }
0xa8: {  	s4 =	sshll.u32 s28, $0x1;
	[dreg:$0x2] =	wrdreg s2  }
0xa9: {  	[dreg:$0x3] =	wrdreg s4  }
0xaa: {  	[dreg:$0x4] =	wrdreg $0xC0  }
0xab: {  	_ =	task [dreg:s6], $0x5FFFF  }
0xac: {  	[dreg:$0x1] =	wrdreg $0xFFFFFFFF  }
0xad: {  	[dreg:$0x0] =	wrdreg $0x60  }
0xae: {  	[dreg:$0x2] =	wrdreg s24  }
0xaf: {  	[dreg:$0x3] =	wrdreg $0x9  }
0xb0: {  	_ =	task.clear_ibuf [dreg:s6], $0x4FFFF;
	_ =	strace $0x90000046  }
0xb1: {  	s29 =	simm.s32 $0x9;
	_ =	strace $0x80000048  }
0xb2: {  	_ =	swait.ge [sflag:s29], $0x1  }
0xb3: {  	[sflag:s29] =	ssyncadd.s32 $0xFFFFFFFF  }
0xb4: {  	_ =	strace $0x90000048  }
0xb5: {  	_ =	sfence  }
0xb6: {  	s30 =	sld [smem:$0x0];
	_ =	sdelay $0x2  }
0xb7: {  	s31 =	sshll.u32 s1, $0xD;
	s1 =	sshrl.u32 s1, $0x2  }
0xb8: {  	s3 =	sand.u32 $0x4000, s31;
	s1 =	sadd.s32 s1, s30  }
0xb9: {  	s0 =	sor.u32 s3, s0;
	s1 =	sshll.u32 s1, $0x11  }
0xba: {  	s0 =	sor.u32 s1, s0  }
0xbb: {  	s0 =	sadd.s32 $0x8F2B, s0  }
0xbc: {  	[sflag:s0] =	ssyncadd.remote.s32 $0x1  }
0xbd: {  	_ =	sfence.sel $0xFFFF  }
0xbe: {  	[dreg:$0x0] =	wrdreg $0xFFFFFFFF;
	(pc) =	sbr.abs _section_cstart, $3  }
0xbf: {  	[dreg:$0x1] =	wrdreg $0xFFFFFFFF  }
0xc0: {  	_ =	task.clear_ibuf [dreg:s6], $0x2FFFF;
	_ =	strace $0x9FFFFFFF  }
0xc1: {  	(tm) =	ssettm $0x7FFFFFFF  }
tec
execute0_lowered:
.L_overlay_start_1:
0x0: {  	(tag) =	ssettag $0x1  }
0x1: {  	s4 =	rddreg [dreg:$0x0]  }
0x2: {  	s0 =	rddreg [dreg:$0x1];
	s2 =	simm.s32 $0x0;
	s5 =	srdreg.scid  }
0x3: {  	s1 =	stileid.u32;
	s10 =	simm.s32 $0x0;
	[smem:$0x7FF] =	sst s2  }
0x4: {  	s3 =	sadd.s32 $0x86C00, s4;
	s5 =	sand.u32 $0x1, s5;
	s6 =	sshll.u32 s1, $0xE  }
0x5: {  	s8 =	smul.u32 $0x18000, s1;
	_ =	strace $0x80000047;
	s7 =	sshll.u32 s5, $0xD  }
0x6: {  	s9 =	ssub.s32 $0x2, s5;
	s5 =	smul.u32 $0xC000, s5;
	s6 =	sor.u32 s7, s6  }
0x7: {  	s30 =	sshrl.u32 s9, $0x1;
	s8 =	sadd.s32 s8, s4;
	s6 =	sshrl.u32 s6, $0x3  }
0x8: {  	s7 =	ssub.s32 s9, s30;
	s31 =	sadd.s32 s5, s8;
	s8 =	simm.s32 $0x400  }
0x9: {  	s9 =	simm.s32 $0x1;
	s6 =	sadd.s32 s6, s4;
	s4 =	smax.u32 s7, $0x1  }
0xa: {  	s7 =	simm.s32 $0x2;
	s5 =	sadd.s32 $0x9EC00, s6;
	s6 =	sadd.s32 $0xA6C00, s31  }
.LBB2_1:
0xb: {  	s11 =	sadd.s32 $0x0, s5  }
0xc: {  	[tilespmem:s2], [sflag:$0x2] =	stream.linear.gather [hbm4b:s11+s2], $0x400, $0x38;
	[tilespmem:$0xC400] =	vst v63  }
0xd: {  	_ =	swait.ge [sflag:s7], $0x400  }
0xe: {  	[sflag:s7] =	ssyncset.done $0x0  }
0xf: {  	[sflag:s7] =	ssyncadd.s32 $0xFFFFFC00  }
0x10: {  	[tilespmem:s8], [sflag:$0x1] =	stream.indirect.gather [hbm4b:s3+s8], $0x30, s2, s8, $0xb8;
	[tilespmem:$0xC400] =	vst v63  }
0x11: {  	_ =	swait.ge [sflag:s9], $0xC000  }
0x12: {  	[sflag:s9] =	ssyncset.done $0x0  }
0x13: {  	[sflag:s9] =	ssyncadd.s32 $0xFFFF4000  }
0x14: {  	[hbm4b:s6+s2] =	stream.linear.scatter [tilespmem:s8], [sflag:$0x2], $0xC000, $0x38;
	[tilespmem:$0xC400] =	vst v63  }
0x15: {  	s12 =	simm.s32 $0x80;
	_ =	swait.ge [sflag:s7], $0xC000  }
0x16: {  	s13 =	simm.s32 $0x100;
	s11 =	sadd.s32 $0x1800, s6;
	[sflag:s7] =	ssyncset.done $0x0  }
.LBB2_2:
0x17: {  	s14 =	sadd.s32 s12, s5  }
0x18: {  	[sflag:s7] =	ssyncadd.s32 $0xFFFF4000;
	s12 =	smov.u32 s13;
	s15 =	sadd.s32 $0x80, s13  }
0x19: {  	[tilespmem:s2], [sflag:$0x2] =	stream.linear.gather [hbm4b:s14+s2], $0x400, $0x38;
	[tilespmem:$0xC400] =	vst v63  }
0x1a: {  	p0 =	sne.s32 s13, $0x380;
	_ =	swait.ge [sflag:s7], $0x400  }
0x1b: {  	[sflag:s7] =	ssyncset.done $0x0  }
0x1c: {  	[sflag:s7] =	ssyncadd.s32 $0xFFFFFC00  }
0x1d: {  	[tilespmem:s8], [sflag:$0x1] =	stream.indirect.gather [hbm4b:s3+s8], $0x30, s2, s8, $0xb8;
	[tilespmem:$0xC400] =	vst v63  }
0x1e: {  	_ =	swait.ge [sflag:s9], $0xC000  }
.Ltmp0:
0x1f: {  	[sflag:s9] =	ssyncset.done $0x0;
	(pc) =	sbr.rel @p0 .LBB2_2-.Ltmp0, $4  }
0x20: {  	[sflag:s9] =	ssyncadd.s32 $0xFFFF4000  }
0x21: {  	[hbm4b:s11+s2] =	stream.linear.scatter [tilespmem:s8], [sflag:$0x2], $0xC000, $0x38;
	[tilespmem:$0xC400] =	vst v63  }
0x22: {  	_ =	swait.ge [sflag:s7], $0xC000  }
0x23: {  	s13 =	smov.u32 s15;
	s11 =	sadd.s32 $0x1800, s11;
	[sflag:s7] =	ssyncset.done $0x0  }
0x24: {  	s12 =	sadd.s32 s12, s5;
	[sflag:s7] =	ssyncadd.s32 $0xFFFF4000  }
0x25: {  	[tilespmem:s2], [sflag:$0x2] =	stream.linear.gather [hbm4b:s12+s2], $0x400, $0x38;
	[tilespmem:$0xC400] =	vst v63  }
0x26: {  	_ =	swait.ge [sflag:s7], $0x400  }
0x27: {  	[sflag:s7] =	ssyncset.done $0x0  }
0x28: {  	[sflag:s7] =	ssyncadd.s32 $0xFFFFFC00  }
0x29: {  	[tilespmem:s8], [sflag:$0x1] =	stream.indirect.gather [hbm4b:s3+s8], $0x30, s2, s8, $0xb8;
	[tilespmem:$0xC400] =	vst v63  }
0x2a: {  	s10 =	sadd.s32 $0x1, s10;
	_ =	swait.ge [sflag:s9], $0xC000  }
0x2b: {  	p0 =	sne.s32 s10, s4;
	[sflag:s9] =	ssyncset.done $0x0  }
.Ltmp1:
0x2c: {  	[sflag:s9] =	ssyncadd.s32 $0xFFFF4000;
	(pc) =	sbr.rel @p0 .LBB2_1-.Ltmp1, $4  }
0x2d: {  	[hbm4b:s11+s2] =	stream.linear.scatter [tilespmem:s8], [sflag:$0x2], $0xC000, $0x38;
	[tilespmem:$0xC400] =	vst v63  }
0x2e: {  	_ =	swait.ge [sflag:s7], $0xC000  }
0x2f: {  	[sflag:s7] =	ssyncset.done $0x0  }
0x30: {  	[sflag:s7] =	ssyncadd.s32 $0xFFFF4000  }
0x31: {  	_ =	sfence.sel $0x180000  }
0x32: {  	[bflag:$0x0] =	sbarrier.arrive $0xFFFF  }
0x33: {  	p0 =	sne.s32 s1, $0x0;
	_ =	strace $0x90000047  }
0x34: {  	s0 =	sadd.s32 @!p0 $0x100000, s0;
	[bflag:$0x2] =	sbarrier.arrive $0xFFFF  }
0x35: {  	[sflag:s0] =	ssyncadd.tile.s32 @!p0 $0x1;
	_ =	shalt  }
.Lfunc_end2:
_tile_overlayer_lowered:
.L_overlay_start_2:
0x36: {  	(tag) =	ssettag $0x2  }
0x37: {  	s0 =	rddreg [dreg:$0x0];
	s2 =	stileid.u32  }
0x38: {  	s1 =	rddreg [dreg:$0x1];
	p0 =	sne.s32 s2, $0x0  }
0x39: {  	s3 =	rddreg [dreg:$0x2];
	[bflag:$0x3] =	sbarrier.arrive $0xFFFF;
	s2 =	simm.s32 @!p0 $0x1C02  }
0x3a: {  	[timem:s3], [sflag:s2] =	dma.local @!p0 [hbm:s0], s1  }
0x3b: {  	s0 =	simm.s32 @!p0 $0x2  }
0x3c: {  	_ =	swait.ge @!p0 [sflag:s0], s1  }
0x3d: {  	s1 =	ssub.s32 @!p0 $0x0, s1;
	[sflag:s0] =	ssyncset.done @!p0 $0x0  }
0x3e: {  	[sflag:s0] =	ssyncadd.s32 @!p0 s1  }
0x3f: {  	[bflag:$0x3] =	sbarrier.arrive $0xFFFF  }
0x40: {  	_ =	shalt  }

</sc_bundles>
